<compile_context>
chip_gen: v7x
topology: tpu7x:2x2x1
jax: 0.10.2.dev20260603
libtpu: 0.0.44.dev20260713+nightly
codegen_flags: <defaults>
</compile_context>

<pallas_src>
import jax
import jax.numpy as jnp
from jax import lax
from jax.experimental import pallas as pl
from jax.experimental.pallas import tpu as pltpu
from jax.experimental.pallas import tpu_sc as plsc

B, L = 4096, 200
D = 64
N = B * L
NC, NS = 2, 16
NW = NC * NS
BT = B // NW
NL = 2
ITERS = L // NL
ROWS_IDX = N // BT


def _prep_kernel(type_ref, hyp_ref, pos_ref, typ_ids_ref, hyp_ids_ref,
                 pos_ids_ref, comb_ref, cidx_ref):
  comb_ref[...] = (
      type_ref[...][:, None, None, :]
      + hyp_ref[...][None, :, None, :]
      + pos_ref[...][None, None, :, :]
  )
  cidx_ref[...] = (
      typ_ids_ref[...] * 1024 + hyp_ids_ref[...] * 512 + pos_ids_ref[...]
  )


def _sc_body(tok_hbm, cidx_hbm, emb_hbm, comb_hbm, out_hbm,
             tok_v, cidx_v, emb_rows, comb_rows, brick,
             semg0, semg1, semo0, semo1):
  w = lax.axis_index("s") * NC + lax.axis_index("c")
  semg = (semg0, semg1)
  semo = (semo0, semo1)

  lane = lax.iota(jnp.int32, 16)
  dts = [(g * 16 + lane) >> 3 for g in range(D // 16)]
  dss = [(g * 16 + lane) & 7 for g in range(D // 16)]

  def issue_gathers(i, b):
    pltpu.sync_copy(tok_hbm.at[pl.ds(i * NL, NL), w], tok_v.at[b])
    pltpu.sync_copy(cidx_hbm.at[pl.ds(i * NL, NL), w], cidx_v.at[b])
    for k in range(NL):
      pltpu.async_copy(emb_hbm.at[tok_v.at[b, k]],
                       emb_rows.at[b, k], semg[b])
      pltpu.async_copy(comb_hbm.at[cidx_v.at[b, k]],
                       comb_rows.at[b, k], semg[b])

  def wait_gathers(i, b):
    for k in range(NL):
      pltpu.make_async_copy(emb_hbm.at[tok_v.at[b, k]],
                            emb_rows.at[b, k], semg[b]).wait()
      pltpu.make_async_copy(comb_hbm.at[cidx_v.at[b, k]],
                            comb_rows.at[b, k], semg[b]).wait()

  def store(i, b, k):
    return pltpu.make_async_copy(brick.at[b, k, :, :, pl.ds(0, BT)],
                                 out_hbm.at[i * NL + k, :, w], semo[b])

  issue_gathers(0, 0)

  def body(g2, carry):
    for b in range(2):
      i = g2 * 2 + b

      @pl.when(i < ITERS - 1)
      def _():
        issue_gathers(i + 1, 1 - b)

      wait_gathers(i, b)

      @pl.when(i >= 2)
      def _():
        for k in range(NL):
          store(i - 2, b, k).wait()

      for k in range(NL):
        def add_tok(c, carry2):
          blv = jnp.full((16,), c, jnp.int32)
          for gg in range(D // 16):
            sl = pl.ds(gg * 16, 16)
            v = emb_rows[b, k, c, sl] + comb_rows[b, k, c, sl]
            plsc.store_scatter(brick.at[b, k], [dts[gg], dss[gg], blv], v)
          return carry2

        lax.fori_loop(0, BT, add_tok, 0, unroll=2)
      for k in range(NL):
        store(i, b, k).start()
    return carry

  lax.fori_loop(0, ITERS // 2, body, 0)
  for k in range(NL):
    store(ITERS - 2, 0, k).wait()
    store(ITERS - 1, 1, k).wait()


def kernel(input_ids, token_type_ids, position_ids, if_hyp_ids,
           embed_table, type_table, pos_table, hyp_table):
  tok = input_ids.astype(jnp.int32).T.reshape(L, NW, BT)
  typ = token_type_ids.astype(jnp.int32).T.reshape(ROWS_IDX, BT)
  pos = position_ids.astype(jnp.int32).T.reshape(ROWS_IDX, BT)
  hyp = if_hyp_ids.astype(jnp.int32).T.reshape(ROWS_IDX, BT)

  comb4, cidx = pl.pallas_call(
      _prep_kernel,
      out_shape=(
          jax.ShapeDtypeStruct((2, 2, 512, D), jnp.float32),
          jax.ShapeDtypeStruct((ROWS_IDX, BT), jnp.int32),
      ),
  )(type_table, hyp_table, pos_table, typ, hyp, pos)
  comb = comb4.reshape(2 * 2 * 512, D)

  mesh = plsc.VectorSubcoreMesh(core_axis_name="c", subcore_axis_name="s")
  sc = pl.kernel(
      _sc_body,
      out_type=jax.ShapeDtypeStruct((L, D // 8, NW, 8, BT), jnp.float32),
      mesh=mesh,
      compiler_params=pltpu.CompilerParams(use_tc_tiling_on_sc=False,
                                           needs_layout_passes=False),
      scratch_types=[
          pltpu.VMEM((2, NL, BT), jnp.int32),
          pltpu.VMEM((2, NL, BT), jnp.int32),
          pltpu.VMEM((2, NL, BT, D), jnp.float32),
          pltpu.VMEM((2, NL, BT, D), jnp.float32),
          pltpu.VMEM((2, NL, D // 8, 8, BT + 1), jnp.float32),
          pltpu.SemaphoreType.DMA,
          pltpu.SemaphoreType.DMA,
          pltpu.SemaphoreType.DMA,
          pltpu.SemaphoreType.DMA,
      ],
  )
  out_p = sc(tok, cidx.reshape(L, NW, BT), embed_table, comb)
  return out_p.transpose(2, 4, 0, 1, 3).reshape(B, L, D)

# --- scband reference (transcript-rebuilt; emitter-appended) ---
"""Pipeline reference for scband-encoder-base-33285996544709 (READ-ONLY COPY).

The authoritative reference and input builder live on the scoring server;
editing this copy changes nothing except your own understanding.
"""

import jax, jax.numpy as jnp
import numpy as np

VOCAB = 100000
TYPE_VOCAB = 2
EMBED_DIM = 64
MAX_POS = 512
B, L = 4096, 200


def setup_inputs(seed: int = 0) -> dict:
    key = jax.random.key(seed)
    k1, k2, k3, k4, k5, k6, k7, k8 = jax.random.split(key, 8)
    input_ids = jax.random.randint(k1, (B, L), 0, VOCAB, dtype=jnp.int64 if jax.config.jax_enable_x64 else jnp.int32)
    token_type_ids = jax.random.randint(k2, (B, L), 0, TYPE_VOCAB, dtype=input_ids.dtype)
    position_ids = jax.random.randint(k3, (B, L), 0, MAX_POS, dtype=input_ids.dtype)
    if_hyp_ids = jax.random.randint(k4, (B, L), 0, 2, dtype=input_ids.dtype)
    embed_table = jax.random.normal(k5, (VOCAB, EMBED_DIM), dtype=jnp.float32) * 0.02
    type_table = jax.random.normal(k6, (TYPE_VOCAB, EMBED_DIM), dtype=jnp.float32) * 0.02
    pos_table = jax.random.normal(k7, (MAX_POS, EMBED_DIM), dtype=jnp.float32) * 0.02
    hyp_table = jax.random.normal(k8, (2, EMBED_DIM), dtype=jnp.float32) * 0.02
    return {
        "input_ids": input_ids,
        "token_type_ids": token_type_ids,
        "position_ids": position_ids,
        "if_hyp_ids": if_hyp_ids,
        "embed_table": embed_table,
        "type_table": type_table,
        "pos_table": pos_table,
        "hyp_table": hyp_table,
    }


def reference(input_ids, token_type_ids, position_ids, if_hyp_ids, embed_table, type_table, pos_table, hyp_table):
    # encoder_base forward: sum of token/type/position/if_hyp embeddings, then dropout (p=0 -> identity)
    tok = jnp.take(embed_table, input_ids, axis=0)
    typ = jnp.take(type_table, token_type_ids, axis=0)
    pos = jnp.take(pos_table, position_ids, axis=0)
    hyp = jnp.take(hyp_table, if_hyp_ids, axis=0)
    out = tok + typ + pos + hyp
    return out

if __name__ == "__main__":
    import jax
    _d = setup_inputs()
    print(jax.jit(kernel)(*tuple(_d.values())))

</pallas_src>

<mosaic_0001>
#map = affine_map<(d0, d1) -> (0, 0, 0)>
#map1 = affine_map<(d0, d1) -> (0, 0)>
#map2 = affine_map<(d0, d1) -> (0, 0, 0, 0, 0)>
module attributes {stable_mosaic.version = 14 : i64} {
  func.func @_sc_body(%arg0: i32, %arg1: i32, %arg2: memref<200x32x128xi32, #tpu.memory_space<hbm>>, %arg3: memref<200x32x128xi32, #tpu.memory_space<hbm>>, %arg4: memref<100000x64xf32, #tpu.memory_space<hbm>>, %arg5: memref<2048x64xf32, #tpu.memory_space<hbm>>, %arg6: memref<200x8x32x8x128xf32, #tpu.memory_space<hbm>>, %arg7: memref<2x2x128xi32, #tpu.memory_space<vmem>>, %arg8: memref<2x2x128xi32, #tpu.memory_space<vmem>>, %arg9: memref<2x2x128x64xf32, #tpu.memory_space<vmem>>, %arg10: memref<2x2x128x64xf32, #tpu.memory_space<vmem>>, %arg11: memref<2x2x8x8x129xf32, #tpu.memory_space<vmem>>, %arg12: memref<!tpu.dma_semaphore, #tpu.memory_space<semaphore_mem>>, %arg13: memref<!tpu.dma_semaphore, #tpu.memory_space<semaphore_mem>>, %arg14: memref<!tpu.dma_semaphore, #tpu.memory_space<semaphore_mem>>, %arg15: memref<!tpu.dma_semaphore, #tpu.memory_space<semaphore_mem>>) attributes {dimension_semantics = [#tpu.dimension_semantics<core_parallel>, #tpu.dimension_semantics<subcore_parallel>], iteration_bounds = array<i64: 2, 16>, scalar_prefetch = 0 : i64, scratch_operands = 9 : i64, tpu.core_type = #tpu.core_type<sc_vector_subcore>, window_params = [{transform_indices = #map}, {transform_indices = #map}, {transform_indices = #map1}, {transform_indices = #map1}, {transform_indices = #map2}]} {
    %mul3A = arith.constant 2 : i32
    %mul3A_0 = arith.muli %arg1, %mul3A : i32
    %add3A = arith.addi %mul3A_0, %arg0 : i32
    %iota3A = tpu.iota {dimensions = array<i32: 0>} : vector<16xi32>
    %add3A_1 = arith.constant 0 : i32
    %add3A_2 = vector.broadcast %add3A_1 : i32 to vector<16xi32>
    %add3A_3 = arith.addi %add3A_2, %iota3A : vector<16xi32>
    %shift_right_arithmetic3A = arith.constant 3 : i32
    %shift_right_arithmetic3A_4 = vector.broadcast %shift_right_arithmetic3A : i32 to vector<16xi32>
    %shift_right_arithmetic3A_5 = arith.shrsi %add3A_3, %shift_right_arithmetic3A_4 : vector<16xi32>
    %add3A_6 = arith.constant 16 : i32
    %add3A_7 = vector.broadcast %add3A_6 : i32 to vector<16xi32>
    %add3A_8 = arith.addi %add3A_7, %iota3A : vector<16xi32>
    %shift_right_arithmetic3A_9 = arith.constant 3 : i32
    %shift_right_arithmetic3A_10 = vector.broadcast %shift_right_arithmetic3A_9 : i32 to vector<16xi32>
    %shift_right_arithmetic3A_11 = arith.shrsi %add3A_8, %shift_right_arithmetic3A_10 : vector<16xi32>
    %add3A_12 = arith.constant 32 : i32
    %add3A_13 = vector.broadcast %add3A_12 : i32 to vector<16xi32>
    %add3A_14 = arith.addi %add3A_13, %iota3A : vector<16xi32>
    %shift_right_arithmetic3A_15 = arith.constant 3 : i32
    %shift_right_arithmetic3A_16 = vector.broadcast %shift_right_arithmetic3A_15 : i32 to vector<16xi32>
    %shift_right_arithmetic3A_17 = arith.shrsi %add3A_14, %shift_right_arithmetic3A_16 : vector<16xi32>
    %add3A_18 = arith.constant 48 : i32
    %add3A_19 = vector.broadcast %add3A_18 : i32 to vector<16xi32>
    %add3A_20 = arith.addi %add3A_19, %iota3A : vector<16xi32>
    %shift_right_arithmetic3A_21 = arith.constant 3 : i32
    %shift_right_arithmetic3A_22 = vector.broadcast %shift_right_arithmetic3A_21 : i32 to vector<16xi32>
    %shift_right_arithmetic3A_23 = arith.shrsi %add3A_20, %shift_right_arithmetic3A_22 : vector<16xi32>
    %add3A_24 = arith.constant 0 : i32
    %add3A_25 = vector.broadcast %add3A_24 : i32 to vector<16xi32>
    %add3A_26 = arith.addi %add3A_25, %iota3A : vector<16xi32>
    %and3A = arith.constant 7 : i32
    %and3A_27 = vector.broadcast %and3A : i32 to vector<16xi32>
    %and3A_28 = arith.andi %add3A_26, %and3A_27 : vector<16xi32>
    %add3A_29 = arith.constant 16 : i32
    %add3A_30 = vector.broadcast %add3A_29 : i32 to vector<16xi32>
    %add3A_31 = arith.addi %add3A_30, %iota3A : vector<16xi32>
    %and3A_32 = arith.constant 7 : i32
    %and3A_33 = vector.broadcast %and3A_32 : i32 to vector<16xi32>
    %and3A_34 = arith.andi %add3A_31, %and3A_33 : vector<16xi32>
    %add3A_35 = arith.constant 32 : i32
    %add3A_36 = vector.broadcast %add3A_35 : i32 to vector<16xi32>
    %add3A_37 = arith.addi %add3A_36, %iota3A : vector<16xi32>
    %and3A_38 = arith.constant 7 : i32
    %and3A_39 = vector.broadcast %and3A_38 : i32 to vector<16xi32>
    %and3A_40 = arith.andi %add3A_37, %and3A_39 : vector<16xi32>
    %add3A_41 = arith.constant 48 : i32
    %add3A_42 = vector.broadcast %add3A_41 : i32 to vector<16xi32>
    %add3A_43 = arith.addi %add3A_42, %iota3A : vector<16xi32>
    %and3A_44 = arith.constant 7 : i32
    %and3A_45 = vector.broadcast %and3A_44 : i32 to vector<16xi32>
    %and3A_46 = arith.andi %add3A_43, %and3A_45 : vector<16xi32>
    %run_scoped3A = arith.constant 0 : i32
    "tpu.region"() ({
      %run_scoped3A_199 = tpu.sem_alloc : memref<!tpu.dma_semaphore, #tpu.memory_space<semaphore_mem>>
      %dma_start3A_200 = arith.constant 0 : i32
      %dma_start3A_201 = arith.constant 0 : i32
      %dma_start3A_202 = tpu.memref_slice %arg7[%run_scoped3A, %dma_start3A_200, %dma_start3A_201] : memref<2x2x128xi32, #tpu.memory_space<vmem>> -> memref<1x2x128xi32, #tpu.memory_space<vmem>>
      %dma_start3A_203 = tpu.memref_squeeze %dma_start3A_202 : memref<1x2x128xi32, #tpu.memory_space<vmem>> -> memref<2x128xi32, #tpu.memory_space<vmem>>
      %dma_start3A_204 = arith.constant 0 : i32
      %dma_start3A_205 = arith.constant 0 : i32
      %dma_start3A_206 = tpu.memref_slice %arg2[%dma_start3A_204, %add3A, %dma_start3A_205] : memref<200x32x128xi32, #tpu.memory_space<hbm>> -> memref<2x1x128xi32, #tpu.memory_space<hbm>>
      %dma_start3A_207 = tpu.memref_squeeze %dma_start3A_206 : memref<2x1x128xi32, #tpu.memory_space<hbm>> -> memref<2x128xi32, #tpu.memory_space<hbm>>
      %dma_start3A_208 = arith.constant 0 : i32
      %dma_start3A_209 = arith.constant 0 : i32
      %dma_start3A_210 = tpu.memref_slice %arg7[%run_scoped3A, %dma_start3A_208, %dma_start3A_209] : memref<2x2x128xi32, #tpu.memory_space<vmem>> -> memref<1x2x128xi32, #tpu.memory_space<vmem>>
      %dma_start3A_211 = tpu.memref_squeeze %dma_start3A_210 : memref<1x2x128xi32, #tpu.memory_space<vmem>> -> memref<2x128xi32, #tpu.memory_space<vmem>>
      %dma_start3A_212 = arith.constant 0 : i32
      %dma_start3A_213 = arith.constant 0 : i32
      %dma_start3A_214 = tpu.memref_slice %arg2[%dma_start3A_212, %add3A, %dma_start3A_213] : memref<200x32x128xi32, #tpu.memory_space<hbm>> -> memref<2x1x128xi32, #tpu.memory_space<hbm>>
      %dma_start3A_215 = tpu.memref_squeeze %dma_start3A_214 : memref<2x1x128xi32, #tpu.memory_space<hbm>> -> memref<2x128xi32, #tpu.memory_space<hbm>>
      tpu.enqueue_dma source(%dma_start3A_215 : memref<2x128xi32, #tpu.memory_space<hbm>>) target(%dma_start3A_211 : memref<2x128xi32, #tpu.memory_space<vmem>>) target_semaphore(%run_scoped3A_199 : memref<!tpu.dma_semaphore, #tpu.memory_space<semaphore_mem>>)
      %dma_wait3A_216 = arith.constant 0 : i32
      %dma_wait3A_217 = arith.constant 0 : i32
      %dma_wait3A_218 = tpu.memref_slice %arg7[%run_scoped3A, %dma_wait3A_216, %dma_wait3A_217] : memref<2x2x128xi32, #tpu.memory_space<vmem>> -> memref<1x2x128xi32, #tpu.memory_space<vmem>>
      %dma_wait3A_219 = tpu.memref_squeeze %dma_wait3A_218 : memref<1x2x128xi32, #tpu.memory_space<vmem>> -> memref<2x128xi32, #tpu.memory_space<vmem>>
      %dma_wait3A_220 = arith.constant 0 : i32
      %dma_wait3A_221 = arith.constant 0 : i32
      %dma_wait3A_222 = tpu.memref_slice %arg2[%dma_wait3A_220, %add3A, %dma_wait3A_221] : memref<200x32x128xi32, #tpu.memory_space<hbm>> -> memref<2x1x128xi32, #tpu.memory_space<hbm>>
      %dma_wait3A_223 = tpu.memref_squeeze %dma_wait3A_222 : memref<2x1x128xi32, #tpu.memory_space<hbm>> -> memref<2x128xi32, #tpu.memory_space<hbm>>
      %dma_wait3A_224 = arith.constant 0 : i32
      %dma_wait3A_225 = arith.constant 0 : i32
      %dma_wait3A_226 = tpu.memref_slice %arg7[%run_scoped3A, %dma_wait3A_224, %dma_wait3A_225] : memref<2x2x128xi32, #tpu.memory_space<vmem>> -> memref<1x2x128xi32, #tpu.memory_space<vmem>>
      %dma_wait3A_227 = tpu.memref_squeeze %dma_wait3A_226 : memref<1x2x128xi32, #tpu.memory_space<vmem>> -> memref<2x128xi32, #tpu.memory_space<vmem>>
      %dma_wait3A_228 = arith.constant 0 : i32
      %dma_wait3A_229 = arith.constant 0 : i32
      %dma_wait3A_230 = tpu.memref_slice %arg2[%dma_wait3A_228, %add3A, %dma_wait3A_229] : memref<200x32x128xi32, #tpu.memory_space<hbm>> -> memref<2x1x128xi32, #tpu.memory_space<hbm>>
      %dma_wait3A_231 = tpu.memref_squeeze %dma_wait3A_230 : memref<2x1x128xi32, #tpu.memory_space<hbm>> -> memref<2x128xi32, #tpu.memory_space<hbm>>
      tpu.wait_dma2 semaphore(%run_scoped3A_199 : memref<!tpu.dma_semaphore, #tpu.memory_space<semaphore_mem>>) src(%dma_wait3A_231 : memref<2x128xi32, #tpu.memory_space<hbm>>) dst(%dma_wait3A_227 : memref<2x128xi32, #tpu.memory_space<vmem>>)
      tpu.yield
    }) : () -> ()
    %run_scoped3A_47 = arith.constant 0 : i32
    "tpu.region"() ({
      %run_scoped3A_199 = tpu.sem_alloc : memref<!tpu.dma_semaphore, #tpu.memory_space<semaphore_mem>>
      %dma_start3A_200 = arith.constant 0 : i32
      %dma_start3A_201 = arith.constant 0 : i32
      %dma_start3A_202 = tpu.memref_slice %arg8[%run_scoped3A_47, %dma_start3A_200, %dma_start3A_201] : memref<2x2x128xi32, #tpu.memory_space<vmem>> -> memref<1x2x128xi32, #tpu.memory_space<vmem>>
      %dma_start3A_203 = tpu.memref_squeeze %dma_start3A_202 : memref<1x2x128xi32, #tpu.memory_space<vmem>> -> memref<2x128xi32, #tpu.memory_space<vmem>>
      %dma_start3A_204 = arith.constant 0 : i32
      %dma_start3A_205 = arith.constant 0 : i32
      %dma_start3A_206 = tpu.memref_slice %arg3[%dma_start3A_204, %add3A, %dma_start3A_205] : memref<200x32x128xi32, #tpu.memory_space<hbm>> -> memref<2x1x128xi32, #tpu.memory_space<hbm>>
      %dma_start3A_207 = tpu.memref_squeeze %dma_start3A_206 : memref<2x1x128xi32, #tpu.memory_space<hbm>> -> memref<2x128xi32, #tpu.memory_space<hbm>>
      %dma_start3A_208 = arith.constant 0 : i32
      %dma_start3A_209 = arith.constant 0 : i32
      %dma_start3A_210 = tpu.memref_slice %arg8[%run_scoped3A_47, %dma_start3A_208, %dma_start3A_209] : memref<2x2x128xi32, #tpu.memory_space<vmem>> -> memref<1x2x128xi32, #tpu.memory_space<vmem>>
      %dma_start3A_211 = tpu.memref_squeeze %dma_start3A_210 : memref<1x2x128xi32, #tpu.memory_space<vmem>> -> memref<2x128xi32, #tpu.memory_space<vmem>>
      %dma_start3A_212 = arith.constant 0 : i32
      %dma_start3A_213 = arith.constant 0 : i32
      %dma_start3A_214 = tpu.memref_slice %arg3[%dma_start3A_212, %add3A, %dma_start3A_213] : memref<200x32x128xi32, #tpu.memory_space<hbm>> -> memref<2x1x128xi32, #tpu.memory_space<hbm>>
      %dma_start3A_215 = tpu.memref_squeeze %dma_start3A_214 : memref<2x1x128xi32, #tpu.memory_space<hbm>> -> memref<2x128xi32, #tpu.memory_space<hbm>>
      tpu.enqueue_dma source(%dma_start3A_215 : memref<2x128xi32, #tpu.memory_space<hbm>>) target(%dma_start3A_211 : memref<2x128xi32, #tpu.memory_space<vmem>>) target_semaphore(%run_scoped3A_199 : memref<!tpu.dma_semaphore, #tpu.memory_space<semaphore_mem>>)
      %dma_wait3A_216 = arith.constant 0 : i32
      %dma_wait3A_217 = arith.constant 0 : i32
      %dma_wait3A_218 = tpu.memref_slice %arg8[%run_scoped3A_47, %dma_wait3A_216, %dma_wait3A_217] : memref<2x2x128xi32, #tpu.memory_space<vmem>> -> memref<1x2x128xi32, #tpu.memory_space<vmem>>
      %dma_wait3A_219 = tpu.memref_squeeze %dma_wait3A_218 : memref<1x2x128xi32, #tpu.memory_space<vmem>> -> memref<2x128xi32, #tpu.memory_space<vmem>>
      %dma_wait3A_220 = arith.constant 0 : i32
      %dma_wait3A_221 = arith.constant 0 : i32
      %dma_wait3A_222 = tpu.memref_slice %arg3[%dma_wait3A_220, %add3A, %dma_wait3A_221] : memref<200x32x128xi32, #tpu.memory_space<hbm>> -> memref<2x1x128xi32, #tpu.memory_space<hbm>>
      %dma_wait3A_223 = tpu.memref_squeeze %dma_wait3A_222 : memref<2x1x128xi32, #tpu.memory_space<hbm>> -> memref<2x128xi32, #tpu.memory_space<hbm>>
      %dma_wait3A_224 = arith.constant 0 : i32
      %dma_wait3A_225 = arith.constant 0 : i32
      %dma_wait3A_226 = tpu.memref_slice %arg8[%run_scoped3A_47, %dma_wait3A_224, %dma_wait3A_225] : memref<2x2x128xi32, #tpu.memory_space<vmem>> -> memref<1x2x128xi32, #tpu.memory_space<vmem>>
      %dma_wait3A_227 = tpu.memref_squeeze %dma_wait3A_226 : memref<1x2x128xi32, #tpu.memory_space<vmem>> -> memref<2x128xi32, #tpu.memory_space<vmem>>
      %dma_wait3A_228 = arith.constant 0 : i32
      %dma_wait3A_229 = arith.constant 0 : i32
      %dma_wait3A_230 = tpu.memref_slice %arg3[%dma_wait3A_228, %add3A, %dma_wait3A_229] : memref<200x32x128xi32, #tpu.memory_space<hbm>> -> memref<2x1x128xi32, #tpu.memory_space<hbm>>
      %dma_wait3A_231 = tpu.memref_squeeze %dma_wait3A_230 : memref<2x1x128xi32, #tpu.memory_space<hbm>> -> memref<2x128xi32, #tpu.memory_space<hbm>>
      tpu.wait_dma2 semaphore(%run_scoped3A_199 : memref<!tpu.dma_semaphore, #tpu.memory_space<semaphore_mem>>) src(%dma_wait3A_231 : memref<2x128xi32, #tpu.memory_space<hbm>>) dst(%dma_wait3A_227 : memref<2x128xi32, #tpu.memory_space<vmem>>)
      tpu.yield
    }) : () -> ()
    %dma_start3A = arith.constant 0 : i32
    %dma_start3A_48 = arith.constant 0 : i32
    %dma_start3A_49 = arith.constant 0 : i32
    %dma_start3A_50 = arith.constant 0 : i32
    %dma_start3A_51 = arith.constant 0 : i32
    %dma_start3A_52 = arith.constant 0 : i32
    %dma_start3A_53 = tpu.memref_slice %arg9[%dma_start3A_49, %dma_start3A_50, %dma_start3A_51, %dma_start3A_52] : memref<2x2x128x64xf32, #tpu.memory_space<vmem>> -> memref<1x1x128x64xf32, #tpu.memory_space<vmem>>
    %dma_start3A_54 = tpu.memref_squeeze %dma_start3A_53 : memref<1x1x128x64xf32, #tpu.memory_space<vmem>> -> memref<128x64xf32, #tpu.memory_space<vmem>>
    %dma_start3A_55 = arith.constant 0 : i32
    %dma_start3A_56 = tpu.memref_slice %arg7[%dma_start3A, %dma_start3A_48, %dma_start3A_55] : memref<2x2x128xi32, #tpu.memory_space<vmem>> -> memref<1x1x128xi32, #tpu.memory_space<vmem>>
    %dma_start3A_57 = tpu.memref_squeeze %dma_start3A_56 : memref<1x1x128xi32, #tpu.memory_space<vmem>> -> memref<128xi32, #tpu.memory_space<vmem>>
    %dma_start3A_58 = arith.constant 0 : i32
    %dma_start3A_59 = arith.constant 0 : i32
    %dma_start3A_60 = tpu.memref_slice %arg4[%dma_start3A_58, %dma_start3A_59] : memref<100000x64xf32, #tpu.memory_space<hbm>> -> memref<100000x64xf32, #tpu.memory_space<hbm>>
    tpu.enqueue_indirect_dma source(%dma_start3A_60 : memref<100000x64xf32, #tpu.memory_space<hbm>>) target(%dma_start3A_54 : memref<128x64xf32, #tpu.memory_space<vmem>>) offsets(%dma_start3A_57 : memref<128xi32, #tpu.memory_space<vmem>>) semaphore(%arg12 : memref<!tpu.dma_semaphore, #tpu.memory_space<semaphore_mem>>)
    %dma_start3A_61 = arith.constant 0 : i32
    %dma_start3A_62 = arith.constant 0 : i32
    %dma_start3A_63 = arith.constant 0 : i32
    %dma_start3A_64 = arith.constant 0 : i32
    %dma_start3A_65 = arith.constant 0 : i32
    %dma_start3A_66 = arith.constant 0 : i32
    %dma_start3A_67 = tpu.memref_slice %arg10[%dma_start3A_63, %dma_start3A_64, %dma_start3A_65, %dma_start3A_66] : memref<2x2x128x64xf32, #tpu.memory_space<vmem>> -> memref<1x1x128x64xf32, #tpu.memory_space<vmem>>
    %dma_start3A_68 = tpu.memref_squeeze %dma_start3A_67 : memref<1x1x128x64xf32, #tpu.memory_space<vmem>> -> memref<128x64xf32, #tpu.memory_space<vmem>>
    %dma_start3A_69 = arith.constant 0 : i32
    %dma_start3A_70 = tpu.memref_slice %arg8[%dma_start3A_61, %dma_start3A_62, %dma_start3A_69] : memref<2x2x128xi32, #tpu.memory_space<vmem>> -> memref<1x1x128xi32, #tpu.memory_space<vmem>>
    %dma_start3A_71 = tpu.memref_squeeze %dma_start3A_70 : memref<1x1x128xi32, #tpu.memory_space<vmem>> -> memref<128xi32, #tpu.memory_space<vmem>>
    %dma_start3A_72 = arith.constant 0 : i32
    %dma_start3A_73 = arith.constant 0 : i32
    %dma_start3A_74 = tpu.memref_slice %arg5[%dma_start3A_72, %dma_start3A_73] : memref<2048x64xf32, #tpu.memory_space<hbm>> -> memref<2048x64xf32, #tpu.memory_space<hbm>>
    tpu.enqueue_indirect_dma source(%dma_start3A_74 : memref<2048x64xf32, #tpu.memory_space<hbm>>) target(%dma_start3A_68 : memref<128x64xf32, #tpu.memory_space<vmem>>) offsets(%dma_start3A_71 : memref<128xi32, #tpu.memory_space<vmem>>) semaphore(%arg12 : memref<!tpu.dma_semaphore, #tpu.memory_space<semaphore_mem>>)
    %dma_start3A_75 = arith.constant 0 : i32
    %dma_start3A_76 = arith.constant 1 : i32
    %dma_start3A_77 = arith.constant 0 : i32
    %dma_start3A_78 = arith.constant 1 : i32
    %dma_start3A_79 = arith.constant 0 : i32
    %dma_start3A_80 = arith.constant 0 : i32
    %dma_start3A_81 = tpu.memref_slice %arg9[%dma_start3A_77, %dma_start3A_78, %dma_start3A_79, %dma_start3A_80] : memref<2x2x128x64xf32, #tpu.memory_space<vmem>> -> memref<1x1x128x64xf32, #tpu.memory_space<vmem>>
    %dma_start3A_82 = tpu.memref_squeeze %dma_start3A_81 : memref<1x1x128x64xf32, #tpu.memory_space<vmem>> -> memref<128x64xf32, #tpu.memory_space<vmem>>
    %dma_start3A_83 = arith.constant 0 : i32
    %dma_start3A_84 = tpu.memref_slice %arg7[%dma_start3A_75, %dma_start3A_76, %dma_start3A_83] : memref<2x2x128xi32, #tpu.memory_space<vmem>> -> memref<1x1x128xi32, #tpu.memory_space<vmem>>
    %dma_start3A_85 = tpu.memref_squeeze %dma_start3A_84 : memref<1x1x128xi32, #tpu.memory_space<vmem>> -> memref<128xi32, #tpu.memory_space<vmem>>
    %dma_start3A_86 = arith.constant 0 : i32
    %dma_start3A_87 = arith.constant 0 : i32
    %dma_start3A_88 = tpu.memref_slice %arg4[%dma_start3A_86, %dma_start3A_87] : memref<100000x64xf32, #tpu.memory_space<hbm>> -> memref<100000x64xf32, #tpu.memory_space<hbm>>
    tpu.enqueue_indirect_dma source(%dma_start3A_88 : memref<100000x64xf32, #tpu.memory_space<hbm>>) target(%dma_start3A_82 : memref<128x64xf32, #tpu.memory_space<vmem>>) offsets(%dma_start3A_85 : memref<128xi32, #tpu.memory_space<vmem>>) semaphore(%arg12 : memref<!tpu.dma_semaphore, #tpu.memory_space<semaphore_mem>>)
    %dma_start3A_89 = arith.constant 0 : i32
    %dma_start3A_90 = arith.constant 1 : i32
    %dma_start3A_91 = arith.constant 0 : i32
    %dma_start3A_92 = arith.constant 1 : i32
    %dma_start3A_93 = arith.constant 0 : i32
    %dma_start3A_94 = arith.constant 0 : i32
    %dma_start3A_95 = tpu.memref_slice %arg10[%dma_start3A_91, %dma_start3A_92, %dma_start3A_93, %dma_start3A_94] : memref<2x2x128x64xf32, #tpu.memory_space<vmem>> -> memref<1x1x128x64xf32, #tpu.memory_space<vmem>>
    %dma_start3A_96 = tpu.memref_squeeze %dma_start3A_95 : memref<1x1x128x64xf32, #tpu.memory_space<vmem>> -> memref<128x64xf32, #tpu.memory_space<vmem>>
    %dma_start3A_97 = arith.constant 0 : i32
    %dma_start3A_98 = tpu.memref_slice %arg8[%dma_start3A_89, %dma_start3A_90, %dma_start3A_97] : memref<2x2x128xi32, #tpu.memory_space<vmem>> -> memref<1x1x128xi32, #tpu.memory_space<vmem>>
    %dma_start3A_99 = tpu.memref_squeeze %dma_start3A_98 : memref<1x1x128xi32, #tpu.memory_space<vmem>> -> memref<128xi32, #tpu.memory_space<vmem>>
    %dma_start3A_100 = arith.constant 0 : i32
    %dma_start3A_101 = arith.constant 0 : i32
    %dma_start3A_102 = tpu.memref_slice %arg5[%dma_start3A_100, %dma_start3A_101] : memref<2048x64xf32, #tpu.memory_space<hbm>> -> memref<2048x64xf32, #tpu.memory_space<hbm>>
    tpu.enqueue_indirect_dma source(%dma_start3A_102 : memref<2048x64xf32, #tpu.memory_space<hbm>>) target(%dma_start3A_96 : memref<128x64xf32, #tpu.memory_space<vmem>>) offsets(%dma_start3A_99 : memref<128xi32, #tpu.memory_space<vmem>>) semaphore(%arg12 : memref<!tpu.dma_semaphore, #tpu.memory_space<semaphore_mem>>)
    %scan3A = arith.constant 0 : i32
    %scan3A_103 = arith.constant 0 : i32
    %scan3A_104 = arith.constant 50 : i32
    %scan3A_105 = arith.addi %scan3A_103, %scan3A_104 : i32
    %scan3A_106 = arith.constant 1 : i32
    scf.for %scan3A_199 = %scan3A_103 to %scan3A_105 step %scan3A_106  : i32 {
      %mul3A_200 = arith.constant 2 : i32
      %mul3A_201 = arith.muli %scan3A_199, %mul3A_200 : i32
      %add3A_202 = arith.constant 0 : i32
      %add3A_203 = arith.addi %mul3A_201, %add3A_202 : i32
      %lt3A = arith.constant 99 : i32
      %lt3A_204 = arith.cmpi slt, %add3A_203, %lt3A : i32
      %convert_element_type3A = arith.extui %lt3A_204 : i1 to i32
      %cond3A = arith.constant 0 : i32
      %cond3A_205 = arith.cmpi ne, %convert_element_type3A, %cond3A : i32
      scf.if %cond3A_205 {
        %add3A_464 = arith.constant 1 : i32
        %add3A_465 = arith.addi %add3A_203, %add3A_464 : i32
        %mul3A_466 = arith.constant 2 : i32
        %mul3A_467 = arith.muli %add3A_465, %mul3A_466 : i32
        %run_scoped3A_468 = arith.constant 1 : i32
        "tpu.region"() ({
          %run_scoped3A_528 = tpu.sem_alloc : memref<!tpu.dma_semaphore, #tpu.memory_space<semaphore_mem>>
          %dma_start3A_529 = arith.constant 0 : i32
          %dma_start3A_530 = arith.constant 0 : i32
          %dma_start3A_531 = tpu.memref_slice %arg7[%run_scoped3A_468, %dma_start3A_529, %dma_start3A_530] : memref<2x2x128xi32, #tpu.memory_space<vmem>> -> memref<1x2x128xi32, #tpu.memory_space<vmem>>
          %dma_start3A_532 = tpu.memref_squeeze %dma_start3A_531 : memref<1x2x128xi32, #tpu.memory_space<vmem>> -> memref<2x128xi32, #tpu.memory_space<vmem>>
          %dma_start3A_533 = arith.constant 0 : i32
          %dma_start3A_534 = tpu.memref_slice %arg2[%mul3A_467, %add3A, %dma_start3A_533] : memref<200x32x128xi32, #tpu.memory_space<hbm>> -> memref<2x1x128xi32, #tpu.memory_space<hbm>>
          %dma_start3A_535 = tpu.memref_squeeze %dma_start3A_534 : memref<2x1x128xi32, #tpu.memory_space<hbm>> -> memref<2x128xi32, #tpu.memory_space<hbm>>
          %dma_start3A_536 = arith.constant 0 : i32
          %dma_start3A_537 = arith.constant 0 : i32
          %dma_start3A_538 = tpu.memref_slice %arg7[%run_scoped3A_468, %dma_start3A_536, %dma_start3A_537] : memref<2x2x128xi32, #tpu.memory_space<vmem>> -> memref<1x2x128xi32, #tpu.memory_space<vmem>>
          %dma_start3A_539 = tpu.memref_squeeze %dma_start3A_538 : memref<1x2x128xi32, #tpu.memory_space<vmem>> -> memref<2x128xi32, #tpu.memory_space<vmem>>
          %dma_start3A_540 = arith.constant 0 : i32
          %dma_start3A_541 = tpu.memref_slice %arg2[%mul3A_467, %add3A, %dma_start3A_540] : memref<200x32x128xi32, #tpu.memory_space<hbm>> -> memref<2x1x128xi32, #tpu.memory_space<hbm>>
          %dma_start3A_542 = tpu.memref_squeeze %dma_start3A_541 : memref<2x1x128xi32, #tpu.memory_space<hbm>> -> memref<2x128xi32, #tpu.memory_space<hbm>>
          tpu.enqueue_dma source(%dma_start3A_542 : memref<2x128xi32, #tpu.memory_space<hbm>>) target(%dma_start3A_539 : memref<2x128xi32, #tpu.memory_space<vmem>>) target_semaphore(%run_scoped3A_528 : memref<!tpu.dma_semaphore, #tpu.memory_space<semaphore_mem>>)
          %dma_wait3A_543 = arith.constant 0 : i32
          %dma_wait3A_544 = arith.constant 0 : i32
          %dma_wait3A_545 = tpu.memref_slice %arg7[%run_scoped3A_468, %dma_wait3A_543, %dma_wait3A_544] : memref<2x2x128xi32, #tpu.memory_space<vmem>> -> memref<1x2x128xi32, #tpu.memory_space<vmem>>
          %dma_wait3A_546 = tpu.memref_squeeze %dma_wait3A_545 : memref<1x2x128xi32, #tpu.memory_space<vmem>> -> memref<2x128xi32, #tpu.memory_space<vmem>>
          %dma_wait3A_547 = arith.constant 0 : i32
          %dma_wait3A_548 = tpu.memref_slice %arg2[%mul3A_467, %add3A, %dma_wait3A_547] : memref<200x32x128xi32, #tpu.memory_space<hbm>> -> memref<2x1x128xi32, #tpu.memory_space<hbm>>
          %dma_wait3A_549 = tpu.memref_squeeze %dma_wait3A_548 : memref<2x1x128xi32, #tpu.memory_space<hbm>> -> memref<2x128xi32, #tpu.memory_space<hbm>>
          %dma_wait3A_550 = arith.constant 0 : i32
          %dma_wait3A_551 = arith.constant 0 : i32
          %dma_wait3A_552 = tpu.memref_slice %arg7[%run_scoped3A_468, %dma_wait3A_550, %dma_wait3A_551] : memref<2x2x128xi32, #tpu.memory_space<vmem>> -> memref<1x2x128xi32, #tpu.memory_space<vmem>>
          %dma_wait3A_553 = tpu.memref_squeeze %dma_wait3A_552 : memref<1x2x128xi32, #tpu.memory_space<vmem>> -> memref<2x128xi32, #tpu.memory_space<vmem>>
          %dma_wait3A_554 = arith.constant 0 : i32
          %dma_wait3A_555 = tpu.memref_slice %arg2[%mul3A_467, %add3A, %dma_wait3A_554] : memref<200x32x128xi32, #tpu.memory_space<hbm>> -> memref<2x1x128xi32, #tpu.memory_space<hbm>>
          %dma_wait3A_556 = tpu.memref_squeeze %dma_wait3A_555 : memref<2x1x128xi32, #tpu.memory_space<hbm>> -> memref<2x128xi32, #tpu.memory_space<hbm>>
          tpu.wait_dma2 semaphore(%run_scoped3A_528 : memref<!tpu.dma_semaphore, #tpu.memory_space<semaphore_mem>>) src(%dma_wait3A_556 : memref<2x128xi32, #tpu.memory_space<hbm>>) dst(%dma_wait3A_553 : memref<2x128xi32, #tpu.memory_space<vmem>>)
          tpu.yield
        }) : () -> ()
        %mul3A_469 = arith.constant 2 : i32
        %mul3A_470 = arith.muli %add3A_465, %mul3A_469 : i32
        %run_scoped3A_471 = arith.constant 1 : i32
        "tpu.region"() ({
          %run_scoped3A_528 = tpu.sem_alloc : memref<!tpu.dma_semaphore, #tpu.memory_space<semaphore_mem>>
          %dma_start3A_529 = arith.constant 0 : i32
          %dma_start3A_530 = arith.constant 0 : i32
          %dma_start3A_531 = tpu.memref_slice %arg8[%run_scoped3A_471, %dma_start3A_529, %dma_start3A_530] : memref<2x2x128xi32, #tpu.memory_space<vmem>> -> memref<1x2x128xi32, #tpu.memory_space<vmem>>
          %dma_start3A_532 = tpu.memref_squeeze %dma_start3A_531 : memref<1x2x128xi32, #tpu.memory_space<vmem>> -> memref<2x128xi32, #tpu.memory_space<vmem>>
          %dma_start3A_533 = arith.constant 0 : i32
          %dma_start3A_534 = tpu.memref_slice %arg3[%mul3A_470, %add3A, %dma_start3A_533] : memref<200x32x128xi32, #tpu.memory_space<hbm>> -> memref<2x1x128xi32, #tpu.memory_space<hbm>>
          %dma_start3A_535 = tpu.memref_squeeze %dma_start3A_534 : memref<2x1x128xi32, #tpu.memory_space<hbm>> -> memref<2x128xi32, #tpu.memory_space<hbm>>
          %dma_start3A_536 = arith.constant 0 : i32
          %dma_start3A_537 = arith.constant 0 : i32
          %dma_start3A_538 = tpu.memref_slice %arg8[%run_scoped3A_471, %dma_start3A_536, %dma_start3A_537] : memref<2x2x128xi32, #tpu.memory_space<vmem>> -> memref<1x2x128xi32, #tpu.memory_space<vmem>>
          %dma_start3A_539 = tpu.memref_squeeze %dma_start3A_538 : memref<1x2x128xi32, #tpu.memory_space<vmem>> -> memref<2x128xi32, #tpu.memory_space<vmem>>
          %dma_start3A_540 = arith.constant 0 : i32
          %dma_start3A_541 = tpu.memref_slice %arg3[%mul3A_470, %add3A, %dma_start3A_540] : memref<200x32x128xi32, #tpu.memory_space<hbm>> -> memref<2x1x128xi32, #tpu.memory_space<hbm>>
          %dma_start3A_542 = tpu.memref_squeeze %dma_start3A_541 : memref<2x1x128xi32, #tpu.memory_space<hbm>> -> memref<2x128xi32, #tpu.memory_space<hbm>>
          tpu.enqueue_dma source(%dma_start3A_542 : memref<2x128xi32, #tpu.memory_space<hbm>>) target(%dma_start3A_539 : memref<2x128xi32, #tpu.memory_space<vmem>>) target_semaphore(%run_scoped3A_528 : memref<!tpu.dma_semaphore, #tpu.memory_space<semaphore_mem>>)
          %dma_wait3A_543 = arith.constant 0 : i32
          %dma_wait3A_544 = arith.constant 0 : i32
          %dma_wait3A_545 = tpu.memref_slice %arg8[%run_scoped3A_471, %dma_wait3A_543, %dma_wait3A_544] : memref<2x2x128xi32, #tpu.memory_space<vmem>> -> memref<1x2x128xi32, #tpu.memory_space<vmem>>
          %dma_wait3A_546 = tpu.memref_squeeze %dma_wait3A_545 : memref<1x2x128xi32, #tpu.memory_space<vmem>> -> memref<2x128xi32, #tpu.memory_space<vmem>>
          %dma_wait3A_547 = arith.constant 0 : i32
          %dma_wait3A_548 = tpu.memref_slice %arg3[%mul3A_470, %add3A, %dma_wait3A_547] : memref<200x32x128xi32, #tpu.memory_space<hbm>> -> memref<2x1x128xi32, #tpu.memory_space<hbm>>
          %dma_wait3A_549 = tpu.memref_squeeze %dma_wait3A_548 : memref<2x1x128xi32, #tpu.memory_space<hbm>> -> memref<2x128xi32, #tpu.memory_space<hbm>>
          %dma_wait3A_550 = arith.constant 0 : i32
          %dma_wait3A_551 = arith.constant 0 : i32
          %dma_wait3A_552 = tpu.memref_slice %arg8[%run_scoped3A_471, %dma_wait3A_550, %dma_wait3A_551] : memref<2x2x128xi32, #tpu.memory_space<vmem>> -> memref<1x2x128xi32, #tpu.memory_space<vmem>>
          %dma_wait3A_553 = tpu.memref_squeeze %dma_wait3A_552 : memref<1x2x128xi32, #tpu.memory_space<vmem>> -> memref<2x128xi32, #tpu.memory_space<vmem>>
          %dma_wait3A_554 = arith.constant 0 : i32
          %dma_wait3A_555 = tpu.memref_slice %arg3[%mul3A_470, %add3A, %dma_wait3A_554] : memref<200x32x128xi32, #tpu.memory_space<hbm>> -> memref<2x1x128xi32, #tpu.memory_space<hbm>>
          %dma_wait3A_556 = tpu.memref_squeeze %dma_wait3A_555 : memref<2x1x128xi32, #tpu.memory_space<hbm>> -> memref<2x128xi32, #tpu.memory_space<hbm>>
          tpu.wait_dma2 semaphore(%run_scoped3A_528 : memref<!tpu.dma_semaphore, #tpu.memory_space<semaphore_mem>>) src(%dma_wait3A_556 : memref<2x128xi32, #tpu.memory_space<hbm>>) dst(%dma_wait3A_553 : memref<2x128xi32, #tpu.memory_space<vmem>>)
          tpu.yield
        }) : () -> ()
        %dma_start3A_472 = arith.constant 1 : i32
        %dma_start3A_473 = arith.constant 0 : i32
        %dma_start3A_474 = arith.constant 1 : i32
        %dma_start3A_475 = arith.constant 0 : i32
        %dma_start3A_476 = arith.constant 0 : i32
        %dma_start3A_477 = arith.constant 0 : i32
        %dma_start3A_478 = tpu.memref_slice %arg9[%dma_start3A_474, %dma_start3A_475, %dma_start3A_476, %dma_start3A_477] : memref<2x2x128x64xf32, #tpu.memory_space<vmem>> -> memref<1x1x128x64xf32, #tpu.memory_space<vmem>>
        %dma_start3A_479 = tpu.memref_squeeze %dma_start3A_478 : memref<1x1x128x64xf32, #tpu.memory_space<vmem>> -> memref<128x64xf32, #tpu.memory_space<vmem>>
        %dma_start3A_480 = arith.constant 0 : i32
        %dma_start3A_481 = tpu.memref_slice %arg7[%dma_start3A_472, %dma_start3A_473, %dma_start3A_480] : memref<2x2x128xi32, #tpu.memory_space<vmem>> -> memref<1x1x128xi32, #tpu.memory_space<vmem>>
        %dma_start3A_482 = tpu.memref_squeeze %dma_start3A_481 : memref<1x1x128xi32, #tpu.memory_space<vmem>> -> memref<128xi32, #tpu.memory_space<vmem>>
        %dma_start3A_483 = arith.constant 0 : i32
        %dma_start3A_484 = arith.constant 0 : i32
        %dma_start3A_485 = tpu.memref_slice %arg4[%dma_start3A_483, %dma_start3A_484] : memref<100000x64xf32, #tpu.memory_space<hbm>> -> memref<100000x64xf32, #tpu.memory_space<hbm>>
        tpu.enqueue_indirect_dma source(%dma_start3A_485 : memref<100000x64xf32, #tpu.memory_space<hbm>>) target(%dma_start3A_479 : memref<128x64xf32, #tpu.memory_space<vmem>>) offsets(%dma_start3A_482 : memref<128xi32, #tpu.memory_space<vmem>>) semaphore(%arg13 : memref<!tpu.dma_semaphore, #tpu.memory_space<semaphore_mem>>)
        %dma_start3A_486 = arith.constant 1 : i32
        %dma_start3A_487 = arith.constant 0 : i32
        %dma_start3A_488 = arith.constant 1 : i32
        %dma_start3A_489 = arith.constant 0 : i32
        %dma_start3A_490 = arith.constant 0 : i32
        %dma_start3A_491 = arith.constant 0 : i32
        %dma_start3A_492 = tpu.memref_slice %arg10[%dma_start3A_488, %dma_start3A_489, %dma_start3A_490, %dma_start3A_491] : memref<2x2x128x64xf32, #tpu.memory_space<vmem>> -> memref<1x1x128x64xf32, #tpu.memory_space<vmem>>
        %dma_start3A_493 = tpu.memref_squeeze %dma_start3A_492 : memref<1x1x128x64xf32, #tpu.memory_space<vmem>> -> memref<128x64xf32, #tpu.memory_space<vmem>>
        %dma_start3A_494 = arith.constant 0 : i32
        %dma_start3A_495 = tpu.memref_slice %arg8[%dma_start3A_486, %dma_start3A_487, %dma_start3A_494] : memref<2x2x128xi32, #tpu.memory_space<vmem>> -> memref<1x1x128xi32, #tpu.memory_space<vmem>>
        %dma_start3A_496 = tpu.memref_squeeze %dma_start3A_495 : memref<1x1x128xi32, #tpu.memory_space<vmem>> -> memref<128xi32, #tpu.memory_space<vmem>>
        %dma_start3A_497 = arith.constant 0 : i32
        %dma_start3A_498 = arith.constant 0 : i32
        %dma_start3A_499 = tpu.memref_slice %arg5[%dma_start3A_497, %dma_start3A_498] : memref<2048x64xf32, #tpu.memory_space<hbm>> -> memref<2048x64xf32, #tpu.memory_space<hbm>>
        tpu.enqueue_indirect_dma source(%dma_start3A_499 : memref<2048x64xf32, #tpu.memory_space<hbm>>) target(%dma_start3A_493 : memref<128x64xf32, #tpu.memory_space<vmem>>) offsets(%dma_start3A_496 : memref<128xi32, #tpu.memory_space<vmem>>) semaphore(%arg13 : memref<!tpu.dma_semaphore, #tpu.memory_space<semaphore_mem>>)
        %dma_start3A_500 = arith.constant 1 : i32
        %dma_start3A_501 = arith.constant 1 : i32
        %dma_start3A_502 = arith.constant 1 : i32
        %dma_start3A_503 = arith.constant 1 : i32
        %dma_start3A_504 = arith.constant 0 : i32
        %dma_start3A_505 = arith.constant 0 : i32
        %dma_start3A_506 = tpu.memref_slice %arg9[%dma_start3A_502, %dma_start3A_503, %dma_start3A_504, %dma_start3A_505] : memref<2x2x128x64xf32, #tpu.memory_space<vmem>> -> memref<1x1x128x64xf32, #tpu.memory_space<vmem>>
        %dma_start3A_507 = tpu.memref_squeeze %dma_start3A_506 : memref<1x1x128x64xf32, #tpu.memory_space<vmem>> -> memref<128x64xf32, #tpu.memory_space<vmem>>
        %dma_start3A_508 = arith.constant 0 : i32
        %dma_start3A_509 = tpu.memref_slice %arg7[%dma_start3A_500, %dma_start3A_501, %dma_start3A_508] : memref<2x2x128xi32, #tpu.memory_space<vmem>> -> memref<1x1x128xi32, #tpu.memory_space<vmem>>
        %dma_start3A_510 = tpu.memref_squeeze %dma_start3A_509 : memref<1x1x128xi32, #tpu.memory_space<vmem>> -> memref<128xi32, #tpu.memory_space<vmem>>
        %dma_start3A_511 = arith.constant 0 : i32
        %dma_start3A_512 = arith.constant 0 : i32
        %dma_start3A_513 = tpu.memref_slice %arg4[%dma_start3A_511, %dma_start3A_512] : memref<100000x64xf32, #tpu.memory_space<hbm>> -> memref<100000x64xf32, #tpu.memory_space<hbm>>
        tpu.enqueue_indirect_dma source(%dma_start3A_513 : memref<100000x64xf32, #tpu.memory_space<hbm>>) target(%dma_start3A_507 : memref<128x64xf32, #tpu.memory_space<vmem>>) offsets(%dma_start3A_510 : memref<128xi32, #tpu.memory_space<vmem>>) semaphore(%arg13 : memref<!tpu.dma_semaphore, #tpu.memory_space<semaphore_mem>>)
        %dma_start3A_514 = arith.constant 1 : i32
        %dma_start3A_515 = arith.constant 1 : i32
        %dma_start3A_516 = arith.constant 1 : i32
        %dma_start3A_517 = arith.constant 1 : i32
        %dma_start3A_518 = arith.constant 0 : i32
        %dma_start3A_519 = arith.constant 0 : i32
        %dma_start3A_520 = tpu.memref_slice %arg10[%dma_start3A_516, %dma_start3A_517, %dma_start3A_518, %dma_start3A_519] : memref<2x2x128x64xf32, #tpu.memory_space<vmem>> -> memref<1x1x128x64xf32, #tpu.memory_space<vmem>>
        %dma_start3A_521 = tpu.memref_squeeze %dma_start3A_520 : memref<1x1x128x64xf32, #tpu.memory_space<vmem>> -> memref<128x64xf32, #tpu.memory_space<vmem>>
        %dma_start3A_522 = arith.constant 0 : i32
        %dma_start3A_523 = tpu.memref_slice %arg8[%dma_start3A_514, %dma_start3A_515, %dma_start3A_522] : memref<2x2x128xi32, #tpu.memory_space<vmem>> -> memref<1x1x128xi32, #tpu.memory_space<vmem>>
        %dma_start3A_524 = tpu.memref_squeeze %dma_start3A_523 : memref<1x1x128xi32, #tpu.memory_space<vmem>> -> memref<128xi32, #tpu.memory_space<vmem>>
        %dma_start3A_525 = arith.constant 0 : i32
        %dma_start3A_526 = arith.constant 0 : i32
        %dma_start3A_527 = tpu.memref_slice %arg5[%dma_start3A_525, %dma_start3A_526] : memref<2048x64xf32, #tpu.memory_space<hbm>> -> memref<2048x64xf32, #tpu.memory_space<hbm>>
        tpu.enqueue_indirect_dma source(%dma_start3A_527 : memref<2048x64xf32, #tpu.memory_space<hbm>>) target(%dma_start3A_521 : memref<128x64xf32, #tpu.memory_space<vmem>>) offsets(%dma_start3A_524 : memref<128xi32, #tpu.memory_space<vmem>>) semaphore(%arg13 : memref<!tpu.dma_semaphore, #tpu.memory_space<semaphore_mem>>)
      } else {
      }
      %dma_wait3A_206 = arith.constant 0 : i32
      %dma_wait3A_207 = arith.constant 0 : i32
      %dma_wait3A_208 = arith.constant 0 : i32
      %dma_wait3A_209 = arith.constant 0 : i32
      %dma_wait3A_210 = arith.constant 0 : i32
      %dma_wait3A_211 = arith.constant 0 : i32
      %dma_wait3A_212 = tpu.memref_slice %arg9[%dma_wait3A_208, %dma_wait3A_209, %dma_wait3A_210, %dma_wait3A_211] : memref<2x2x128x64xf32, #tpu.memory_space<vmem>> -> memref<1x1x128x64xf32, #tpu.memory_space<vmem>>
      %dma_wait3A_213 = tpu.memref_squeeze %dma_wait3A_212 : memref<1x1x128x64xf32, #tpu.memory_space<vmem>> -> memref<128x64xf32, #tpu.memory_space<vmem>>
      %dma_wait3A_214 = arith.constant 0 : i32
      %dma_wait3A_215 = tpu.memref_slice %arg7[%dma_wait3A_206, %dma_wait3A_207, %dma_wait3A_214] : memref<2x2x128xi32, #tpu.memory_space<vmem>> -> memref<1x1x128xi32, #tpu.memory_space<vmem>>
      %dma_wait3A_216 = tpu.memref_squeeze %dma_wait3A_215 : memref<1x1x128xi32, #tpu.memory_space<vmem>> -> memref<128xi32, #tpu.memory_space<vmem>>
      %dma_wait3A_217 = arith.constant 0 : i32
      %dma_wait3A_218 = arith.constant 0 : i32
      %dma_wait3A_219 = tpu.memref_slice %arg4[%dma_wait3A_217, %dma_wait3A_218] : memref<100000x64xf32, #tpu.memory_space<hbm>> -> memref<100000x64xf32, #tpu.memory_space<hbm>>
      tpu.wait_indirect_dma semaphore(%arg12 : memref<!tpu.dma_semaphore, #tpu.memory_space<semaphore_mem>>) src(%dma_wait3A_219 : memref<100000x64xf32, #tpu.memory_space<hbm>>) dst(%dma_wait3A_213 : memref<128x64xf32, #tpu.memory_space<vmem>>)
      %dma_wait3A_220 = arith.constant 0 : i32
      %dma_wait3A_221 = arith.constant 0 : i32
      %dma_wait3A_222 = arith.constant 0 : i32
      %dma_wait3A_223 = arith.constant 0 : i32
      %dma_wait3A_224 = arith.constant 0 : i32
      %dma_wait3A_225 = arith.constant 0 : i32
      %dma_wait3A_226 = tpu.memref_slice %arg10[%dma_wait3A_222, %dma_wait3A_223, %dma_wait3A_224, %dma_wait3A_225] : memref<2x2x128x64xf32, #tpu.memory_space<vmem>> -> memref<1x1x128x64xf32, #tpu.memory_space<vmem>>
      %dma_wait3A_227 = tpu.memref_squeeze %dma_wait3A_226 : memref<1x1x128x64xf32, #tpu.memory_space<vmem>> -> memref<128x64xf32, #tpu.memory_space<vmem>>
      %dma_wait3A_228 = arith.constant 0 : i32
      %dma_wait3A_229 = tpu.memref_slice %arg8[%dma_wait3A_220, %dma_wait3A_221, %dma_wait3A_228] : memref<2x2x128xi32, #tpu.memory_space<vmem>> -> memref<1x1x128xi32, #tpu.memory_space<vmem>>
      %dma_wait3A_230 = tpu.memref_squeeze %dma_wait3A_229 : memref<1x1x128xi32, #tpu.memory_space<vmem>> -> memref<128xi32, #tpu.memory_space<vmem>>
      %dma_wait3A_231 = arith.constant 0 : i32
      %dma_wait3A_232 = arith.constant 0 : i32
      %dma_wait3A_233 = tpu.memref_slice %arg5[%dma_wait3A_231, %dma_wait3A_232] : memref<2048x64xf32, #tpu.memory_space<hbm>> -> memref<2048x64xf32, #tpu.memory_space<hbm>>
      tpu.wait_indirect_dma semaphore(%arg12 : memref<!tpu.dma_semaphore, #tpu.memory_space<semaphore_mem>>) src(%dma_wait3A_233 : memref<2048x64xf32, #tpu.memory_space<hbm>>) dst(%dma_wait3A_227 : memref<128x64xf32, #tpu.memory_space<vmem>>)
      %dma_wait3A_234 = arith.constant 0 : i32
      %dma_wait3A_235 = arith.constant 1 : i32
      %dma_wait3A_236 = arith.constant 0 : i32
      %dma_wait3A_237 = arith.constant 1 : i32
      %dma_wait3A_238 = arith.constant 0 : i32
      %dma_wait3A_239 = arith.constant 0 : i32
      %dma_wait3A_240 = tpu.memref_slice %arg9[%dma_wait3A_236, %dma_wait3A_237, %dma_wait3A_238, %dma_wait3A_239] : memref<2x2x128x64xf32, #tpu.memory_space<vmem>> -> memref<1x1x128x64xf32, #tpu.memory_space<vmem>>
      %dma_wait3A_241 = tpu.memref_squeeze %dma_wait3A_240 : memref<1x1x128x64xf32, #tpu.memory_space<vmem>> -> memref<128x64xf32, #tpu.memory_space<vmem>>
      %dma_wait3A_242 = arith.constant 0 : i32
      %dma_wait3A_243 = tpu.memref_slice %arg7[%dma_wait3A_234, %dma_wait3A_235, %dma_wait3A_242] : memref<2x2x128xi32, #tpu.memory_space<vmem>> -> memref<1x1x128xi32, #tpu.memory_space<vmem>>
      %dma_wait3A_244 = tpu.memref_squeeze %dma_wait3A_243 : memref<1x1x128xi32, #tpu.memory_space<vmem>> -> memref<128xi32, #tpu.memory_space<vmem>>
      %dma_wait3A_245 = arith.constant 0 : i32
      %dma_wait3A_246 = arith.constant 0 : i32
      %dma_wait3A_247 = tpu.memref_slice %arg4[%dma_wait3A_245, %dma_wait3A_246] : memref<100000x64xf32, #tpu.memory_space<hbm>> -> memref<100000x64xf32, #tpu.memory_space<hbm>>
      tpu.wait_indirect_dma semaphore(%arg12 : memref<!tpu.dma_semaphore, #tpu.memory_space<semaphore_mem>>) src(%dma_wait3A_247 : memref<100000x64xf32, #tpu.memory_space<hbm>>) dst(%dma_wait3A_241 : memref<128x64xf32, #tpu.memory_space<vmem>>)
      %dma_wait3A_248 = arith.constant 0 : i32
      %dma_wait3A_249 = arith.constant 1 : i32
      %dma_wait3A_250 = arith.constant 0 : i32
      %dma_wait3A_251 = arith.constant 1 : i32
      %dma_wait3A_252 = arith.constant 0 : i32
      %dma_wait3A_253 = arith.constant 0 : i32
      %dma_wait3A_254 = tpu.memref_slice %arg10[%dma_wait3A_250, %dma_wait3A_251, %dma_wait3A_252, %dma_wait3A_253] : memref<2x2x128x64xf32, #tpu.memory_space<vmem>> -> memref<1x1x128x64xf32, #tpu.memory_space<vmem>>
      %dma_wait3A_255 = tpu.memref_squeeze %dma_wait3A_254 : memref<1x1x128x64xf32, #tpu.memory_space<vmem>> -> memref<128x64xf32, #tpu.memory_space<vmem>>
      %dma_wait3A_256 = arith.constant 0 : i32
      %dma_wait3A_257 = tpu.memref_slice %arg8[%dma_wait3A_248, %dma_wait3A_249, %dma_wait3A_256] : memref<2x2x128xi32, #tpu.memory_space<vmem>> -> memref<1x1x128xi32, #tpu.memory_space<vmem>>
      %dma_wait3A_258 = tpu.memref_squeeze %dma_wait3A_257 : memref<1x1x128xi32, #tpu.memory_space<vmem>> -> memref<128xi32, #tpu.memory_space<vmem>>
      %dma_wait3A_259 = arith.constant 0 : i32
      %dma_wait3A_260 = arith.constant 0 : i32
      %dma_wait3A_261 = tpu.memref_slice %arg5[%dma_wait3A_259, %dma_wait3A_260] : memref<2048x64xf32, #tpu.memory_space<hbm>> -> memref<2048x64xf32, #tpu.memory_space<hbm>>
      tpu.wait_indirect_dma semaphore(%arg12 : memref<!tpu.dma_semaphore, #tpu.memory_space<semaphore_mem>>) src(%dma_wait3A_261 : memref<2048x64xf32, #tpu.memory_space<hbm>>) dst(%dma_wait3A_255 : memref<128x64xf32, #tpu.memory_space<vmem>>)
      %ge3A = arith.constant 2 : i32
      %ge3A_262 = arith.cmpi sge, %add3A_203, %ge3A : i32
      %convert_element_type3A_263 = arith.extui %ge3A_262 : i1 to i32
      %cond3A_264 = arith.constant 0 : i32
      %cond3A_265 = arith.cmpi ne, %convert_element_type3A_263, %cond3A_264 : i32
      scf.if %cond3A_265 {
        %sub3A = arith.constant 2 : i32
        %sub3A_464 = arith.subi %add3A_203, %sub3A : i32
        %mul3A_465 = arith.constant 2 : i32
        %mul3A_466 = arith.muli %sub3A_464, %mul3A_465 : i32
        %add3A_467 = arith.constant 0 : i32
        %add3A_468 = arith.addi %mul3A_466, %add3A_467 : i32
        %dma_wait3A_469 = arith.constant 0 : i32
        %dma_wait3A_470 = arith.constant 0 : i32
        %dma_wait3A_471 = arith.constant 0 : i32
        %dma_wait3A_472 = arith.constant 0 : i32
        %dma_wait3A_473 = arith.constant 0 : i32
        %dma_wait3A_474 = tpu.memref_slice %arg11[%dma_wait3A_469, %dma_wait3A_470, %dma_wait3A_471, %dma_wait3A_472, %dma_wait3A_473] : memref<2x2x8x8x129xf32, #tpu.memory_space<vmem>> -> memref<1x1x8x8x128xf32, #tpu.memory_space<vmem>>
        %dma_wait3A_475 = tpu.memref_squeeze %dma_wait3A_474 : memref<1x1x8x8x128xf32, #tpu.memory_space<vmem>> -> memref<8x8x128xf32, #tpu.memory_space<vmem>>
        %dma_wait3A_476 = arith.constant 0 : i32
        %dma_wait3A_477 = arith.constant 0 : i32
        %dma_wait3A_478 = arith.constant 0 : i32
        %dma_wait3A_479 = tpu.memref_slice %arg6[%add3A_468, %dma_wait3A_476, %add3A, %dma_wait3A_477, %dma_wait3A_478] : memref<200x8x32x8x128xf32, #tpu.memory_space<hbm>> -> memref<1x8x1x8x128xf32, #tpu.memory_space<hbm>>
        %dma_wait3A_480 = tpu.memref_squeeze %dma_wait3A_479 : memref<1x8x1x8x128xf32, #tpu.memory_space<hbm>> -> memref<8x8x128xf32, #tpu.memory_space<hbm>>
        %dma_wait3A_481 = arith.constant 0 : i32
        %dma_wait3A_482 = arith.constant 0 : i32
        %dma_wait3A_483 = arith.constant 0 : i32
        %dma_wait3A_484 = tpu.memref_slice %arg6[%add3A_468, %dma_wait3A_481, %add3A, %dma_wait3A_482, %dma_wait3A_483] : memref<200x8x32x8x128xf32, #tpu.memory_space<hbm>> -> memref<1x8x1x8x128xf32, #tpu.memory_space<hbm>>
        %dma_wait3A_485 = tpu.memref_squeeze %dma_wait3A_484 : memref<1x8x1x8x128xf32, #tpu.memory_space<hbm>> -> memref<8x8x128xf32, #tpu.memory_space<hbm>>
        %dma_wait3A_486 = arith.constant 0 : i32
        %dma_wait3A_487 = arith.constant 0 : i32
        %dma_wait3A_488 = arith.constant 0 : i32
        %dma_wait3A_489 = tpu.memref_slice %arg11[%dma_wait3A_469, %dma_wait3A_470, %dma_wait3A_486, %dma_wait3A_487, %dma_wait3A_488] : memref<2x2x8x8x129xf32, #tpu.memory_space<vmem>> -> memref<1x1x8x8x128xf32, #tpu.memory_space<vmem>>
        %dma_wait3A_490 = tpu.memref_squeeze %dma_wait3A_489 : memref<1x1x8x8x128xf32, #tpu.memory_space<vmem>> -> memref<8x8x128xf32, #tpu.memory_space<vmem>>
        tpu.wait_dma2 semaphore(%arg14 : memref<!tpu.dma_semaphore, #tpu.memory_space<semaphore_mem>>) src(%dma_wait3A_490 : memref<8x8x128xf32, #tpu.memory_space<vmem>>) dst(%dma_wait3A_485 : memref<8x8x128xf32, #tpu.memory_space<hbm>>)
        %sub3A_491 = arith.constant 2 : i32
        %sub3A_492 = arith.subi %add3A_203, %sub3A_491 : i32
        %mul3A_493 = arith.constant 2 : i32
        %mul3A_494 = arith.muli %sub3A_492, %mul3A_493 : i32
        %add3A_495 = arith.constant 1 : i32
        %add3A_496 = arith.addi %mul3A_494, %add3A_495 : i32
        %dma_wait3A_497 = arith.constant 0 : i32
        %dma_wait3A_498 = arith.constant 1 : i32
        %dma_wait3A_499 = arith.constant 0 : i32
        %dma_wait3A_500 = arith.constant 0 : i32
        %dma_wait3A_501 = arith.constant 0 : i32
        %dma_wait3A_502 = tpu.memref_slice %arg11[%dma_wait3A_497, %dma_wait3A_498, %dma_wait3A_499, %dma_wait3A_500, %dma_wait3A_501] : memref<2x2x8x8x129xf32, #tpu.memory_space<vmem>> -> memref<1x1x8x8x128xf32, #tpu.memory_space<vmem>>
        %dma_wait3A_503 = tpu.memref_squeeze %dma_wait3A_502 : memref<1x1x8x8x128xf32, #tpu.memory_space<vmem>> -> memref<8x8x128xf32, #tpu.memory_space<vmem>>
        %dma_wait3A_504 = arith.constant 0 : i32
        %dma_wait3A_505 = arith.constant 0 : i32
        %dma_wait3A_506 = arith.constant 0 : i32
        %dma_wait3A_507 = tpu.memref_slice %arg6[%add3A_496, %dma_wait3A_504, %add3A, %dma_wait3A_505, %dma_wait3A_506] : memref<200x8x32x8x128xf32, #tpu.memory_space<hbm>> -> memref<1x8x1x8x128xf32, #tpu.memory_space<hbm>>
        %dma_wait3A_508 = tpu.memref_squeeze %dma_wait3A_507 : memref<1x8x1x8x128xf32, #tpu.memory_space<hbm>> -> memref<8x8x128xf32, #tpu.memory_space<hbm>>
        %dma_wait3A_509 = arith.constant 0 : i32
        %dma_wait3A_510 = arith.constant 0 : i32
        %dma_wait3A_511 = arith.constant 0 : i32
        %dma_wait3A_512 = tpu.memref_slice %arg6[%add3A_496, %dma_wait3A_509, %add3A, %dma_wait3A_510, %dma_wait3A_511] : memref<200x8x32x8x128xf32, #tpu.memory_space<hbm>> -> memref<1x8x1x8x128xf32, #tpu.memory_space<hbm>>
        %dma_wait3A_513 = tpu.memref_squeeze %dma_wait3A_512 : memref<1x8x1x8x128xf32, #tpu.memory_space<hbm>> -> memref<8x8x128xf32, #tpu.memory_space<hbm>>
        %dma_wait3A_514 = arith.constant 0 : i32
        %dma_wait3A_515 = arith.constant 0 : i32
        %dma_wait3A_516 = arith.constant 0 : i32
        %dma_wait3A_517 = tpu.memref_slice %arg11[%dma_wait3A_497, %dma_wait3A_498, %dma_wait3A_514, %dma_wait3A_515, %dma_wait3A_516] : memref<2x2x8x8x129xf32, #tpu.memory_space<vmem>> -> memref<1x1x8x8x128xf32, #tpu.memory_space<vmem>>
        %dma_wait3A_518 = tpu.memref_squeeze %dma_wait3A_517 : memref<1x1x8x8x128xf32, #tpu.memory_space<vmem>> -> memref<8x8x128xf32, #tpu.memory_space<vmem>>
        tpu.wait_dma2 semaphore(%arg14 : memref<!tpu.dma_semaphore, #tpu.memory_space<semaphore_mem>>) src(%dma_wait3A_518 : memref<8x8x128xf32, #tpu.memory_space<vmem>>) dst(%dma_wait3A_513 : memref<8x8x128xf32, #tpu.memory_space<hbm>>)
      } else {
      }
      %scan3A_266 = arith.constant 0 : i32
      %scan3A_267 = arith.constant 0 : i32
      %scan3A_268 = arith.constant 128 : i32
      %scan3A_269 = arith.addi %scan3A_267, %scan3A_268 : i32
      %scan3A_270 = arith.constant 2 : i32
      scf.for %scan3A_464 = %scan3A_267 to %scan3A_269 step %scan3A_270  : i32 {
        %broadcast_in_dim3A = vector.broadcast %scan3A_464 : i32 to vector<16xi32>
        %get3A = arith.constant 0 : i32
        %get3A_465 = arith.constant 0 : i32
        %get3A_466 = arith.index_cast %get3A : i32 to index
        %get3A_467 = arith.index_cast %get3A_465 : i32 to index
        %get3A_468 = arith.index_cast %scan3A_464 : i32 to index
        %get3A_469 = arith.constant 0 : index
        %get3A_470 = tpu.vector_load %arg9[%get3A_466, %get3A_467, %get3A_468, %get3A_469] {strides = array<i32>} : memref<2x2x128x64xf32, #tpu.memory_space<vmem>>, vector<16xf32>,
        %get3A_471 = arith.constant 0 : i32
        %get3A_472 = arith.constant 0 : i32
        %get3A_473 = arith.index_cast %get3A_471 : i32 to index
        %get3A_474 = arith.index_cast %get3A_472 : i32 to index
        %get3A_475 = arith.index_cast %scan3A_464 : i32 to index
        %get3A_476 = arith.constant 0 : index
        %get3A_477 = tpu.vector_load %arg10[%get3A_473, %get3A_474, %get3A_475, %get3A_476] {strides = array<i32>} : memref<2x2x128x64xf32, #tpu.memory_space<vmem>>, vector<16xf32>,
        %add3A_478 = arith.addf %get3A_470, %get3A_477 : vector<16xf32>
        %scatter3A = arith.constant 0 : i32
        %scatter3A_479 = arith.constant 0 : i32
        %scatter3A_480 = arith.constant 0 : i32
        %scatter3A_481 = arith.constant 0 : i32
        %scatter3A_482 = arith.constant 0 : i32
        %scatter3A_483 = tpu.memref_slice %arg11[%scatter3A, %scatter3A_479, %scatter3A_480, %scatter3A_481, %scatter3A_482] : memref<2x2x8x8x129xf32, #tpu.memory_space<vmem>> -> memref<1x1x8x8x129xf32, #tpu.memory_space<vmem>>
        %scatter3A_484 = tpu.memref_squeeze %scatter3A_483 : memref<1x1x8x8x129xf32, #tpu.memory_space<vmem>> -> memref<8x8x129xf32, #tpu.memory_space<vmem>>
        tpu.vector_store_idx %scatter3A_484[%shift_right_arithmetic3A_5, %and3A_28, %broadcast_in_dim3A], %add3A_478 : memref<8x8x129xf32, #tpu.memory_space<vmem>>[vector<16xi32>, vector<16xi32>, vector<16xi32>], vector<16xf32>,
        %get3A_485 = arith.constant 0 : i32
        %get3A_486 = arith.constant 0 : i32
        %get3A_487 = arith.index_cast %get3A_485 : i32 to index
        %get3A_488 = arith.index_cast %get3A_486 : i32 to index
        %get3A_489 = arith.index_cast %scan3A_464 : i32 to index
        %get3A_490 = arith.constant 16 : index
        %get3A_491 = tpu.vector_load %arg9[%get3A_487, %get3A_488, %get3A_489, %get3A_490] {strides = array<i32>} : memref<2x2x128x64xf32, #tpu.memory_space<vmem>>, vector<16xf32>,
        %get3A_492 = arith.constant 0 : i32
        %get3A_493 = arith.constant 0 : i32
        %get3A_494 = arith.index_cast %get3A_492 : i32 to index
        %get3A_495 = arith.index_cast %get3A_493 : i32 to index
        %get3A_496 = arith.index_cast %scan3A_464 : i32 to index
        %get3A_497 = arith.constant 16 : index
        %get3A_498 = tpu.vector_load %arg10[%get3A_494, %get3A_495, %get3A_496, %get3A_497] {strides = array<i32>} : memref<2x2x128x64xf32, #tpu.memory_space<vmem>>, vector<16xf32>,
        %add3A_499 = arith.addf %get3A_491, %get3A_498 : vector<16xf32>
        %scatter3A_500 = arith.constant 0 : i32
        %scatter3A_501 = arith.constant 0 : i32
        %scatter3A_502 = arith.constant 0 : i32
        %scatter3A_503 = arith.constant 0 : i32
        %scatter3A_504 = arith.constant 0 : i32
        %scatter3A_505 = tpu.memref_slice %arg11[%scatter3A_500, %scatter3A_501, %scatter3A_502, %scatter3A_503, %scatter3A_504] : memref<2x2x8x8x129xf32, #tpu.memory_space<vmem>> -> memref<1x1x8x8x129xf32, #tpu.memory_space<vmem>>
        %scatter3A_506 = tpu.memref_squeeze %scatter3A_505 : memref<1x1x8x8x129xf32, #tpu.memory_space<vmem>> -> memref<8x8x129xf32, #tpu.memory_space<vmem>>
        tpu.vector_store_idx %scatter3A_506[%shift_right_arithmetic3A_11, %and3A_34, %broadcast_in_dim3A], %add3A_499 : memref<8x8x129xf32, #tpu.memory_space<vmem>>[vector<16xi32>, vector<16xi32>, vector<16xi32>], vector<16xf32>,
        %get3A_507 = arith.constant 0 : i32
        %get3A_508 = arith.constant 0 : i32
        %get3A_509 = arith.index_cast %get3A_507 : i32 to index
        %get3A_510 = arith.index_cast %get3A_508 : i32 to index
        %get3A_511 = arith.index_cast %scan3A_464 : i32 to index
        %get3A_512 = arith.constant 32 : index
        %get3A_513 = tpu.vector_load %arg9[%get3A_509, %get3A_510, %get3A_511, %get3A_512] {strides = array<i32>} : memref<2x2x128x64xf32, #tpu.memory_space<vmem>>, vector<16xf32>,
        %get3A_514 = arith.constant 0 : i32
        %get3A_515 = arith.constant 0 : i32
        %get3A_516 = arith.index_cast %get3A_514 : i32 to index
        %get3A_517 = arith.index_cast %get3A_515 : i32 to index
        %get3A_518 = arith.index_cast %scan3A_464 : i32 to index
        %get3A_519 = arith.constant 32 : index
        %get3A_520 = tpu.vector_load %arg10[%get3A_516, %get3A_517, %get3A_518, %get3A_519] {strides = array<i32>} : memref<2x2x128x64xf32, #tpu.memory_space<vmem>>, vector<16xf32>,
        %add3A_521 = arith.addf %get3A_513, %get3A_520 : vector<16xf32>
        %scatter3A_522 = arith.constant 0 : i32
        %scatter3A_523 = arith.constant 0 : i32
        %scatter3A_524 = arith.constant 0 : i32
        %scatter3A_525 = arith.constant 0 : i32
        %scatter3A_526 = arith.constant 0 : i32
        %scatter3A_527 = tpu.memref_slice %arg11[%scatter3A_522, %scatter3A_523, %scatter3A_524, %scatter3A_525, %scatter3A_526] : memref<2x2x8x8x129xf32, #tpu.memory_space<vmem>> -> memref<1x1x8x8x129xf32, #tpu.memory_space<vmem>>
        %scatter3A_528 = tpu.memref_squeeze %scatter3A_527 : memref<1x1x8x8x129xf32, #tpu.memory_space<vmem>> -> memref<8x8x129xf32, #tpu.memory_space<vmem>>
        tpu.vector_store_idx %scatter3A_528[%shift_right_arithmetic3A_17, %and3A_40, %broadcast_in_dim3A], %add3A_521 : memref<8x8x129xf32, #tpu.memory_space<vmem>>[vector<16xi32>, vector<16xi32>, vector<16xi32>], vector<16xf32>,
        %get3A_529 = arith.constant 0 : i32
        %get3A_530 = arith.constant 0 : i32
        %get3A_531 = arith.index_cast %get3A_529 : i32 to index
        %get3A_532 = arith.index_cast %get3A_530 : i32 to index
        %get3A_533 = arith.index_cast %scan3A_464 : i32 to index
        %get3A_534 = arith.constant 48 : index
        %get3A_535 = tpu.vector_load %arg9[%get3A_531, %get3A_532, %get3A_533, %get3A_534] {strides = array<i32>} : memref<2x2x128x64xf32, #tpu.memory_space<vmem>>, vector<16xf32>,
        %get3A_536 = arith.constant 0 : i32
        %get3A_537 = arith.constant 0 : i32
        %get3A_538 = arith.index_cast %get3A_536 : i32 to index
        %get3A_539 = arith.index_cast %get3A_537 : i32 to index
        %get3A_540 = arith.index_cast %scan3A_464 : i32 to index
        %get3A_541 = arith.constant 48 : index
        %get3A_542 = tpu.vector_load %arg10[%get3A_538, %get3A_539, %get3A_540, %get3A_541] {strides = array<i32>} : memref<2x2x128x64xf32, #tpu.memory_space<vmem>>, vector<16xf32>,
        %add3A_543 = arith.addf %get3A_535, %get3A_542 : vector<16xf32>
        %scatter3A_544 = arith.constant 0 : i32
        %scatter3A_545 = arith.constant 0 : i32
        %scatter3A_546 = arith.constant 0 : i32
        %scatter3A_547 = arith.constant 0 : i32
        %scatter3A_548 = arith.constant 0 : i32
        %scatter3A_549 = tpu.memref_slice %arg11[%scatter3A_544, %scatter3A_545, %scatter3A_546, %scatter3A_547, %scatter3A_548] : memref<2x2x8x8x129xf32, #tpu.memory_space<vmem>> -> memref<1x1x8x8x129xf32, #tpu.memory_space<vmem>>
        %scatter3A_550 = tpu.memref_squeeze %scatter3A_549 : memref<1x1x8x8x129xf32, #tpu.memory_space<vmem>> -> memref<8x8x129xf32, #tpu.memory_space<vmem>>
        tpu.vector_store_idx %scatter3A_550[%shift_right_arithmetic3A_23, %and3A_46, %broadcast_in_dim3A], %add3A_543 : memref<8x8x129xf32, #tpu.memory_space<vmem>>[vector<16xi32>, vector<16xi32>, vector<16xi32>], vector<16xf32>,
        %scan3A_551 = arith.constant 1 : i32
        %scan3A_552 = arith.addi %scan3A_464, %scan3A_551 : i32
        %broadcast_in_dim3A_553 = vector.broadcast %scan3A_552 : i32 to vector<16xi32>
        %get3A_554 = arith.constant 0 : i32
        %get3A_555 = arith.constant 0 : i32
        %get3A_556 = arith.index_cast %get3A_554 : i32 to index
        %get3A_557 = arith.index_cast %get3A_555 : i32 to index
        %get3A_558 = arith.index_cast %scan3A_552 : i32 to index
        %get3A_559 = arith.constant 0 : index
        %get3A_560 = tpu.vector_load %arg9[%get3A_556, %get3A_557, %get3A_558, %get3A_559] {strides = array<i32>} : memref<2x2x128x64xf32, #tpu.memory_space<vmem>>, vector<16xf32>,
        %get3A_561 = arith.constant 0 : i32
        %get3A_562 = arith.constant 0 : i32
        %get3A_563 = arith.index_cast %get3A_561 : i32 to index
        %get3A_564 = arith.index_cast %get3A_562 : i32 to index
        %get3A_565 = arith.index_cast %scan3A_552 : i32 to index
        %get3A_566 = arith.constant 0 : index
        %get3A_567 = tpu.vector_load %arg10[%get3A_563, %get3A_564, %get3A_565, %get3A_566] {strides = array<i32>} : memref<2x2x128x64xf32, #tpu.memory_space<vmem>>, vector<16xf32>,
        %add3A_568 = arith.addf %get3A_560, %get3A_567 : vector<16xf32>
        %scatter3A_569 = arith.constant 0 : i32
        %scatter3A_570 = arith.constant 0 : i32
        %scatter3A_571 = arith.constant 0 : i32
        %scatter3A_572 = arith.constant 0 : i32
        %scatter3A_573 = arith.constant 0 : i32
        %scatter3A_574 = tpu.memref_slice %arg11[%scatter3A_569, %scatter3A_570, %scatter3A_571, %scatter3A_572, %scatter3A_573] : memref<2x2x8x8x129xf32, #tpu.memory_space<vmem>> -> memref<1x1x8x8x129xf32, #tpu.memory_space<vmem>>
        %scatter3A_575 = tpu.memref_squeeze %scatter3A_574 : memref<1x1x8x8x129xf32, #tpu.memory_space<vmem>> -> memref<8x8x129xf32, #tpu.memory_space<vmem>>
        tpu.vector_store_idx %scatter3A_575[%shift_right_arithmetic3A_5, %and3A_28, %broadcast_in_dim3A_553], %add3A_568 : memref<8x8x129xf32, #tpu.memory_space<vmem>>[vector<16xi32>, vector<16xi32>, vector<16xi32>], vector<16xf32>,
        %get3A_576 = arith.constant 0 : i32
        %get3A_577 = arith.constant 0 : i32
        %get3A_578 = arith.index_cast %get3A_576 : i32 to index
        %get3A_579 = arith.index_cast %get3A_577 : i32 to index
        %get3A_580 = arith.index_cast %scan3A_552 : i32 to index
        %get3A_581 = arith.constant 16 : index
        %get3A_582 = tpu.vector_load %arg9[%get3A_578, %get3A_579, %get3A_580, %get3A_581] {strides = array<i32>} : memref<2x2x128x64xf32, #tpu.memory_space<vmem>>, vector<16xf32>,
        %get3A_583 = arith.constant 0 : i32
        %get3A_584 = arith.constant 0 : i32
        %get3A_585 = arith.index_cast %get3A_583 : i32 to index
        %get3A_586 = arith.index_cast %get3A_584 : i32 to index
        %get3A_587 = arith.index_cast %scan3A_552 : i32 to index
        %get3A_588 = arith.constant 16 : index
        %get3A_589 = tpu.vector_load %arg10[%get3A_585, %get3A_586, %get3A_587, %get3A_588] {strides = array<i32>} : memref<2x2x128x64xf32, #tpu.memory_space<vmem>>, vector<16xf32>,
        %add3A_590 = arith.addf %get3A_582, %get3A_589 : vector<16xf32>
        %scatter3A_591 = arith.constant 0 : i32
        %scatter3A_592 = arith.constant 0 : i32
        %scatter3A_593 = arith.constant 0 : i32
        %scatter3A_594 = arith.constant 0 : i32
        %scatter3A_595 = arith.constant 0 : i32
        %scatter3A_596 = tpu.memref_slice %arg11[%scatter3A_591, %scatter3A_592, %scatter3A_593, %scatter3A_594, %scatter3A_595] : memref<2x2x8x8x129xf32, #tpu.memory_space<vmem>> -> memref<1x1x8x8x129xf32, #tpu.memory_space<vmem>>
        %scatter3A_597 = tpu.memref_squeeze %scatter3A_596 : memref<1x1x8x8x129xf32, #tpu.memory_space<vmem>> -> memref<8x8x129xf32, #tpu.memory_space<vmem>>
        tpu.vector_store_idx %scatter3A_597[%shift_right_arithmetic3A_11, %and3A_34, %broadcast_in_dim3A_553], %add3A_590 : memref<8x8x129xf32, #tpu.memory_space<vmem>>[vector<16xi32>, vector<16xi32>, vector<16xi32>], vector<16xf32>,
        %get3A_598 = arith.constant 0 : i32
        %get3A_599 = arith.constant 0 : i32
        %get3A_600 = arith.index_cast %get3A_598 : i32 to index
        %get3A_601 = arith.index_cast %get3A_599 : i32 to index
        %get3A_602 = arith.index_cast %scan3A_552 : i32 to index
        %get3A_603 = arith.constant 32 : index
        %get3A_604 = tpu.vector_load %arg9[%get3A_600, %get3A_601, %get3A_602, %get3A_603] {strides = array<i32>} : memref<2x2x128x64xf32, #tpu.memory_space<vmem>>, vector<16xf32>,
        %get3A_605 = arith.constant 0 : i32
        %get3A_606 = arith.constant 0 : i32
        %get3A_607 = arith.index_cast %get3A_605 : i32 to index
        %get3A_608 = arith.index_cast %get3A_606 : i32 to index
        %get3A_609 = arith.index_cast %scan3A_552 : i32 to index
        %get3A_610 = arith.constant 32 : index
        %get3A_611 = tpu.vector_load %arg10[%get3A_607, %get3A_608, %get3A_609, %get3A_610] {strides = array<i32>} : memref<2x2x128x64xf32, #tpu.memory_space<vmem>>, vector<16xf32>,
        %add3A_612 = arith.addf %get3A_604, %get3A_611 : vector<16xf32>
        %scatter3A_613 = arith.constant 0 : i32
        %scatter3A_614 = arith.constant 0 : i32
        %scatter3A_615 = arith.constant 0 : i32
        %scatter3A_616 = arith.constant 0 : i32
        %scatter3A_617 = arith.constant 0 : i32
        %scatter3A_618 = tpu.memref_slice %arg11[%scatter3A_613, %scatter3A_614, %scatter3A_615, %scatter3A_616, %scatter3A_617] : memref<2x2x8x8x129xf32, #tpu.memory_space<vmem>> -> memref<1x1x8x8x129xf32, #tpu.memory_space<vmem>>
        %scatter3A_619 = tpu.memref_squeeze %scatter3A_618 : memref<1x1x8x8x129xf32, #tpu.memory_space<vmem>> -> memref<8x8x129xf32, #tpu.memory_space<vmem>>
        tpu.vector_store_idx %scatter3A_619[%shift_right_arithmetic3A_17, %and3A_40, %broadcast_in_dim3A_553], %add3A_612 : memref<8x8x129xf32, #tpu.memory_space<vmem>>[vector<16xi32>, vector<16xi32>, vector<16xi32>], vector<16xf32>,
        %get3A_620 = arith.constant 0 : i32
        %get3A_621 = arith.constant 0 : i32
        %get3A_622 = arith.index_cast %get3A_620 : i32 to index
        %get3A_623 = arith.index_cast %get3A_621 : i32 to index
        %get3A_624 = arith.index_cast %scan3A_552 : i32 to index
        %get3A_625 = arith.constant 48 : index
        %get3A_626 = tpu.vector_load %arg9[%get3A_622, %get3A_623, %get3A_624, %get3A_625] {strides = array<i32>} : memref<2x2x128x64xf32, #tpu.memory_space<vmem>>, vector<16xf32>,
        %get3A_627 = arith.constant 0 : i32
        %get3A_628 = arith.constant 0 : i32
        %get3A_629 = arith.index_cast %get3A_627 : i32 to index
        %get3A_630 = arith.index_cast %get3A_628 : i32 to index
        %get3A_631 = arith.index_cast %scan3A_552 : i32 to index
        %get3A_632 = arith.constant 48 : index
        %get3A_633 = tpu.vector_load %arg10[%get3A_629, %get3A_630, %get3A_631, %get3A_632] {strides = array<i32>} : memref<2x2x128x64xf32, #tpu.memory_space<vmem>>, vector<16xf32>,
        %add3A_634 = arith.addf %get3A_626, %get3A_633 : vector<16xf32>
        %scatter3A_635 = arith.constant 0 : i32
        %scatter3A_636 = arith.constant 0 : i32
        %scatter3A_637 = arith.constant 0 : i32
        %scatter3A_638 = arith.constant 0 : i32
        %scatter3A_639 = arith.constant 0 : i32
        %scatter3A_640 = tpu.memref_slice %arg11[%scatter3A_635, %scatter3A_636, %scatter3A_637, %scatter3A_638, %scatter3A_639] : memref<2x2x8x8x129xf32, #tpu.memory_space<vmem>> -> memref<1x1x8x8x129xf32, #tpu.memory_space<vmem>>
        %scatter3A_641 = tpu.memref_squeeze %scatter3A_640 : memref<1x1x8x8x129xf32, #tpu.memory_space<vmem>> -> memref<8x8x129xf32, #tpu.memory_space<vmem>>
        tpu.vector_store_idx %scatter3A_641[%shift_right_arithmetic3A_23, %and3A_46, %broadcast_in_dim3A_553], %add3A_634 : memref<8x8x129xf32, #tpu.memory_space<vmem>>[vector<16xi32>, vector<16xi32>, vector<16xi32>], vector<16xf32>,
      }
      %scan3A_271 = arith.constant 128 : i32
      %scan3A_272 = arith.constant 0 : i32
      %scan3A_273 = arith.constant 0 : i32
      %scan3A_274 = arith.constant 128 : i32
      %scan3A_275 = arith.addi %scan3A_273, %scan3A_274 : i32
      %scan3A_276 = arith.constant 2 : i32
      scf.for %scan3A_464 = %scan3A_273 to %scan3A_275 step %scan3A_276  : i32 {
        %broadcast_in_dim3A = vector.broadcast %scan3A_464 : i32 to vector<16xi32>
        %get3A = arith.constant 0 : i32
        %get3A_465 = arith.constant 1 : i32
        %get3A_466 = arith.index_cast %get3A : i32 to index
        %get3A_467 = arith.index_cast %get3A_465 : i32 to index
        %get3A_468 = arith.index_cast %scan3A_464 : i32 to index
        %get3A_469 = arith.constant 0 : index
        %get3A_470 = tpu.vector_load %arg9[%get3A_466, %get3A_467, %get3A_468, %get3A_469] {strides = array<i32>} : memref<2x2x128x64xf32, #tpu.memory_space<vmem>>, vector<16xf32>,
        %get3A_471 = arith.constant 0 : i32
        %get3A_472 = arith.constant 1 : i32
        %get3A_473 = arith.index_cast %get3A_471 : i32 to index
        %get3A_474 = arith.index_cast %get3A_472 : i32 to index
        %get3A_475 = arith.index_cast %scan3A_464 : i32 to index
        %get3A_476 = arith.constant 0 : index
        %get3A_477 = tpu.vector_load %arg10[%get3A_473, %get3A_474, %get3A_475, %get3A_476] {strides = array<i32>} : memref<2x2x128x64xf32, #tpu.memory_space<vmem>>, vector<16xf32>,
        %add3A_478 = arith.addf %get3A_470, %get3A_477 : vector<16xf32>
        %scatter3A = arith.constant 0 : i32
        %scatter3A_479 = arith.constant 1 : i32
        %scatter3A_480 = arith.constant 0 : i32
        %scatter3A_481 = arith.constant 0 : i32
        %scatter3A_482 = arith.constant 0 : i32
        %scatter3A_483 = tpu.memref_slice %arg11[%scatter3A, %scatter3A_479, %scatter3A_480, %scatter3A_481, %scatter3A_482] : memref<2x2x8x8x129xf32, #tpu.memory_space<vmem>> -> memref<1x1x8x8x129xf32, #tpu.memory_space<vmem>>
        %scatter3A_484 = tpu.memref_squeeze %scatter3A_483 : memref<1x1x8x8x129xf32, #tpu.memory_space<vmem>> -> memref<8x8x129xf32, #tpu.memory_space<vmem>>
        tpu.vector_store_idx %scatter3A_484[%shift_right_arithmetic3A_5, %and3A_28, %broadcast_in_dim3A], %add3A_478 : memref<8x8x129xf32, #tpu.memory_space<vmem>>[vector<16xi32>, vector<16xi32>, vector<16xi32>], vector<16xf32>,
        %get3A_485 = arith.constant 0 : i32
        %get3A_486 = arith.constant 1 : i32
        %get3A_487 = arith.index_cast %get3A_485 : i32 to index
        %get3A_488 = arith.index_cast %get3A_486 : i32 to index
        %get3A_489 = arith.index_cast %scan3A_464 : i32 to index
        %get3A_490 = arith.constant 16 : index
        %get3A_491 = tpu.vector_load %arg9[%get3A_487, %get3A_488, %get3A_489, %get3A_490] {strides = array<i32>} : memref<2x2x128x64xf32, #tpu.memory_space<vmem>>, vector<16xf32>,
        %get3A_492 = arith.constant 0 : i32
        %get3A_493 = arith.constant 1 : i32
        %get3A_494 = arith.index_cast %get3A_492 : i32 to index
        %get3A_495 = arith.index_cast %get3A_493 : i32 to index
        %get3A_496 = arith.index_cast %scan3A_464 : i32 to index
        %get3A_497 = arith.constant 16 : index
        %get3A_498 = tpu.vector_load %arg10[%get3A_494, %get3A_495, %get3A_496, %get3A_497] {strides = array<i32>} : memref<2x2x128x64xf32, #tpu.memory_space<vmem>>, vector<16xf32>,
        %add3A_499 = arith.addf %get3A_491, %get3A_498 : vector<16xf32>
        %scatter3A_500 = arith.constant 0 : i32
        %scatter3A_501 = arith.constant 1 : i32
        %scatter3A_502 = arith.constant 0 : i32
        %scatter3A_503 = arith.constant 0 : i32
        %scatter3A_504 = arith.constant 0 : i32
        %scatter3A_505 = tpu.memref_slice %arg11[%scatter3A_500, %scatter3A_501, %scatter3A_502, %scatter3A_503, %scatter3A_504] : memref<2x2x8x8x129xf32, #tpu.memory_space<vmem>> -> memref<1x1x8x8x129xf32, #tpu.memory_space<vmem>>
        %scatter3A_506 = tpu.memref_squeeze %scatter3A_505 : memref<1x1x8x8x129xf32, #tpu.memory_space<vmem>> -> memref<8x8x129xf32, #tpu.memory_space<vmem>>
        tpu.vector_store_idx %scatter3A_506[%shift_right_arithmetic3A_11, %and3A_34, %broadcast_in_dim3A], %add3A_499 : memref<8x8x129xf32, #tpu.memory_space<vmem>>[vector<16xi32>, vector<16xi32>, vector<16xi32>], vector<16xf32>,
        %get3A_507 = arith.constant 0 : i32
        %get3A_508 = arith.constant 1 : i32
        %get3A_509 = arith.index_cast %get3A_507 : i32 to index
        %get3A_510 = arith.index_cast %get3A_508 : i32 to index
        %get3A_511 = arith.index_cast %scan3A_464 : i32 to index
        %get3A_512 = arith.constant 32 : index
        %get3A_513 = tpu.vector_load %arg9[%get3A_509, %get3A_510, %get3A_511, %get3A_512] {strides = array<i32>} : memref<2x2x128x64xf32, #tpu.memory_space<vmem>>, vector<16xf32>,
        %get3A_514 = arith.constant 0 : i32
        %get3A_515 = arith.constant 1 : i32
        %get3A_516 = arith.index_cast %get3A_514 : i32 to index
        %get3A_517 = arith.index_cast %get3A_515 : i32 to index
        %get3A_518 = arith.index_cast %scan3A_464 : i32 to index
        %get3A_519 = arith.constant 32 : index
        %get3A_520 = tpu.vector_load %arg10[%get3A_516, %get3A_517, %get3A_518, %get3A_519] {strides = array<i32>} : memref<2x2x128x64xf32, #tpu.memory_space<vmem>>, vector<16xf32>,
        %add3A_521 = arith.addf %get3A_513, %get3A_520 : vector<16xf32>
        %scatter3A_522 = arith.constant 0 : i32
        %scatter3A_523 = arith.constant 1 : i32
        %scatter3A_524 = arith.constant 0 : i32
        %scatter3A_525 = arith.constant 0 : i32
        %scatter3A_526 = arith.constant 0 : i32
        %scatter3A_527 = tpu.memref_slice %arg11[%scatter3A_522, %scatter3A_523, %scatter3A_524, %scatter3A_525, %scatter3A_526] : memref<2x2x8x8x129xf32, #tpu.memory_space<vmem>> -> memref<1x1x8x8x129xf32, #tpu.memory_space<vmem>>
        %scatter3A_528 = tpu.memref_squeeze %scatter3A_527 : memref<1x1x8x8x129xf32, #tpu.memory_space<vmem>> -> memref<8x8x129xf32, #tpu.memory_space<vmem>>
        tpu.vector_store_idx %scatter3A_528[%shift_right_arithmetic3A_17, %and3A_40, %broadcast_in_dim3A], %add3A_521 : memref<8x8x129xf32, #tpu.memory_space<vmem>>[vector<16xi32>, vector<16xi32>, vector<16xi32>], vector<16xf32>,
        %get3A_529 = arith.constant 0 : i32
        %get3A_530 = arith.constant 1 : i32
        %get3A_531 = arith.index_cast %get3A_529 : i32 to index
        %get3A_532 = arith.index_cast %get3A_530 : i32 to index
        %get3A_533 = arith.index_cast %scan3A_464 : i32 to index
        %get3A_534 = arith.constant 48 : index
        %get3A_535 = tpu.vector_load %arg9[%get3A_531, %get3A_532, %get3A_533, %get3A_534] {strides = array<i32>} : memref<2x2x128x64xf32, #tpu.memory_space<vmem>>, vector<16xf32>,
        %get3A_536 = arith.constant 0 : i32
        %get3A_537 = arith.constant 1 : i32
        %get3A_538 = arith.index_cast %get3A_536 : i32 to index
        %get3A_539 = arith.index_cast %get3A_537 : i32 to index
        %get3A_540 = arith.index_cast %scan3A_464 : i32 to index
        %get3A_541 = arith.constant 48 : index
        %get3A_542 = tpu.vector_load %arg10[%get3A_538, %get3A_539, %get3A_540, %get3A_541] {strides = array<i32>} : memref<2x2x128x64xf32, #tpu.memory_space<vmem>>, vector<16xf32>,
        %add3A_543 = arith.addf %get3A_535, %get3A_542 : vector<16xf32>
        %scatter3A_544 = arith.constant 0 : i32
        %scatter3A_545 = arith.constant 1 : i32
        %scatter3A_546 = arith.constant 0 : i32
        %scatter3A_547 = arith.constant 0 : i32
        %scatter3A_548 = arith.constant 0 : i32
        %scatter3A_549 = tpu.memref_slice %arg11[%scatter3A_544, %scatter3A_545, %scatter3A_546, %scatter3A_547, %scatter3A_548] : memref<2x2x8x8x129xf32, #tpu.memory_space<vmem>> -> memref<1x1x8x8x129xf32, #tpu.memory_space<vmem>>
        %scatter3A_550 = tpu.memref_squeeze %scatter3A_549 : memref<1x1x8x8x129xf32, #tpu.memory_space<vmem>> -> memref<8x8x129xf32, #tpu.memory_space<vmem>>
        tpu.vector_store_idx %scatter3A_550[%shift_right_arithmetic3A_23, %and3A_46, %broadcast_in_dim3A], %add3A_543 : memref<8x8x129xf32, #tpu.memory_space<vmem>>[vector<16xi32>, vector<16xi32>, vector<16xi32>], vector<16xf32>,
        %scan3A_551 = arith.constant 1 : i32
        %scan3A_552 = arith.addi %scan3A_464, %scan3A_551 : i32
        %broadcast_in_dim3A_553 = vector.broadcast %scan3A_552 : i32 to vector<16xi32>
        %get3A_554 = arith.constant 0 : i32
        %get3A_555 = arith.constant 1 : i32
        %get3A_556 = arith.index_cast %get3A_554 : i32 to index
        %get3A_557 = arith.index_cast %get3A_555 : i32 to index
        %get3A_558 = arith.index_cast %scan3A_552 : i32 to index
        %get3A_559 = arith.constant 0 : index
        %get3A_560 = tpu.vector_load %arg9[%get3A_556, %get3A_557, %get3A_558, %get3A_559] {strides = array<i32>} : memref<2x2x128x64xf32, #tpu.memory_space<vmem>>, vector<16xf32>,
        %get3A_561 = arith.constant 0 : i32
        %get3A_562 = arith.constant 1 : i32
        %get3A_563 = arith.index_cast %get3A_561 : i32 to index
        %get3A_564 = arith.index_cast %get3A_562 : i32 to index
        %get3A_565 = arith.index_cast %scan3A_552 : i32 to index
        %get3A_566 = arith.constant 0 : index
        %get3A_567 = tpu.vector_load %arg10[%get3A_563, %get3A_564, %get3A_565, %get3A_566] {strides = array<i32>} : memref<2x2x128x64xf32, #tpu.memory_space<vmem>>, vector<16xf32>,
        %add3A_568 = arith.addf %get3A_560, %get3A_567 : vector<16xf32>
        %scatter3A_569 = arith.constant 0 : i32
        %scatter3A_570 = arith.constant 1 : i32
        %scatter3A_571 = arith.constant 0 : i32
        %scatter3A_572 = arith.constant 0 : i32
        %scatter3A_573 = arith.constant 0 : i32
        %scatter3A_574 = tpu.memref_slice %arg11[%scatter3A_569, %scatter3A_570, %scatter3A_571, %scatter3A_572, %scatter3A_573] : memref<2x2x8x8x129xf32, #tpu.memory_space<vmem>> -> memref<1x1x8x8x129xf32, #tpu.memory_space<vmem>>
        %scatter3A_575 = tpu.memref_squeeze %scatter3A_574 : memref<1x1x8x8x129xf32, #tpu.memory_space<vmem>> -> memref<8x8x129xf32, #tpu.memory_space<vmem>>
        tpu.vector_store_idx %scatter3A_575[%shift_right_arithmetic3A_5, %and3A_28, %broadcast_in_dim3A_553], %add3A_568 : memref<8x8x129xf32, #tpu.memory_space<vmem>>[vector<16xi32>, vector<16xi32>, vector<16xi32>], vector<16xf32>,
        %get3A_576 = arith.constant 0 : i32
        %get3A_577 = arith.constant 1 : i32
        %get3A_578 = arith.index_cast %get3A_576 : i32 to index
        %get3A_579 = arith.index_cast %get3A_577 : i32 to index
        %get3A_580 = arith.index_cast %scan3A_552 : i32 to index
        %get3A_581 = arith.constant 16 : index
        %get3A_582 = tpu.vector_load %arg9[%get3A_578, %get3A_579, %get3A_580, %get3A_581] {strides = array<i32>} : memref<2x2x128x64xf32, #tpu.memory_space<vmem>>, vector<16xf32>,
        %get3A_583 = arith.constant 0 : i32
        %get3A_584 = arith.constant 1 : i32
        %get3A_585 = arith.index_cast %get3A_583 : i32 to index
        %get3A_586 = arith.index_cast %get3A_584 : i32 to index
        %get3A_587 = arith.index_cast %scan3A_552 : i32 to index
        %get3A_588 = arith.constant 16 : index
        %get3A_589 = tpu.vector_load %arg10[%get3A_585, %get3A_586, %get3A_587, %get3A_588] {strides = array<i32>} : memref<2x2x128x64xf32, #tpu.memory_space<vmem>>, vector<16xf32>,
        %add3A_590 = arith.addf %get3A_582, %get3A_589 : vector<16xf32>
        %scatter3A_591 = arith.constant 0 : i32
        %scatter3A_592 = arith.constant 1 : i32
        %scatter3A_593 = arith.constant 0 : i32
        %scatter3A_594 = arith.constant 0 : i32
        %scatter3A_595 = arith.constant 0 : i32
        %scatter3A_596 = tpu.memref_slice %arg11[%scatter3A_591, %scatter3A_592, %scatter3A_593, %scatter3A_594, %scatter3A_595] : memref<2x2x8x8x129xf32, #tpu.memory_space<vmem>> -> memref<1x1x8x8x129xf32, #tpu.memory_space<vmem>>
        %scatter3A_597 = tpu.memref_squeeze %scatter3A_596 : memref<1x1x8x8x129xf32, #tpu.memory_space<vmem>> -> memref<8x8x129xf32, #tpu.memory_space<vmem>>
        tpu.vector_store_idx %scatter3A_597[%shift_right_arithmetic3A_11, %and3A_34, %broadcast_in_dim3A_553], %add3A_590 : memref<8x8x129xf32, #tpu.memory_space<vmem>>[vector<16xi32>, vector<16xi32>, vector<16xi32>], vector<16xf32>,
        %get3A_598 = arith.constant 0 : i32
        %get3A_599 = arith.constant 1 : i32
        %get3A_600 = arith.index_cast %get3A_598 : i32 to index
        %get3A_601 = arith.index_cast %get3A_599 : i32 to index
        %get3A_602 = arith.index_cast %scan3A_552 : i32 to index
        %get3A_603 = arith.constant 32 : index
        %get3A_604 = tpu.vector_load %arg9[%get3A_600, %get3A_601, %get3A_602, %get3A_603] {strides = array<i32>} : memref<2x2x128x64xf32, #tpu.memory_space<vmem>>, vector<16xf32>,
        %get3A_605 = arith.constant 0 : i32
        %get3A_606 = arith.constant 1 : i32
        %get3A_607 = arith.index_cast %get3A_605 : i32 to index
        %get3A_608 = arith.index_cast %get3A_606 : i32 to index
        %get3A_609 = arith.index_cast %scan3A_552 : i32 to index
        %get3A_610 = arith.constant 32 : index
        %get3A_611 = tpu.vector_load %arg10[%get3A_607, %get3A_608, %get3A_609, %get3A_610] {strides = array<i32>} : memref<2x2x128x64xf32, #tpu.memory_space<vmem>>, vector<16xf32>,
        %add3A_612 = arith.addf %get3A_604, %get3A_611 : vector<16xf32>
        %scatter3A_613 = arith.constant 0 : i32
        %scatter3A_614 = arith.constant 1 : i32
        %scatter3A_615 = arith.constant 0 : i32
        %scatter3A_616 = arith.constant 0 : i32
        %scatter3A_617 = arith.constant 0 : i32
        %scatter3A_618 = tpu.memref_slice %arg11[%scatter3A_613, %scatter3A_614, %scatter3A_615, %scatter3A_616, %scatter3A_617] : memref<2x2x8x8x129xf32, #tpu.memory_space<vmem>> -> memref<1x1x8x8x129xf32, #tpu.memory_space<vmem>>
        %scatter3A_619 = tpu.memref_squeeze %scatter3A_618 : memref<1x1x8x8x129xf32, #tpu.memory_space<vmem>> -> memref<8x8x129xf32, #tpu.memory_space<vmem>>
        tpu.vector_store_idx %scatter3A_619[%shift_right_arithmetic3A_17, %and3A_40, %broadcast_in_dim3A_553], %add3A_612 : memref<8x8x129xf32, #tpu.memory_space<vmem>>[vector<16xi32>, vector<16xi32>, vector<16xi32>], vector<16xf32>,
        %get3A_620 = arith.constant 0 : i32
        %get3A_621 = arith.constant 1 : i32
        %get3A_622 = arith.index_cast %get3A_620 : i32 to index
        %get3A_623 = arith.index_cast %get3A_621 : i32 to index
        %get3A_624 = arith.index_cast %scan3A_552 : i32 to index
        %get3A_625 = arith.constant 48 : index
        %get3A_626 = tpu.vector_load %arg9[%get3A_622, %get3A_623, %get3A_624, %get3A_625] {strides = array<i32>} : memref<2x2x128x64xf32, #tpu.memory_space<vmem>>, vector<16xf32>,
        %get3A_627 = arith.constant 0 : i32
        %get3A_628 = arith.constant 1 : i32
        %get3A_629 = arith.index_cast %get3A_627 : i32 to index
        %get3A_630 = arith.index_cast %get3A_628 : i32 to index
        %get3A_631 = arith.index_cast %scan3A_552 : i32 to index
        %get3A_632 = arith.constant 48 : index
        %get3A_633 = tpu.vector_load %arg10[%get3A_629, %get3A_630, %get3A_631, %get3A_632] {strides = array<i32>} : memref<2x2x128x64xf32, #tpu.memory_space<vmem>>, vector<16xf32>,
        %add3A_634 = arith.addf %get3A_626, %get3A_633 : vector<16xf32>
        %scatter3A_635 = arith.constant 0 : i32
        %scatter3A_636 = arith.constant 1 : i32
        %scatter3A_637 = arith.constant 0 : i32
        %scatter3A_638 = arith.constant 0 : i32
        %scatter3A_639 = arith.constant 0 : i32
        %scatter3A_640 = tpu.memref_slice %arg11[%scatter3A_635, %scatter3A_636, %scatter3A_637, %scatter3A_638, %scatter3A_639] : memref<2x2x8x8x129xf32, #tpu.memory_space<vmem>> -> memref<1x1x8x8x129xf32, #tpu.memory_space<vmem>>
        %scatter3A_641 = tpu.memref_squeeze %scatter3A_640 : memref<1x1x8x8x129xf32, #tpu.memory_space<vmem>> -> memref<8x8x129xf32, #tpu.memory_space<vmem>>
        tpu.vector_store_idx %scatter3A_641[%shift_right_arithmetic3A_23, %and3A_46, %broadcast_in_dim3A_553], %add3A_634 : memref<8x8x129xf32, #tpu.memory_space<vmem>>[vector<16xi32>, vector<16xi32>, vector<16xi32>], vector<16xf32>,
      }
      %scan3A_277 = arith.constant 128 : i32
      %mul3A_278 = arith.constant 2 : i32
      %mul3A_279 = arith.muli %add3A_203, %mul3A_278 : i32
      %add3A_280 = arith.constant 0 : i32
      %add3A_281 = arith.addi %mul3A_279, %add3A_280 : i32
      %dma_start3A_282 = arith.constant 0 : i32
      %dma_start3A_283 = arith.constant 0 : i32
      %dma_start3A_284 = arith.constant 0 : i32
      %dma_start3A_285 = arith.constant 0 : i32
      %dma_start3A_286 = arith.constant 0 : i32
      %dma_start3A_287 = tpu.memref_slice %arg11[%dma_start3A_282, %dma_start3A_283, %dma_start3A_284, %dma_start3A_285, %dma_start3A_286] : memref<2x2x8x8x129xf32, #tpu.memory_space<vmem>> -> memref<1x1x8x8x128xf32, #tpu.memory_space<vmem>>
      %dma_start3A_288 = tpu.memref_squeeze %dma_start3A_287 : memref<1x1x8x8x128xf32, #tpu.memory_space<vmem>> -> memref<8x8x128xf32, #tpu.memory_space<vmem>>
      %dma_start3A_289 = arith.constant 0 : i32
      %dma_start3A_290 = arith.constant 0 : i32
      %dma_start3A_291 = arith.constant 0 : i32
      %dma_start3A_292 = tpu.memref_slice %arg6[%add3A_281, %dma_start3A_289, %add3A, %dma_start3A_290, %dma_start3A_291] : memref<200x8x32x8x128xf32, #tpu.memory_space<hbm>> -> memref<1x8x1x8x128xf32, #tpu.memory_space<hbm>>
      %dma_start3A_293 = tpu.memref_squeeze %dma_start3A_292 : memref<1x8x1x8x128xf32, #tpu.memory_space<hbm>> -> memref<8x8x128xf32, #tpu.memory_space<hbm>>
      %dma_start3A_294 = arith.constant 0 : i32
      %dma_start3A_295 = arith.constant 0 : i32
      %dma_start3A_296 = arith.constant 0 : i32
      %dma_start3A_297 = tpu.memref_slice %arg6[%add3A_281, %dma_start3A_294, %add3A, %dma_start3A_295, %dma_start3A_296] : memref<200x8x32x8x128xf32, #tpu.memory_space<hbm>> -> memref<1x8x1x8x128xf32, #tpu.memory_space<hbm>>
      %dma_start3A_298 = tpu.memref_squeeze %dma_start3A_297 : memref<1x8x1x8x128xf32, #tpu.memory_space<hbm>> -> memref<8x8x128xf32, #tpu.memory_space<hbm>>
      %dma_start3A_299 = arith.constant 0 : i32
      %dma_start3A_300 = arith.constant 0 : i32
      %dma_start3A_301 = arith.constant 0 : i32
      %dma_start3A_302 = tpu.memref_slice %arg11[%dma_start3A_282, %dma_start3A_283, %dma_start3A_299, %dma_start3A_300, %dma_start3A_301] : memref<2x2x8x8x129xf32, #tpu.memory_space<vmem>> -> memref<1x1x8x8x128xf32, #tpu.memory_space<vmem>>
      %dma_start3A_303 = tpu.memref_squeeze %dma_start3A_302 : memref<1x1x8x8x128xf32, #tpu.memory_space<vmem>> -> memref<8x8x128xf32, #tpu.memory_space<vmem>>
      tpu.enqueue_dma source(%dma_start3A_303 : memref<8x8x128xf32, #tpu.memory_space<vmem>>) target(%dma_start3A_298 : memref<8x8x128xf32, #tpu.memory_space<hbm>>) target_semaphore(%arg14 : memref<!tpu.dma_semaphore, #tpu.memory_space<semaphore_mem>>)
      %mul3A_304 = arith.constant 2 : i32
      %mul3A_305 = arith.muli %add3A_203, %mul3A_304 : i32
      %add3A_306 = arith.constant 1 : i32
      %add3A_307 = arith.addi %mul3A_305, %add3A_306 : i32
      %dma_start3A_308 = arith.constant 0 : i32
      %dma_start3A_309 = arith.constant 1 : i32
      %dma_start3A_310 = arith.constant 0 : i32
      %dma_start3A_311 = arith.constant 0 : i32
      %dma_start3A_312 = arith.constant 0 : i32
      %dma_start3A_313 = tpu.memref_slice %arg11[%dma_start3A_308, %dma_start3A_309, %dma_start3A_310, %dma_start3A_311, %dma_start3A_312] : memref<2x2x8x8x129xf32, #tpu.memory_space<vmem>> -> memref<1x1x8x8x128xf32, #tpu.memory_space<vmem>>
      %dma_start3A_314 = tpu.memref_squeeze %dma_start3A_313 : memref<1x1x8x8x128xf32, #tpu.memory_space<vmem>> -> memref<8x8x128xf32, #tpu.memory_space<vmem>>
      %dma_start3A_315 = arith.constant 0 : i32
      %dma_start3A_316 = arith.constant 0 : i32
      %dma_start3A_317 = arith.constant 0 : i32
      %dma_start3A_318 = tpu.memref_slice %arg6[%add3A_307, %dma_start3A_315, %add3A, %dma_start3A_316, %dma_start3A_317] : memref<200x8x32x8x128xf32, #tpu.memory_space<hbm>> -> memref<1x8x1x8x128xf32, #tpu.memory_space<hbm>>
      %dma_start3A_319 = tpu.memref_squeeze %dma_start3A_318 : memref<1x8x1x8x128xf32, #tpu.memory_space<hbm>> -> memref<8x8x128xf32, #tpu.memory_space<hbm>>
      %dma_start3A_320 = arith.constant 0 : i32
      %dma_start3A_321 = arith.constant 0 : i32
      %dma_start3A_322 = arith.constant 0 : i32
      %dma_start3A_323 = tpu.memref_slice %arg6[%add3A_307, %dma_start3A_320, %add3A, %dma_start3A_321, %dma_start3A_322] : memref<200x8x32x8x128xf32, #tpu.memory_space<hbm>> -> memref<1x8x1x8x128xf32, #tpu.memory_space<hbm>>
      %dma_start3A_324 = tpu.memref_squeeze %dma_start3A_323 : memref<1x8x1x8x128xf32, #tpu.memory_space<hbm>> -> memref<8x8x128xf32, #tpu.memory_space<hbm>>
      %dma_start3A_325 = arith.constant 0 : i32
      %dma_start3A_326 = arith.constant 0 : i32
      %dma_start3A_327 = arith.constant 0 : i32
      %dma_start3A_328 = tpu.memref_slice %arg11[%dma_start3A_308, %dma_start3A_309, %dma_start3A_325, %dma_start3A_326, %dma_start3A_327] : memref<2x2x8x8x129xf32, #tpu.memory_space<vmem>> -> memref<1x1x8x8x128xf32, #tpu.memory_space<vmem>>
      %dma_start3A_329 = tpu.memref_squeeze %dma_start3A_328 : memref<1x1x8x8x128xf32, #tpu.memory_space<vmem>> -> memref<8x8x128xf32, #tpu.memory_space<vmem>>
      tpu.enqueue_dma source(%dma_start3A_329 : memref<8x8x128xf32, #tpu.memory_space<vmem>>) target(%dma_start3A_324 : memref<8x8x128xf32, #tpu.memory_space<hbm>>) target_semaphore(%arg14 : memref<!tpu.dma_semaphore, #tpu.memory_space<semaphore_mem>>)
      %mul3A_330 = arith.constant 2 : i32
      %mul3A_331 = arith.muli %scan3A_199, %mul3A_330 : i32
      %add3A_332 = arith.constant 1 : i32
      %add3A_333 = arith.addi %mul3A_331, %add3A_332 : i32
      %lt3A_334 = arith.constant 99 : i32
      %lt3A_335 = arith.cmpi slt, %add3A_333, %lt3A_334 : i32
      %convert_element_type3A_336 = arith.extui %lt3A_335 : i1 to i32
      %cond3A_337 = arith.constant 0 : i32
      %cond3A_338 = arith.cmpi ne, %convert_element_type3A_336, %cond3A_337 : i32
      scf.if %cond3A_338 {
        %add3A_464 = arith.constant 1 : i32
        %add3A_465 = arith.addi %add3A_333, %add3A_464 : i32
        %mul3A_466 = arith.constant 2 : i32
        %mul3A_467 = arith.muli %add3A_465, %mul3A_466 : i32
        %run_scoped3A_468 = arith.constant 0 : i32
        "tpu.region"() ({
          %run_scoped3A_528 = tpu.sem_alloc : memref<!tpu.dma_semaphore, #tpu.memory_space<semaphore_mem>>
          %dma_start3A_529 = arith.constant 0 : i32
          %dma_start3A_530 = arith.constant 0 : i32
          %dma_start3A_531 = tpu.memref_slice %arg7[%run_scoped3A_468, %dma_start3A_529, %dma_start3A_530] : memref<2x2x128xi32, #tpu.memory_space<vmem>> -> memref<1x2x128xi32, #tpu.memory_space<vmem>>
          %dma_start3A_532 = tpu.memref_squeeze %dma_start3A_531 : memref<1x2x128xi32, #tpu.memory_space<vmem>> -> memref<2x128xi32, #tpu.memory_space<vmem>>
          %dma_start3A_533 = arith.constant 0 : i32
          %dma_start3A_534 = tpu.memref_slice %arg2[%mul3A_467, %add3A, %dma_start3A_533] : memref<200x32x128xi32, #tpu.memory_space<hbm>> -> memref<2x1x128xi32, #tpu.memory_space<hbm>>
          %dma_start3A_535 = tpu.memref_squeeze %dma_start3A_534 : memref<2x1x128xi32, #tpu.memory_space<hbm>> -> memref<2x128xi32, #tpu.memory_space<hbm>>
          %dma_start3A_536 = arith.constant 0 : i32
          %dma_start3A_537 = arith.constant 0 : i32
          %dma_start3A_538 = tpu.memref_slice %arg7[%run_scoped3A_468, %dma_start3A_536, %dma_start3A_537] : memref<2x2x128xi32, #tpu.memory_space<vmem>> -> memref<1x2x128xi32, #tpu.memory_space<vmem>>
          %dma_start3A_539 = tpu.memref_squeeze %dma_start3A_538 : memref<1x2x128xi32, #tpu.memory_space<vmem>> -> memref<2x128xi32, #tpu.memory_space<vmem>>
          %dma_start3A_540 = arith.constant 0 : i32
          %dma_start3A_541 = tpu.memref_slice %arg2[%mul3A_467, %add3A, %dma_start3A_540] : memref<200x32x128xi32, #tpu.memory_space<hbm>> -> memref<2x1x128xi32, #tpu.memory_space<hbm>>
          %dma_start3A_542 = tpu.memref_squeeze %dma_start3A_541 : memref<2x1x128xi32, #tpu.memory_space<hbm>> -> memref<2x128xi32, #tpu.memory_space<hbm>>
          tpu.enqueue_dma source(%dma_start3A_542 : memref<2x128xi32, #tpu.memory_space<hbm>>) target(%dma_start3A_539 : memref<2x128xi32, #tpu.memory_space<vmem>>) target_semaphore(%run_scoped3A_528 : memref<!tpu.dma_semaphore, #tpu.memory_space<semaphore_mem>>)
          %dma_wait3A_543 = arith.constant 0 : i32
          %dma_wait3A_544 = arith.constant 0 : i32
          %dma_wait3A_545 = tpu.memref_slice %arg7[%run_scoped3A_468, %dma_wait3A_543, %dma_wait3A_544] : memref<2x2x128xi32, #tpu.memory_space<vmem>> -> memref<1x2x128xi32, #tpu.memory_space<vmem>>
          %dma_wait3A_546 = tpu.memref_squeeze %dma_wait3A_545 : memref<1x2x128xi32, #tpu.memory_space<vmem>> -> memref<2x128xi32, #tpu.memory_space<vmem>>
          %dma_wait3A_547 = arith.constant 0 : i32
          %dma_wait3A_548 = tpu.memref_slice %arg2[%mul3A_467, %add3A, %dma_wait3A_547] : memref<200x32x128xi32, #tpu.memory_space<hbm>> -> memref<2x1x128xi32, #tpu.memory_space<hbm>>
          %dma_wait3A_549 = tpu.memref_squeeze %dma_wait3A_548 : memref<2x1x128xi32, #tpu.memory_space<hbm>> -> memref<2x128xi32, #tpu.memory_space<hbm>>
          %dma_wait3A_550 = arith.constant 0 : i32
          %dma_wait3A_551 = arith.constant 0 : i32
          %dma_wait3A_552 = tpu.memref_slice %arg7[%run_scoped3A_468, %dma_wait3A_550, %dma_wait3A_551] : memref<2x2x128xi32, #tpu.memory_space<vmem>> -> memref<1x2x128xi32, #tpu.memory_space<vmem>>
          %dma_wait3A_553 = tpu.memref_squeeze %dma_wait3A_552 : memref<1x2x128xi32, #tpu.memory_space<vmem>> -> memref<2x128xi32, #tpu.memory_space<vmem>>
          %dma_wait3A_554 = arith.constant 0 : i32
          %dma_wait3A_555 = tpu.memref_slice %arg2[%mul3A_467, %add3A, %dma_wait3A_554] : memref<200x32x128xi32, #tpu.memory_space<hbm>> -> memref<2x1x128xi32, #tpu.memory_space<hbm>>
          %dma_wait3A_556 = tpu.memref_squeeze %dma_wait3A_555 : memref<2x1x128xi32, #tpu.memory_space<hbm>> -> memref<2x128xi32, #tpu.memory_space<hbm>>
          tpu.wait_dma2 semaphore(%run_scoped3A_528 : memref<!tpu.dma_semaphore, #tpu.memory_space<semaphore_mem>>) src(%dma_wait3A_556 : memref<2x128xi32, #tpu.memory_space<hbm>>) dst(%dma_wait3A_553 : memref<2x128xi32, #tpu.memory_space<vmem>>)
          tpu.yield
        }) : () -> ()
        %mul3A_469 = arith.constant 2 : i32
        %mul3A_470 = arith.muli %add3A_465, %mul3A_469 : i32
        %run_scoped3A_471 = arith.constant 0 : i32
        "tpu.region"() ({
          %run_scoped3A_528 = tpu.sem_alloc : memref<!tpu.dma_semaphore, #tpu.memory_space<semaphore_mem>>
          %dma_start3A_529 = arith.constant 0 : i32
          %dma_start3A_530 = arith.constant 0 : i32
          %dma_start3A_531 = tpu.memref_slice %arg8[%run_scoped3A_471, %dma_start3A_529, %dma_start3A_530] : memref<2x2x128xi32, #tpu.memory_space<vmem>> -> memref<1x2x128xi32, #tpu.memory_space<vmem>>
          %dma_start3A_532 = tpu.memref_squeeze %dma_start3A_531 : memref<1x2x128xi32, #tpu.memory_space<vmem>> -> memref<2x128xi32, #tpu.memory_space<vmem>>
          %dma_start3A_533 = arith.constant 0 : i32
          %dma_start3A_534 = tpu.memref_slice %arg3[%mul3A_470, %add3A, %dma_start3A_533] : memref<200x32x128xi32, #tpu.memory_space<hbm>> -> memref<2x1x128xi32, #tpu.memory_space<hbm>>
          %dma_start3A_535 = tpu.memref_squeeze %dma_start3A_534 : memref<2x1x128xi32, #tpu.memory_space<hbm>> -> memref<2x128xi32, #tpu.memory_space<hbm>>
          %dma_start3A_536 = arith.constant 0 : i32
          %dma_start3A_537 = arith.constant 0 : i32
          %dma_start3A_538 = tpu.memref_slice %arg8[%run_scoped3A_471, %dma_start3A_536, %dma_start3A_537] : memref<2x2x128xi32, #tpu.memory_space<vmem>> -> memref<1x2x128xi32, #tpu.memory_space<vmem>>
          %dma_start3A_539 = tpu.memref_squeeze %dma_start3A_538 : memref<1x2x128xi32, #tpu.memory_space<vmem>> -> memref<2x128xi32, #tpu.memory_space<vmem>>
          %dma_start3A_540 = arith.constant 0 : i32
          %dma_start3A_541 = tpu.memref_slice %arg3[%mul3A_470, %add3A, %dma_start3A_540] : memref<200x32x128xi32, #tpu.memory_space<hbm>> -> memref<2x1x128xi32, #tpu.memory_space<hbm>>
          %dma_start3A_542 = tpu.memref_squeeze %dma_start3A_541 : memref<2x1x128xi32, #tpu.memory_space<hbm>> -> memref<2x128xi32, #tpu.memory_space<hbm>>
          tpu.enqueue_dma source(%dma_start3A_542 : memref<2x128xi32, #tpu.memory_space<hbm>>) target(%dma_start3A_539 : memref<2x128xi32, #tpu.memory_space<vmem>>) target_semaphore(%run_scoped3A_528 : memref<!tpu.dma_semaphore, #tpu.memory_space<semaphore_mem>>)
          %dma_wait3A_543 = arith.constant 0 : i32
          %dma_wait3A_544 = arith.constant 0 : i32
          %dma_wait3A_545 = tpu.memref_slice %arg8[%run_scoped3A_471, %dma_wait3A_543, %dma_wait3A_544] : memref<2x2x128xi32, #tpu.memory_space<vmem>> -> memref<1x2x128xi32, #tpu.memory_space<vmem>>
          %dma_wait3A_546 = tpu.memref_squeeze %dma_wait3A_545 : memref<1x2x128xi32, #tpu.memory_space<vmem>> -> memref<2x128xi32, #tpu.memory_space<vmem>>
          %dma_wait3A_547 = arith.constant 0 : i32
          %dma_wait3A_548 = tpu.memref_slice %arg3[%mul3A_470, %add3A, %dma_wait3A_547] : memref<200x32x128xi32, #tpu.memory_space<hbm>> -> memref<2x1x128xi32, #tpu.memory_space<hbm>>
          %dma_wait3A_549 = tpu.memref_squeeze %dma_wait3A_548 : memref<2x1x128xi32, #tpu.memory_space<hbm>> -> memref<2x128xi32, #tpu.memory_space<hbm>>
          %dma_wait3A_550 = arith.constant 0 : i32
          %dma_wait3A_551 = arith.constant 0 : i32
          %dma_wait3A_552 = tpu.memref_slice %arg8[%run_scoped3A_471, %dma_wait3A_550, %dma_wait3A_551] : memref<2x2x128xi32, #tpu.memory_space<vmem>> -> memref<1x2x128xi32, #tpu.memory_space<vmem>>
          %dma_wait3A_553 = tpu.memref_squeeze %dma_wait3A_552 : memref<1x2x128xi32, #tpu.memory_space<vmem>> -> memref<2x128xi32, #tpu.memory_space<vmem>>
          %dma_wait3A_554 = arith.constant 0 : i32
          %dma_wait3A_555 = tpu.memref_slice %arg3[%mul3A_470, %add3A, %dma_wait3A_554] : memref<200x32x128xi32, #tpu.memory_space<hbm>> -> memref<2x1x128xi32, #tpu.memory_space<hbm>>
          %dma_wait3A_556 = tpu.memref_squeeze %dma_wait3A_555 : memref<2x1x128xi32, #tpu.memory_space<hbm>> -> memref<2x128xi32, #tpu.memory_space<hbm>>
          tpu.wait_dma2 semaphore(%run_scoped3A_528 : memref<!tpu.dma_semaphore, #tpu.memory_space<semaphore_mem>>) src(%dma_wait3A_556 : memref<2x128xi32, #tpu.memory_space<hbm>>) dst(%dma_wait3A_553 : memref<2x128xi32, #tpu.memory_space<vmem>>)
          tpu.yield
        }) : () -> ()
        %dma_start3A_472 = arith.constant 0 : i32
        %dma_start3A_473 = arith.constant 0 : i32
        %dma_start3A_474 = arith.constant 0 : i32
        %dma_start3A_475 = arith.constant 0 : i32
        %dma_start3A_476 = arith.constant 0 : i32
        %dma_start3A_477 = arith.constant 0 : i32
        %dma_start3A_478 = tpu.memref_slice %arg9[%dma_start3A_474, %dma_start3A_475, %dma_start3A_476, %dma_start3A_477] : memref<2x2x128x64xf32, #tpu.memory_space<vmem>> -> memref<1x1x128x64xf32, #tpu.memory_space<vmem>>
        %dma_start3A_479 = tpu.memref_squeeze %dma_start3A_478 : memref<1x1x128x64xf32, #tpu.memory_space<vmem>> -> memref<128x64xf32, #tpu.memory_space<vmem>>
        %dma_start3A_480 = arith.constant 0 : i32
        %dma_start3A_481 = tpu.memref_slice %arg7[%dma_start3A_472, %dma_start3A_473, %dma_start3A_480] : memref<2x2x128xi32, #tpu.memory_space<vmem>> -> memref<1x1x128xi32, #tpu.memory_space<vmem>>
        %dma_start3A_482 = tpu.memref_squeeze %dma_start3A_481 : memref<1x1x128xi32, #tpu.memory_space<vmem>> -> memref<128xi32, #tpu.memory_space<vmem>>
        %dma_start3A_483 = arith.constant 0 : i32
        %dma_start3A_484 = arith.constant 0 : i32
        %dma_start3A_485 = tpu.memref_slice %arg4[%dma_start3A_483, %dma_start3A_484] : memref<100000x64xf32, #tpu.memory_space<hbm>> -> memref<100000x64xf32, #tpu.memory_space<hbm>>
        tpu.enqueue_indirect_dma source(%dma_start3A_485 : memref<100000x64xf32, #tpu.memory_space<hbm>>) target(%dma_start3A_479 : memref<128x64xf32, #tpu.memory_space<vmem>>) offsets(%dma_start3A_482 : memref<128xi32, #tpu.memory_space<vmem>>) semaphore(%arg12 : memref<!tpu.dma_semaphore, #tpu.memory_space<semaphore_mem>>)
        %dma_start3A_486 = arith.constant 0 : i32
        %dma_start3A_487 = arith.constant 0 : i32
        %dma_start3A_488 = arith.constant 0 : i32
        %dma_start3A_489 = arith.constant 0 : i32
        %dma_start3A_490 = arith.constant 0 : i32
        %dma_start3A_491 = arith.constant 0 : i32
        %dma_start3A_492 = tpu.memref_slice %arg10[%dma_start3A_488, %dma_start3A_489, %dma_start3A_490, %dma_start3A_491] : memref<2x2x128x64xf32, #tpu.memory_space<vmem>> -> memref<1x1x128x64xf32, #tpu.memory_space<vmem>>
        %dma_start3A_493 = tpu.memref_squeeze %dma_start3A_492 : memref<1x1x128x64xf32, #tpu.memory_space<vmem>> -> memref<128x64xf32, #tpu.memory_space<vmem>>
        %dma_start3A_494 = arith.constant 0 : i32
        %dma_start3A_495 = tpu.memref_slice %arg8[%dma_start3A_486, %dma_start3A_487, %dma_start3A_494] : memref<2x2x128xi32, #tpu.memory_space<vmem>> -> memref<1x1x128xi32, #tpu.memory_space<vmem>>
        %dma_start3A_496 = tpu.memref_squeeze %dma_start3A_495 : memref<1x1x128xi32, #tpu.memory_space<vmem>> -> memref<128xi32, #tpu.memory_space<vmem>>
        %dma_start3A_497 = arith.constant 0 : i32
        %dma_start3A_498 = arith.constant 0 : i32
        %dma_start3A_499 = tpu.memref_slice %arg5[%dma_start3A_497, %dma_start3A_498] : memref<2048x64xf32, #tpu.memory_space<hbm>> -> memref<2048x64xf32, #tpu.memory_space<hbm>>
        tpu.enqueue_indirect_dma source(%dma_start3A_499 : memref<2048x64xf32, #tpu.memory_space<hbm>>) target(%dma_start3A_493 : memref<128x64xf32, #tpu.memory_space<vmem>>) offsets(%dma_start3A_496 : memref<128xi32, #tpu.memory_space<vmem>>) semaphore(%arg12 : memref<!tpu.dma_semaphore, #tpu.memory_space<semaphore_mem>>)
        %dma_start3A_500 = arith.constant 0 : i32
        %dma_start3A_501 = arith.constant 1 : i32
        %dma_start3A_502 = arith.constant 0 : i32
        %dma_start3A_503 = arith.constant 1 : i32
        %dma_start3A_504 = arith.constant 0 : i32
        %dma_start3A_505 = arith.constant 0 : i32
        %dma_start3A_506 = tpu.memref_slice %arg9[%dma_start3A_502, %dma_start3A_503, %dma_start3A_504, %dma_start3A_505] : memref<2x2x128x64xf32, #tpu.memory_space<vmem>> -> memref<1x1x128x64xf32, #tpu.memory_space<vmem>>
        %dma_start3A_507 = tpu.memref_squeeze %dma_start3A_506 : memref<1x1x128x64xf32, #tpu.memory_space<vmem>> -> memref<128x64xf32, #tpu.memory_space<vmem>>
        %dma_start3A_508 = arith.constant 0 : i32
        %dma_start3A_509 = tpu.memref_slice %arg7[%dma_start3A_500, %dma_start3A_501, %dma_start3A_508] : memref<2x2x128xi32, #tpu.memory_space<vmem>> -> memref<1x1x128xi32, #tpu.memory_space<vmem>>
        %dma_start3A_510 = tpu.memref_squeeze %dma_start3A_509 : memref<1x1x128xi32, #tpu.memory_space<vmem>> -> memref<128xi32, #tpu.memory_space<vmem>>
        %dma_start3A_511 = arith.constant 0 : i32
        %dma_start3A_512 = arith.constant 0 : i32
        %dma_start3A_513 = tpu.memref_slice %arg4[%dma_start3A_511, %dma_start3A_512] : memref<100000x64xf32, #tpu.memory_space<hbm>> -> memref<100000x64xf32, #tpu.memory_space<hbm>>
        tpu.enqueue_indirect_dma source(%dma_start3A_513 : memref<100000x64xf32, #tpu.memory_space<hbm>>) target(%dma_start3A_507 : memref<128x64xf32, #tpu.memory_space<vmem>>) offsets(%dma_start3A_510 : memref<128xi32, #tpu.memory_space<vmem>>) semaphore(%arg12 : memref<!tpu.dma_semaphore, #tpu.memory_space<semaphore_mem>>)
        %dma_start3A_514 = arith.constant 0 : i32
        %dma_start3A_515 = arith.constant 1 : i32
        %dma_start3A_516 = arith.constant 0 : i32
        %dma_start3A_517 = arith.constant 1 : i32
        %dma_start3A_518 = arith.constant 0 : i32
        %dma_start3A_519 = arith.constant 0 : i32
        %dma_start3A_520 = tpu.memref_slice %arg10[%dma_start3A_516, %dma_start3A_517, %dma_start3A_518, %dma_start3A_519] : memref<2x2x128x64xf32, #tpu.memory_space<vmem>> -> memref<1x1x128x64xf32, #tpu.memory_space<vmem>>
        %dma_start3A_521 = tpu.memref_squeeze %dma_start3A_520 : memref<1x1x128x64xf32, #tpu.memory_space<vmem>> -> memref<128x64xf32, #tpu.memory_space<vmem>>
        %dma_start3A_522 = arith.constant 0 : i32
        %dma_start3A_523 = tpu.memref_slice %arg8[%dma_start3A_514, %dma_start3A_515, %dma_start3A_522] : memref<2x2x128xi32, #tpu.memory_space<vmem>> -> memref<1x1x128xi32, #tpu.memory_space<vmem>>
        %dma_start3A_524 = tpu.memref_squeeze %dma_start3A_523 : memref<1x1x128xi32, #tpu.memory_space<vmem>> -> memref<128xi32, #tpu.memory_space<vmem>>
        %dma_start3A_525 = arith.constant 0 : i32
        %dma_start3A_526 = arith.constant 0 : i32
        %dma_start3A_527 = tpu.memref_slice %arg5[%dma_start3A_525, %dma_start3A_526] : memref<2048x64xf32, #tpu.memory_space<hbm>> -> memref<2048x64xf32, #tpu.memory_space<hbm>>
        tpu.enqueue_indirect_dma source(%dma_start3A_527 : memref<2048x64xf32, #tpu.memory_space<hbm>>) target(%dma_start3A_521 : memref<128x64xf32, #tpu.memory_space<vmem>>) offsets(%dma_start3A_524 : memref<128xi32, #tpu.memory_space<vmem>>) semaphore(%arg12 : memref<!tpu.dma_semaphore, #tpu.memory_space<semaphore_mem>>)
      } else {
      }
      %dma_wait3A_339 = arith.constant 1 : i32
      %dma_wait3A_340 = arith.constant 0 : i32
      %dma_wait3A_341 = arith.constant 1 : i32
      %dma_wait3A_342 = arith.constant 0 : i32
      %dma_wait3A_343 = arith.constant 0 : i32
      %dma_wait3A_344 = arith.constant 0 : i32
      %dma_wait3A_345 = tpu.memref_slice %arg9[%dma_wait3A_341, %dma_wait3A_342, %dma_wait3A_343, %dma_wait3A_344] : memref<2x2x128x64xf32, #tpu.memory_space<vmem>> -> memref<1x1x128x64xf32, #tpu.memory_space<vmem>>
      %dma_wait3A_346 = tpu.memref_squeeze %dma_wait3A_345 : memref<1x1x128x64xf32, #tpu.memory_space<vmem>> -> memref<128x64xf32, #tpu.memory_space<vmem>>
      %dma_wait3A_347 = arith.constant 0 : i32
      %dma_wait3A_348 = tpu.memref_slice %arg7[%dma_wait3A_339, %dma_wait3A_340, %dma_wait3A_347] : memref<2x2x128xi32, #tpu.memory_space<vmem>> -> memref<1x1x128xi32, #tpu.memory_space<vmem>>
      %dma_wait3A_349 = tpu.memref_squeeze %dma_wait3A_348 : memref<1x1x128xi32, #tpu.memory_space<vmem>> -> memref<128xi32, #tpu.memory_space<vmem>>
      %dma_wait3A_350 = arith.constant 0 : i32
      %dma_wait3A_351 = arith.constant 0 : i32
      %dma_wait3A_352 = tpu.memref_slice %arg4[%dma_wait3A_350, %dma_wait3A_351] : memref<100000x64xf32, #tpu.memory_space<hbm>> -> memref<100000x64xf32, #tpu.memory_space<hbm>>
      tpu.wait_indirect_dma semaphore(%arg13 : memref<!tpu.dma_semaphore, #tpu.memory_space<semaphore_mem>>) src(%dma_wait3A_352 : memref<100000x64xf32, #tpu.memory_space<hbm>>) dst(%dma_wait3A_346 : memref<128x64xf32, #tpu.memory_space<vmem>>)
      %dma_wait3A_353 = arith.constant 1 : i32
      %dma_wait3A_354 = arith.constant 0 : i32
      %dma_wait3A_355 = arith.constant 1 : i32
      %dma_wait3A_356 = arith.constant 0 : i32
      %dma_wait3A_357 = arith.constant 0 : i32
      %dma_wait3A_358 = arith.constant 0 : i32
      %dma_wait3A_359 = tpu.memref_slice %arg10[%dma_wait3A_355, %dma_wait3A_356, %dma_wait3A_357, %dma_wait3A_358] : memref<2x2x128x64xf32, #tpu.memory_space<vmem>> -> memref<1x1x128x64xf32, #tpu.memory_space<vmem>>
      %dma_wait3A_360 = tpu.memref_squeeze %dma_wait3A_359 : memref<1x1x128x64xf32, #tpu.memory_space<vmem>> -> memref<128x64xf32, #tpu.memory_space<vmem>>
      %dma_wait3A_361 = arith.constant 0 : i32
      %dma_wait3A_362 = tpu.memref_slice %arg8[%dma_wait3A_353, %dma_wait3A_354, %dma_wait3A_361] : memref<2x2x128xi32, #tpu.memory_space<vmem>> -> memref<1x1x128xi32, #tpu.memory_space<vmem>>
      %dma_wait3A_363 = tpu.memref_squeeze %dma_wait3A_362 : memref<1x1x128xi32, #tpu.memory_space<vmem>> -> memref<128xi32, #tpu.memory_space<vmem>>
      %dma_wait3A_364 = arith.constant 0 : i32
      %dma_wait3A_365 = arith.constant 0 : i32
      %dma_wait3A_366 = tpu.memref_slice %arg5[%dma_wait3A_364, %dma_wait3A_365] : memref<2048x64xf32, #tpu.memory_space<hbm>> -> memref<2048x64xf32, #tpu.memory_space<hbm>>
      tpu.wait_indirect_dma semaphore(%arg13 : memref<!tpu.dma_semaphore, #tpu.memory_space<semaphore_mem>>) src(%dma_wait3A_366 : memref<2048x64xf32, #tpu.memory_space<hbm>>) dst(%dma_wait3A_360 : memref<128x64xf32, #tpu.memory_space<vmem>>)
      %dma_wait3A_367 = arith.constant 1 : i32
      %dma_wait3A_368 = arith.constant 1 : i32
      %dma_wait3A_369 = arith.constant 1 : i32
      %dma_wait3A_370 = arith.constant 1 : i32
      %dma_wait3A_371 = arith.constant 0 : i32
      %dma_wait3A_372 = arith.constant 0 : i32
      %dma_wait3A_373 = tpu.memref_slice %arg9[%dma_wait3A_369, %dma_wait3A_370, %dma_wait3A_371, %dma_wait3A_372] : memref<2x2x128x64xf32, #tpu.memory_space<vmem>> -> memref<1x1x128x64xf32, #tpu.memory_space<vmem>>
      %dma_wait3A_374 = tpu.memref_squeeze %dma_wait3A_373 : memref<1x1x128x64xf32, #tpu.memory_space<vmem>> -> memref<128x64xf32, #tpu.memory_space<vmem>>
      %dma_wait3A_375 = arith.constant 0 : i32
      %dma_wait3A_376 = tpu.memref_slice %arg7[%dma_wait3A_367, %dma_wait3A_368, %dma_wait3A_375] : memref<2x2x128xi32, #tpu.memory_space<vmem>> -> memref<1x1x128xi32, #tpu.memory_space<vmem>>
      %dma_wait3A_377 = tpu.memref_squeeze %dma_wait3A_376 : memref<1x1x128xi32, #tpu.memory_space<vmem>> -> memref<128xi32, #tpu.memory_space<vmem>>
      %dma_wait3A_378 = arith.constant 0 : i32
      %dma_wait3A_379 = arith.constant 0 : i32
      %dma_wait3A_380 = tpu.memref_slice %arg4[%dma_wait3A_378, %dma_wait3A_379] : memref<100000x64xf32, #tpu.memory_space<hbm>> -> memref<100000x64xf32, #tpu.memory_space<hbm>>
      tpu.wait_indirect_dma semaphore(%arg13 : memref<!tpu.dma_semaphore, #tpu.memory_space<semaphore_mem>>) src(%dma_wait3A_380 : memref<100000x64xf32, #tpu.memory_space<hbm>>) dst(%dma_wait3A_374 : memref<128x64xf32, #tpu.memory_space<vmem>>)
      %dma_wait3A_381 = arith.constant 1 : i32
      %dma_wait3A_382 = arith.constant 1 : i32
      %dma_wait3A_383 = arith.constant 1 : i32
      %dma_wait3A_384 = arith.constant 1 : i32
      %dma_wait3A_385 = arith.constant 0 : i32
      %dma_wait3A_386 = arith.constant 0 : i32
      %dma_wait3A_387 = tpu.memref_slice %arg10[%dma_wait3A_383, %dma_wait3A_384, %dma_wait3A_385, %dma_wait3A_386] : memref<2x2x128x64xf32, #tpu.memory_space<vmem>> -> memref<1x1x128x64xf32, #tpu.memory_space<vmem>>
      %dma_wait3A_388 = tpu.memref_squeeze %dma_wait3A_387 : memref<1x1x128x64xf32, #tpu.memory_space<vmem>> -> memref<128x64xf32, #tpu.memory_space<vmem>>
      %dma_wait3A_389 = arith.constant 0 : i32
      %dma_wait3A_390 = tpu.memref_slice %arg8[%dma_wait3A_381, %dma_wait3A_382, %dma_wait3A_389] : memref<2x2x128xi32, #tpu.memory_space<vmem>> -> memref<1x1x128xi32, #tpu.memory_space<vmem>>
      %dma_wait3A_391 = tpu.memref_squeeze %dma_wait3A_390 : memref<1x1x128xi32, #tpu.memory_space<vmem>> -> memref<128xi32, #tpu.memory_space<vmem>>
      %dma_wait3A_392 = arith.constant 0 : i32
      %dma_wait3A_393 = arith.constant 0 : i32
      %dma_wait3A_394 = tpu.memref_slice %arg5[%dma_wait3A_392, %dma_wait3A_393] : memref<2048x64xf32, #tpu.memory_space<hbm>> -> memref<2048x64xf32, #tpu.memory_space<hbm>>
      tpu.wait_indirect_dma semaphore(%arg13 : memref<!tpu.dma_semaphore, #tpu.memory_space<semaphore_mem>>) src(%dma_wait3A_394 : memref<2048x64xf32, #tpu.memory_space<hbm>>) dst(%dma_wait3A_388 : memref<128x64xf32, #tpu.memory_space<vmem>>)
      %ge3A_395 = arith.constant 2 : i32
      %ge3A_396 = arith.cmpi sge, %add3A_333, %ge3A_395 : i32
      %convert_element_type3A_397 = arith.extui %ge3A_396 : i1 to i32
      %cond3A_398 = arith.constant 0 : i32
      %cond3A_399 = arith.cmpi ne, %convert_element_type3A_397, %cond3A_398 : i32
      scf.if %cond3A_399 {
        %sub3A = arith.constant 2 : i32
        %sub3A_464 = arith.subi %add3A_333, %sub3A : i32
        %mul3A_465 = arith.constant 2 : i32
        %mul3A_466 = arith.muli %sub3A_464, %mul3A_465 : i32
        %add3A_467 = arith.constant 0 : i32
        %add3A_468 = arith.addi %mul3A_466, %add3A_467 : i32
        %dma_wait3A_469 = arith.constant 1 : i32
        %dma_wait3A_470 = arith.constant 0 : i32
        %dma_wait3A_471 = arith.constant 0 : i32
        %dma_wait3A_472 = arith.constant 0 : i32
        %dma_wait3A_473 = arith.constant 0 : i32
        %dma_wait3A_474 = tpu.memref_slice %arg11[%dma_wait3A_469, %dma_wait3A_470, %dma_wait3A_471, %dma_wait3A_472, %dma_wait3A_473] : memref<2x2x8x8x129xf32, #tpu.memory_space<vmem>> -> memref<1x1x8x8x128xf32, #tpu.memory_space<vmem>>
        %dma_wait3A_475 = tpu.memref_squeeze %dma_wait3A_474 : memref<1x1x8x8x128xf32, #tpu.memory_space<vmem>> -> memref<8x8x128xf32, #tpu.memory_space<vmem>>
        %dma_wait3A_476 = arith.constant 0 : i32
        %dma_wait3A_477 = arith.constant 0 : i32
        %dma_wait3A_478 = arith.constant 0 : i32
        %dma_wait3A_479 = tpu.memref_slice %arg6[%add3A_468, %dma_wait3A_476, %add3A, %dma_wait3A_477, %dma_wait3A_478] : memref<200x8x32x8x128xf32, #tpu.memory_space<hbm>> -> memref<1x8x1x8x128xf32, #tpu.memory_space<hbm>>
        %dma_wait3A_480 = tpu.memref_squeeze %dma_wait3A_479 : memref<1x8x1x8x128xf32, #tpu.memory_space<hbm>> -> memref<8x8x128xf32, #tpu.memory_space<hbm>>
        %dma_wait3A_481 = arith.constant 0 : i32
        %dma_wait3A_482 = arith.constant 0 : i32
        %dma_wait3A_483 = arith.constant 0 : i32
        %dma_wait3A_484 = tpu.memref_slice %arg6[%add3A_468, %dma_wait3A_481, %add3A, %dma_wait3A_482, %dma_wait3A_483] : memref<200x8x32x8x128xf32, #tpu.memory_space<hbm>> -> memref<1x8x1x8x128xf32, #tpu.memory_space<hbm>>
        %dma_wait3A_485 = tpu.memref_squeeze %dma_wait3A_484 : memref<1x8x1x8x128xf32, #tpu.memory_space<hbm>> -> memref<8x8x128xf32, #tpu.memory_space<hbm>>
        %dma_wait3A_486 = arith.constant 0 : i32
        %dma_wait3A_487 = arith.constant 0 : i32
        %dma_wait3A_488 = arith.constant 0 : i32
        %dma_wait3A_489 = tpu.memref_slice %arg11[%dma_wait3A_469, %dma_wait3A_470, %dma_wait3A_486, %dma_wait3A_487, %dma_wait3A_488] : memref<2x2x8x8x129xf32, #tpu.memory_space<vmem>> -> memref<1x1x8x8x128xf32, #tpu.memory_space<vmem>>
        %dma_wait3A_490 = tpu.memref_squeeze %dma_wait3A_489 : memref<1x1x8x8x128xf32, #tpu.memory_space<vmem>> -> memref<8x8x128xf32, #tpu.memory_space<vmem>>
        tpu.wait_dma2 semaphore(%arg15 : memref<!tpu.dma_semaphore, #tpu.memory_space<semaphore_mem>>) src(%dma_wait3A_490 : memref<8x8x128xf32, #tpu.memory_space<vmem>>) dst(%dma_wait3A_485 : memref<8x8x128xf32, #tpu.memory_space<hbm>>)
        %sub3A_491 = arith.constant 2 : i32
        %sub3A_492 = arith.subi %add3A_333, %sub3A_491 : i32
        %mul3A_493 = arith.constant 2 : i32
        %mul3A_494 = arith.muli %sub3A_492, %mul3A_493 : i32
        %add3A_495 = arith.constant 1 : i32
        %add3A_496 = arith.addi %mul3A_494, %add3A_495 : i32
        %dma_wait3A_497 = arith.constant 1 : i32
        %dma_wait3A_498 = arith.constant 1 : i32
        %dma_wait3A_499 = arith.constant 0 : i32
        %dma_wait3A_500 = arith.constant 0 : i32
        %dma_wait3A_501 = arith.constant 0 : i32
        %dma_wait3A_502 = tpu.memref_slice %arg11[%dma_wait3A_497, %dma_wait3A_498, %dma_wait3A_499, %dma_wait3A_500, %dma_wait3A_501] : memref<2x2x8x8x129xf32, #tpu.memory_space<vmem>> -> memref<1x1x8x8x128xf32, #tpu.memory_space<vmem>>
        %dma_wait3A_503 = tpu.memref_squeeze %dma_wait3A_502 : memref<1x1x8x8x128xf32, #tpu.memory_space<vmem>> -> memref<8x8x128xf32, #tpu.memory_space<vmem>>
        %dma_wait3A_504 = arith.constant 0 : i32
        %dma_wait3A_505 = arith.constant 0 : i32
        %dma_wait3A_506 = arith.constant 0 : i32
        %dma_wait3A_507 = tpu.memref_slice %arg6[%add3A_496, %dma_wait3A_504, %add3A, %dma_wait3A_505, %dma_wait3A_506] : memref<200x8x32x8x128xf32, #tpu.memory_space<hbm>> -> memref<1x8x1x8x128xf32, #tpu.memory_space<hbm>>
        %dma_wait3A_508 = tpu.memref_squeeze %dma_wait3A_507 : memref<1x8x1x8x128xf32, #tpu.memory_space<hbm>> -> memref<8x8x128xf32, #tpu.memory_space<hbm>>
        %dma_wait3A_509 = arith.constant 0 : i32
        %dma_wait3A_510 = arith.constant 0 : i32
        %dma_wait3A_511 = arith.constant 0 : i32
        %dma_wait3A_512 = tpu.memref_slice %arg6[%add3A_496, %dma_wait3A_509, %add3A, %dma_wait3A_510, %dma_wait3A_511] : memref<200x8x32x8x128xf32, #tpu.memory_space<hbm>> -> memref<1x8x1x8x128xf32, #tpu.memory_space<hbm>>
        %dma_wait3A_513 = tpu.memref_squeeze %dma_wait3A_512 : memref<1x8x1x8x128xf32, #tpu.memory_space<hbm>> -> memref<8x8x128xf32, #tpu.memory_space<hbm>>
        %dma_wait3A_514 = arith.constant 0 : i32
        %dma_wait3A_515 = arith.constant 0 : i32
        %dma_wait3A_516 = arith.constant 0 : i32
        %dma_wait3A_517 = tpu.memref_slice %arg11[%dma_wait3A_497, %dma_wait3A_498, %dma_wait3A_514, %dma_wait3A_515, %dma_wait3A_516] : memref<2x2x8x8x129xf32, #tpu.memory_space<vmem>> -> memref<1x1x8x8x128xf32, #tpu.memory_space<vmem>>
        %dma_wait3A_518 = tpu.memref_squeeze %dma_wait3A_517 : memref<1x1x8x8x128xf32, #tpu.memory_space<vmem>> -> memref<8x8x128xf32, #tpu.memory_space<vmem>>
        tpu.wait_dma2 semaphore(%arg15 : memref<!tpu.dma_semaphore, #tpu.memory_space<semaphore_mem>>) src(%dma_wait3A_518 : memref<8x8x128xf32, #tpu.memory_space<vmem>>) dst(%dma_wait3A_513 : memref<8x8x128xf32, #tpu.memory_space<hbm>>)
      } else {
      }
      %scan3A_400 = arith.constant 0 : i32
      %scan3A_401 = arith.constant 0 : i32
      %scan3A_402 = arith.constant 128 : i32
      %scan3A_403 = arith.addi %scan3A_401, %scan3A_402 : i32
      %scan3A_404 = arith.constant 2 : i32
      scf.for %scan3A_464 = %scan3A_401 to %scan3A_403 step %scan3A_404  : i32 {
        %broadcast_in_dim3A = vector.broadcast %scan3A_464 : i32 to vector<16xi32>
        %get3A = arith.constant 1 : i32
        %get3A_465 = arith.constant 0 : i32
        %get3A_466 = arith.index_cast %get3A : i32 to index
        %get3A_467 = arith.index_cast %get3A_465 : i32 to index
        %get3A_468 = arith.index_cast %scan3A_464 : i32 to index
        %get3A_469 = arith.constant 0 : index
        %get3A_470 = tpu.vector_load %arg9[%get3A_466, %get3A_467, %get3A_468, %get3A_469] {strides = array<i32>} : memref<2x2x128x64xf32, #tpu.memory_space<vmem>>, vector<16xf32>,
        %get3A_471 = arith.constant 1 : i32
        %get3A_472 = arith.constant 0 : i32
        %get3A_473 = arith.index_cast %get3A_471 : i32 to index
        %get3A_474 = arith.index_cast %get3A_472 : i32 to index
        %get3A_475 = arith.index_cast %scan3A_464 : i32 to index
        %get3A_476 = arith.constant 0 : index
        %get3A_477 = tpu.vector_load %arg10[%get3A_473, %get3A_474, %get3A_475, %get3A_476] {strides = array<i32>} : memref<2x2x128x64xf32, #tpu.memory_space<vmem>>, vector<16xf32>,
        %add3A_478 = arith.addf %get3A_470, %get3A_477 : vector<16xf32>
        %scatter3A = arith.constant 1 : i32
        %scatter3A_479 = arith.constant 0 : i32
        %scatter3A_480 = arith.constant 0 : i32
        %scatter3A_481 = arith.constant 0 : i32
        %scatter3A_482 = arith.constant 0 : i32
        %scatter3A_483 = tpu.memref_slice %arg11[%scatter3A, %scatter3A_479, %scatter3A_480, %scatter3A_481, %scatter3A_482] : memref<2x2x8x8x129xf32, #tpu.memory_space<vmem>> -> memref<1x1x8x8x129xf32, #tpu.memory_space<vmem>>
        %scatter3A_484 = tpu.memref_squeeze %scatter3A_483 : memref<1x1x8x8x129xf32, #tpu.memory_space<vmem>> -> memref<8x8x129xf32, #tpu.memory_space<vmem>>
        tpu.vector_store_idx %scatter3A_484[%shift_right_arithmetic3A_5, %and3A_28, %broadcast_in_dim3A], %add3A_478 : memref<8x8x129xf32, #tpu.memory_space<vmem>>[vector<16xi32>, vector<16xi32>, vector<16xi32>], vector<16xf32>,
        %get3A_485 = arith.constant 1 : i32
        %get3A_486 = arith.constant 0 : i32
        %get3A_487 = arith.index_cast %get3A_485 : i32 to index
        %get3A_488 = arith.index_cast %get3A_486 : i32 to index
        %get3A_489 = arith.index_cast %scan3A_464 : i32 to index
        %get3A_490 = arith.constant 16 : index
        %get3A_491 = tpu.vector_load %arg9[%get3A_487, %get3A_488, %get3A_489, %get3A_490] {strides = array<i32>} : memref<2x2x128x64xf32, #tpu.memory_space<vmem>>, vector<16xf32>,
        %get3A_492 = arith.constant 1 : i32
        %get3A_493 = arith.constant 0 : i32
        %get3A_494 = arith.index_cast %get3A_492 : i32 to index
        %get3A_495 = arith.index_cast %get3A_493 : i32 to index
        %get3A_496 = arith.index_cast %scan3A_464 : i32 to index
        %get3A_497 = arith.constant 16 : index
        %get3A_498 = tpu.vector_load %arg10[%get3A_494, %get3A_495, %get3A_496, %get3A_497] {strides = array<i32>} : memref<2x2x128x64xf32, #tpu.memory_space<vmem>>, vector<16xf32>,
        %add3A_499 = arith.addf %get3A_491, %get3A_498 : vector<16xf32>
        %scatter3A_500 = arith.constant 1 : i32
        %scatter3A_501 = arith.constant 0 : i32
        %scatter3A_502 = arith.constant 0 : i32
        %scatter3A_503 = arith.constant 0 : i32
        %scatter3A_504 = arith.constant 0 : i32
        %scatter3A_505 = tpu.memref_slice %arg11[%scatter3A_500, %scatter3A_501, %scatter3A_502, %scatter3A_503, %scatter3A_504] : memref<2x2x8x8x129xf32, #tpu.memory_space<vmem>> -> memref<1x1x8x8x129xf32, #tpu.memory_space<vmem>>
        %scatter3A_506 = tpu.memref_squeeze %scatter3A_505 : memref<1x1x8x8x129xf32, #tpu.memory_space<vmem>> -> memref<8x8x129xf32, #tpu.memory_space<vmem>>
        tpu.vector_store_idx %scatter3A_506[%shift_right_arithmetic3A_11, %and3A_34, %broadcast_in_dim3A], %add3A_499 : memref<8x8x129xf32, #tpu.memory_space<vmem>>[vector<16xi32>, vector<16xi32>, vector<16xi32>], vector<16xf32>,
        %get3A_507 = arith.constant 1 : i32
        %get3A_508 = arith.constant 0 : i32
        %get3A_509 = arith.index_cast %get3A_507 : i32 to index
        %get3A_510 = arith.index_cast %get3A_508 : i32 to index
        %get3A_511 = arith.index_cast %scan3A_464 : i32 to index
        %get3A_512 = arith.constant 32 : index
        %get3A_513 = tpu.vector_load %arg9[%get3A_509, %get3A_510, %get3A_511, %get3A_512] {strides = array<i32>} : memref<2x2x128x64xf32, #tpu.memory_space<vmem>>, vector<16xf32>,
        %get3A_514 = arith.constant 1 : i32
        %get3A_515 = arith.constant 0 : i32
        %get3A_516 = arith.index_cast %get3A_514 : i32 to index
        %get3A_517 = arith.index_cast %get3A_515 : i32 to index
        %get3A_518 = arith.index_cast %scan3A_464 : i32 to index
        %get3A_519 = arith.constant 32 : index
        %get3A_520 = tpu.vector_load %arg10[%get3A_516, %get3A_517, %get3A_518, %get3A_519] {strides = array<i32>} : memref<2x2x128x64xf32, #tpu.memory_space<vmem>>, vector<16xf32>,
        %add3A_521 = arith.addf %get3A_513, %get3A_520 : vector<16xf32>
        %scatter3A_522 = arith.constant 1 : i32
        %scatter3A_523 = arith.constant 0 : i32
        %scatter3A_524 = arith.constant 0 : i32
        %scatter3A_525 = arith.constant 0 : i32
        %scatter3A_526 = arith.constant 0 : i32
        %scatter3A_527 = tpu.memref_slice %arg11[%scatter3A_522, %scatter3A_523, %scatter3A_524, %scatter3A_525, %scatter3A_526] : memref<2x2x8x8x129xf32, #tpu.memory_space<vmem>> -> memref<1x1x8x8x129xf32, #tpu.memory_space<vmem>>
        %scatter3A_528 = tpu.memref_squeeze %scatter3A_527 : memref<1x1x8x8x129xf32, #tpu.memory_space<vmem>> -> memref<8x8x129xf32, #tpu.memory_space<vmem>>
        tpu.vector_store_idx %scatter3A_528[%shift_right_arithmetic3A_17, %and3A_40, %broadcast_in_dim3A], %add3A_521 : memref<8x8x129xf32, #tpu.memory_space<vmem>>[vector<16xi32>, vector<16xi32>, vector<16xi32>], vector<16xf32>,
        %get3A_529 = arith.constant 1 : i32
        %get3A_530 = arith.constant 0 : i32
        %get3A_531 = arith.index_cast %get3A_529 : i32 to index
        %get3A_532 = arith.index_cast %get3A_530 : i32 to index
        %get3A_533 = arith.index_cast %scan3A_464 : i32 to index
        %get3A_534 = arith.constant 48 : index
        %get3A_535 = tpu.vector_load %arg9[%get3A_531, %get3A_532, %get3A_533, %get3A_534] {strides = array<i32>} : memref<2x2x128x64xf32, #tpu.memory_space<vmem>>, vector<16xf32>,
        %get3A_536 = arith.constant 1 : i32
        %get3A_537 = arith.constant 0 : i32
        %get3A_538 = arith.index_cast %get3A_536 : i32 to index
        %get3A_539 = arith.index_cast %get3A_537 : i32 to index
        %get3A_540 = arith.index_cast %scan3A_464 : i32 to index
        %get3A_541 = arith.constant 48 : index
        %get3A_542 = tpu.vector_load %arg10[%get3A_538, %get3A_539, %get3A_540, %get3A_541] {strides = array<i32>} : memref<2x2x128x64xf32, #tpu.memory_space<vmem>>, vector<16xf32>,
        %add3A_543 = arith.addf %get3A_535, %get3A_542 : vector<16xf32>
        %scatter3A_544 = arith.constant 1 : i32
        %scatter3A_545 = arith.constant 0 : i32
        %scatter3A_546 = arith.constant 0 : i32
        %scatter3A_547 = arith.constant 0 : i32
        %scatter3A_548 = arith.constant 0 : i32
        %scatter3A_549 = tpu.memref_slice %arg11[%scatter3A_544, %scatter3A_545, %scatter3A_546, %scatter3A_547, %scatter3A_548] : memref<2x2x8x8x129xf32, #tpu.memory_space<vmem>> -> memref<1x1x8x8x129xf32, #tpu.memory_space<vmem>>
        %scatter3A_550 = tpu.memref_squeeze %scatter3A_549 : memref<1x1x8x8x129xf32, #tpu.memory_space<vmem>> -> memref<8x8x129xf32, #tpu.memory_space<vmem>>
        tpu.vector_store_idx %scatter3A_550[%shift_right_arithmetic3A_23, %and3A_46, %broadcast_in_dim3A], %add3A_543 : memref<8x8x129xf32, #tpu.memory_space<vmem>>[vector<16xi32>, vector<16xi32>, vector<16xi32>], vector<16xf32>,
        %scan3A_551 = arith.constant 1 : i32
        %scan3A_552 = arith.addi %scan3A_464, %scan3A_551 : i32
        %broadcast_in_dim3A_553 = vector.broadcast %scan3A_552 : i32 to vector<16xi32>
        %get3A_554 = arith.constant 1 : i32
        %get3A_555 = arith.constant 0 : i32
        %get3A_556 = arith.index_cast %get3A_554 : i32 to index
        %get3A_557 = arith.index_cast %get3A_555 : i32 to index
        %get3A_558 = arith.index_cast %scan3A_552 : i32 to index
        %get3A_559 = arith.constant 0 : index
        %get3A_560 = tpu.vector_load %arg9[%get3A_556, %get3A_557, %get3A_558, %get3A_559] {strides = array<i32>} : memref<2x2x128x64xf32, #tpu.memory_space<vmem>>, vector<16xf32>,
        %get3A_561 = arith.constant 1 : i32
        %get3A_562 = arith.constant 0 : i32
        %get3A_563 = arith.index_cast %get3A_561 : i32 to index
        %get3A_564 = arith.index_cast %get3A_562 : i32 to index
        %get3A_565 = arith.index_cast %scan3A_552 : i32 to index
        %get3A_566 = arith.constant 0 : index
        %get3A_567 = tpu.vector_load %arg10[%get3A_563, %get3A_564, %get3A_565, %get3A_566] {strides = array<i32>} : memref<2x2x128x64xf32, #tpu.memory_space<vmem>>, vector<16xf32>,
        %add3A_568 = arith.addf %get3A_560, %get3A_567 : vector<16xf32>
        %scatter3A_569 = arith.constant 1 : i32
        %scatter3A_570 = arith.constant 0 : i32
        %scatter3A_571 = arith.constant 0 : i32
        %scatter3A_572 = arith.constant 0 : i32
        %scatter3A_573 = arith.constant 0 : i32
        %scatter3A_574 = tpu.memref_slice %arg11[%scatter3A_569, %scatter3A_570, %scatter3A_571, %scatter3A_572, %scatter3A_573] : memref<2x2x8x8x129xf32, #tpu.memory_space<vmem>> -> memref<1x1x8x8x129xf32, #tpu.memory_space<vmem>>
        %scatter3A_575 = tpu.memref_squeeze %scatter3A_574 : memref<1x1x8x8x129xf32, #tpu.memory_space<vmem>> -> memref<8x8x129xf32, #tpu.memory_space<vmem>>
        tpu.vector_store_idx %scatter3A_575[%shift_right_arithmetic3A_5, %and3A_28, %broadcast_in_dim3A_553], %add3A_568 : memref<8x8x129xf32, #tpu.memory_space<vmem>>[vector<16xi32>, vector<16xi32>, vector<16xi32>], vector<16xf32>,
        %get3A_576 = arith.constant 1 : i32
        %get3A_577 = arith.constant 0 : i32
        %get3A_578 = arith.index_cast %get3A_576 : i32 to index
        %get3A_579 = arith.index_cast %get3A_577 : i32 to index
        %get3A_580 = arith.index_cast %scan3A_552 : i32 to index
        %get3A_581 = arith.constant 16 : index
        %get3A_582 = tpu.vector_load %arg9[%get3A_578, %get3A_579, %get3A_580, %get3A_581] {strides = array<i32>} : memref<2x2x128x64xf32, #tpu.memory_space<vmem>>, vector<16xf32>,
        %get3A_583 = arith.constant 1 : i32
        %get3A_584 = arith.constant 0 : i32
        %get3A_585 = arith.index_cast %get3A_583 : i32 to index
        %get3A_586 = arith.index_cast %get3A_584 : i32 to index
        %get3A_587 = arith.index_cast %scan3A_552 : i32 to index
        %get3A_588 = arith.constant 16 : index
        %get3A_589 = tpu.vector_load %arg10[%get3A_585, %get3A_586, %get3A_587, %get3A_588] {strides = array<i32>} : memref<2x2x128x64xf32, #tpu.memory_space<vmem>>, vector<16xf32>,
        %add3A_590 = arith.addf %get3A_582, %get3A_589 : vector<16xf32>
        %scatter3A_591 = arith.constant 1 : i32
        %scatter3A_592 = arith.constant 0 : i32
        %scatter3A_593 = arith.constant 0 : i32
        %scatter3A_594 = arith.constant 0 : i32
        %scatter3A_595 = arith.constant 0 : i32
        %scatter3A_596 = tpu.memref_slice %arg11[%scatter3A_591, %scatter3A_592, %scatter3A_593, %scatter3A_594, %scatter3A_595] : memref<2x2x8x8x129xf32, #tpu.memory_space<vmem>> -> memref<1x1x8x8x129xf32, #tpu.memory_space<vmem>>
        %scatter3A_597 = tpu.memref_squeeze %scatter3A_596 : memref<1x1x8x8x129xf32, #tpu.memory_space<vmem>> -> memref<8x8x129xf32, #tpu.memory_space<vmem>>
        tpu.vector_store_idx %scatter3A_597[%shift_right_arithmetic3A_11, %and3A_34, %broadcast_in_dim3A_553], %add3A_590 : memref<8x8x129xf32, #tpu.memory_space<vmem>>[vector<16xi32>, vector<16xi32>, vector<16xi32>], vector<16xf32>,
        %get3A_598 = arith.constant 1 : i32
        %get3A_599 = arith.constant 0 : i32
        %get3A_600 = arith.index_cast %get3A_598 : i32 to index
        %get3A_601 = arith.index_cast %get3A_599 : i32 to index
        %get3A_602 = arith.index_cast %scan3A_552 : i32 to index
        %get3A_603 = arith.constant 32 : index
        %get3A_604 = tpu.vector_load %arg9[%get3A_600, %get3A_601, %get3A_602, %get3A_603] {strides = array<i32>} : memref<2x2x128x64xf32, #tpu.memory_space<vmem>>, vector<16xf32>,
        %get3A_605 = arith.constant 1 : i32
        %get3A_606 = arith.constant 0 : i32
        %get3A_607 = arith.index_cast %get3A_605 : i32 to index
        %get3A_608 = arith.index_cast %get3A_606 : i32 to index
        %get3A_609 = arith.index_cast %scan3A_552 : i32 to index
        %get3A_610 = arith.constant 32 : index
        %get3A_611 = tpu.vector_load %arg10[%get3A_607, %get3A_608, %get3A_609, %get3A_610] {strides = array<i32>} : memref<2x2x128x64xf32, #tpu.memory_space<vmem>>, vector<16xf32>,
        %add3A_612 = arith.addf %get3A_604, %get3A_611 : vector<16xf32>
        %scatter3A_613 = arith.constant 1 : i32
        %scatter3A_614 = arith.constant 0 : i32
        %scatter3A_615 = arith.constant 0 : i32
        %scatter3A_616 = arith.constant 0 : i32
        %scatter3A_617 = arith.constant 0 : i32
        %scatter3A_618 = tpu.memref_slice %arg11[%scatter3A_613, %scatter3A_614, %scatter3A_615, %scatter3A_616, %scatter3A_617] : memref<2x2x8x8x129xf32, #tpu.memory_space<vmem>> -> memref<1x1x8x8x129xf32, #tpu.memory_space<vmem>>
        %scatter3A_619 = tpu.memref_squeeze %scatter3A_618 : memref<1x1x8x8x129xf32, #tpu.memory_space<vmem>> -> memref<8x8x129xf32, #tpu.memory_space<vmem>>
        tpu.vector_store_idx %scatter3A_619[%shift_right_arithmetic3A_17, %and3A_40, %broadcast_in_dim3A_553], %add3A_612 : memref<8x8x129xf32, #tpu.memory_space<vmem>>[vector<16xi32>, vector<16xi32>, vector<16xi32>], vector<16xf32>,
        %get3A_620 = arith.constant 1 : i32
        %get3A_621 = arith.constant 0 : i32
        %get3A_622 = arith.index_cast %get3A_620 : i32 to index
        %get3A_623 = arith.index_cast %get3A_621 : i32 to index
        %get3A_624 = arith.index_cast %scan3A_552 : i32 to index
        %get3A_625 = arith.constant 48 : index
        %get3A_626 = tpu.vector_load %arg9[%get3A_622, %get3A_623, %get3A_624, %get3A_625] {strides = array<i32>} : memref<2x2x128x64xf32, #tpu.memory_space<vmem>>, vector<16xf32>,
        %get3A_627 = arith.constant 1 : i32
        %get3A_628 = arith.constant 0 : i32
        %get3A_629 = arith.index_cast %get3A_627 : i32 to index
        %get3A_630 = arith.index_cast %get3A_628 : i32 to index
        %get3A_631 = arith.index_cast %scan3A_552 : i32 to index
        %get3A_632 = arith.constant 48 : index
        %get3A_633 = tpu.vector_load %arg10[%get3A_629, %get3A_630, %get3A_631, %get3A_632] {strides = array<i32>} : memref<2x2x128x64xf32, #tpu.memory_space<vmem>>, vector<16xf32>,
        %add3A_634 = arith.addf %get3A_626, %get3A_633 : vector<16xf32>
        %scatter3A_635 = arith.constant 1 : i32
        %scatter3A_636 = arith.constant 0 : i32
        %scatter3A_637 = arith.constant 0 : i32
        %scatter3A_638 = arith.constant 0 : i32
        %scatter3A_639 = arith.constant 0 : i32
        %scatter3A_640 = tpu.memref_slice %arg11[%scatter3A_635, %scatter3A_636, %scatter3A_637, %scatter3A_638, %scatter3A_639] : memref<2x2x8x8x129xf32, #tpu.memory_space<vmem>> -> memref<1x1x8x8x129xf32, #tpu.memory_space<vmem>>
        %scatter3A_641 = tpu.memref_squeeze %scatter3A_640 : memref<1x1x8x8x129xf32, #tpu.memory_space<vmem>> -> memref<8x8x129xf32, #tpu.memory_space<vmem>>
        tpu.vector_store_idx %scatter3A_641[%shift_right_arithmetic3A_23, %and3A_46, %broadcast_in_dim3A_553], %add3A_634 : memref<8x8x129xf32, #tpu.memory_space<vmem>>[vector<16xi32>, vector<16xi32>, vector<16xi32>], vector<16xf32>,
      }
      %scan3A_405 = arith.constant 128 : i32
      %scan3A_406 = arith.constant 0 : i32
      %scan3A_407 = arith.constant 0 : i32
      %scan3A_408 = arith.constant 128 : i32
      %scan3A_409 = arith.addi %scan3A_407, %scan3A_408 : i32
      %scan3A_410 = arith.constant 2 : i32
      scf.for %scan3A_464 = %scan3A_407 to %scan3A_409 step %scan3A_410  : i32 {
        %broadcast_in_dim3A = vector.broadcast %scan3A_464 : i32 to vector<16xi32>
        %get3A = arith.constant 1 : i32
        %get3A_465 = arith.constant 1 : i32
        %get3A_466 = arith.index_cast %get3A : i32 to index
        %get3A_467 = arith.index_cast %get3A_465 : i32 to index
        %get3A_468 = arith.index_cast %scan3A_464 : i32 to index
        %get3A_469 = arith.constant 0 : index
        %get3A_470 = tpu.vector_load %arg9[%get3A_466, %get3A_467, %get3A_468, %get3A_469] {strides = array<i32>} : memref<2x2x128x64xf32, #tpu.memory_space<vmem>>, vector<16xf32>,
        %get3A_471 = arith.constant 1 : i32
        %get3A_472 = arith.constant 1 : i32
        %get3A_473 = arith.index_cast %get3A_471 : i32 to index
        %get3A_474 = arith.index_cast %get3A_472 : i32 to index
        %get3A_475 = arith.index_cast %scan3A_464 : i32 to index
        %get3A_476 = arith.constant 0 : index
        %get3A_477 = tpu.vector_load %arg10[%get3A_473, %get3A_474, %get3A_475, %get3A_476] {strides = array<i32>} : memref<2x2x128x64xf32, #tpu.memory_space<vmem>>, vector<16xf32>,
        %add3A_478 = arith.addf %get3A_470, %get3A_477 : vector<16xf32>
        %scatter3A = arith.constant 1 : i32
        %scatter3A_479 = arith.constant 1 : i32
        %scatter3A_480 = arith.constant 0 : i32
        %scatter3A_481 = arith.constant 0 : i32
        %scatter3A_482 = arith.constant 0 : i32
        %scatter3A_483 = tpu.memref_slice %arg11[%scatter3A, %scatter3A_479, %scatter3A_480, %scatter3A_481, %scatter3A_482] : memref<2x2x8x8x129xf32, #tpu.memory_space<vmem>> -> memref<1x1x8x8x129xf32, #tpu.memory_space<vmem>>
        %scatter3A_484 = tpu.memref_squeeze %scatter3A_483 : memref<1x1x8x8x129xf32, #tpu.memory_space<vmem>> -> memref<8x8x129xf32, #tpu.memory_space<vmem>>
        tpu.vector_store_idx %scatter3A_484[%shift_right_arithmetic3A_5, %and3A_28, %broadcast_in_dim3A], %add3A_478 : memref<8x8x129xf32, #tpu.memory_space<vmem>>[vector<16xi32>, vector<16xi32>, vector<16xi32>], vector<16xf32>,
        %get3A_485 = arith.constant 1 : i32
        %get3A_486 = arith.constant 1 : i32
        %get3A_487 = arith.index_cast %get3A_485 : i32 to index
        %get3A_488 = arith.index_cast %get3A_486 : i32 to index
        %get3A_489 = arith.index_cast %scan3A_464 : i32 to index
        %get3A_490 = arith.constant 16 : index
        %get3A_491 = tpu.vector_load %arg9[%get3A_487, %get3A_488, %get3A_489, %get3A_490] {strides = array<i32>} : memref<2x2x128x64xf32, #tpu.memory_space<vmem>>, vector<16xf32>,
        %get3A_492 = arith.constant 1 : i32
        %get3A_493 = arith.constant 1 : i32
        %get3A_494 = arith.index_cast %get3A_492 : i32 to index
        %get3A_495 = arith.index_cast %get3A_493 : i32 to index
        %get3A_496 = arith.index_cast %scan3A_464 : i32 to index
        %get3A_497 = arith.constant 16 : index
        %get3A_498 = tpu.vector_load %arg10[%get3A_494, %get3A_495, %get3A_496, %get3A_497] {strides = array<i32>} : memref<2x2x128x64xf32, #tpu.memory_space<vmem>>, vector<16xf32>,
        %add3A_499 = arith.addf %get3A_491, %get3A_498 : vector<16xf32>
        %scatter3A_500 = arith.constant 1 : i32
        %scatter3A_501 = arith.constant 1 : i32
        %scatter3A_502 = arith.constant 0 : i32
        %scatter3A_503 = arith.constant 0 : i32
        %scatter3A_504 = arith.constant 0 : i32
        %scatter3A_505 = tpu.memref_slice %arg11[%scatter3A_500, %scatter3A_501, %scatter3A_502, %scatter3A_503, %scatter3A_504] : memref<2x2x8x8x129xf32, #tpu.memory_space<vmem>> -> memref<1x1x8x8x129xf32, #tpu.memory_space<vmem>>
        %scatter3A_506 = tpu.memref_squeeze %scatter3A_505 : memref<1x1x8x8x129xf32, #tpu.memory_space<vmem>> -> memref<8x8x129xf32, #tpu.memory_space<vmem>>
        tpu.vector_store_idx %scatter3A_506[%shift_right_arithmetic3A_11, %and3A_34, %broadcast_in_dim3A], %add3A_499 : memref<8x8x129xf32, #tpu.memory_space<vmem>>[vector<16xi32>, vector<16xi32>, vector<16xi32>], vector<16xf32>,
        %get3A_507 = arith.constant 1 : i32
        %get3A_508 = arith.constant 1 : i32
        %get3A_509 = arith.index_cast %get3A_507 : i32 to index
        %get3A_510 = arith.index_cast %get3A_508 : i32 to index
        %get3A_511 = arith.index_cast %scan3A_464 : i32 to index
        %get3A_512 = arith.constant 32 : index
        %get3A_513 = tpu.vector_load %arg9[%get3A_509, %get3A_510, %get3A_511, %get3A_512] {strides = array<i32>} : memref<2x2x128x64xf32, #tpu.memory_space<vmem>>, vector<16xf32>,
        %get3A_514 = arith.constant 1 : i32
        %get3A_515 = arith.constant 1 : i32
        %get3A_516 = arith.index_cast %get3A_514 : i32 to index
        %get3A_517 = arith.index_cast %get3A_515 : i32 to index
        %get3A_518 = arith.index_cast %scan3A_464 : i32 to index
        %get3A_519 = arith.constant 32 : index
        %get3A_520 = tpu.vector_load %arg10[%get3A_516, %get3A_517, %get3A_518, %get3A_519] {strides = array<i32>} : memref<2x2x128x64xf32, #tpu.memory_space<vmem>>, vector<16xf32>,
        %add3A_521 = arith.addf %get3A_513, %get3A_520 : vector<16xf32>
        %scatter3A_522 = arith.constant 1 : i32
        %scatter3A_523 = arith.constant 1 : i32
        %scatter3A_524 = arith.constant 0 : i32
        %scatter3A_525 = arith.constant 0 : i32
        %scatter3A_526 = arith.constant 0 : i32
        %scatter3A_527 = tpu.memref_slice %arg11[%scatter3A_522, %scatter3A_523, %scatter3A_524, %scatter3A_525, %scatter3A_526] : memref<2x2x8x8x129xf32, #tpu.memory_space<vmem>> -> memref<1x1x8x8x129xf32, #tpu.memory_space<vmem>>
        %scatter3A_528 = tpu.memref_squeeze %scatter3A_527 : memref<1x1x8x8x129xf32, #tpu.memory_space<vmem>> -> memref<8x8x129xf32, #tpu.memory_space<vmem>>
        tpu.vector_store_idx %scatter3A_528[%shift_right_arithmetic3A_17, %and3A_40, %broadcast_in_dim3A], %add3A_521 : memref<8x8x129xf32, #tpu.memory_space<vmem>>[vector<16xi32>, vector<16xi32>, vector<16xi32>], vector<16xf32>,
        %get3A_529 = arith.constant 1 : i32
        %get3A_530 = arith.constant 1 : i32
        %get3A_531 = arith.index_cast %get3A_529 : i32 to index
        %get3A_532 = arith.index_cast %get3A_530 : i32 to index
        %get3A_533 = arith.index_cast %scan3A_464 : i32 to index
        %get3A_534 = arith.constant 48 : index
        %get3A_535 = tpu.vector_load %arg9[%get3A_531, %get3A_532, %get3A_533, %get3A_534] {strides = array<i32>} : memref<2x2x128x64xf32, #tpu.memory_space<vmem>>, vector<16xf32>,
        %get3A_536 = arith.constant 1 : i32
        %get3A_537 = arith.constant 1 : i32
        %get3A_538 = arith.index_cast %get3A_536 : i32 to index
        %get3A_539 = arith.index_cast %get3A_537 : i32 to index
        %get3A_540 = arith.index_cast %scan3A_464 : i32 to index
        %get3A_541 = arith.constant 48 : index
        %get3A_542 = tpu.vector_load %arg10[%get3A_538, %get3A_539, %get3A_540, %get3A_541] {strides = array<i32>} : memref<2x2x128x64xf32, #tpu.memory_space<vmem>>, vector<16xf32>,
        %add3A_543 = arith.addf %get3A_535, %get3A_542 : vector<16xf32>
        %scatter3A_544 = arith.constant 1 : i32
        %scatter3A_545 = arith.constant 1 : i32
        %scatter3A_546 = arith.constant 0 : i32
        %scatter3A_547 = arith.constant 0 : i32
        %scatter3A_548 = arith.constant 0 : i32
        %scatter3A_549 = tpu.memref_slice %arg11[%scatter3A_544, %scatter3A_545, %scatter3A_546, %scatter3A_547, %scatter3A_548] : memref<2x2x8x8x129xf32, #tpu.memory_space<vmem>> -> memref<1x1x8x8x129xf32, #tpu.memory_space<vmem>>
        %scatter3A_550 = tpu.memref_squeeze %scatter3A_549 : memref<1x1x8x8x129xf32, #tpu.memory_space<vmem>> -> memref<8x8x129xf32, #tpu.memory_space<vmem>>
        tpu.vector_store_idx %scatter3A_550[%shift_right_arithmetic3A_23, %and3A_46, %broadcast_in_dim3A], %add3A_543 : memref<8x8x129xf32, #tpu.memory_space<vmem>>[vector<16xi32>, vector<16xi32>, vector<16xi32>], vector<16xf32>,
        %scan3A_551 = arith.constant 1 : i32
        %scan3A_552 = arith.addi %scan3A_464, %scan3A_551 : i32
        %broadcast_in_dim3A_553 = vector.broadcast %scan3A_552 : i32 to vector<16xi32>
        %get3A_554 = arith.constant 1 : i32
        %get3A_555 = arith.constant 1 : i32
        %get3A_556 = arith.index_cast %get3A_554 : i32 to index
        %get3A_557 = arith.index_cast %get3A_555 : i32 to index
        %get3A_558 = arith.index_cast %scan3A_552 : i32 to index
        %get3A_559 = arith.constant 0 : index
        %get3A_560 = tpu.vector_load %arg9[%get3A_556, %get3A_557, %get3A_558, %get3A_559] {strides = array<i32>} : memref<2x2x128x64xf32, #tpu.memory_space<vmem>>, vector<16xf32>,
        %get3A_561 = arith.constant 1 : i32
        %get3A_562 = arith.constant 1 : i32
        %get3A_563 = arith.index_cast %get3A_561 : i32 to index
        %get3A_564 = arith.index_cast %get3A_562 : i32 to index
        %get3A_565 = arith.index_cast %scan3A_552 : i32 to index
        %get3A_566 = arith.constant 0 : index
        %get3A_567 = tpu.vector_load %arg10[%get3A_563, %get3A_564, %get3A_565, %get3A_566] {strides = array<i32>} : memref<2x2x128x64xf32, #tpu.memory_space<vmem>>, vector<16xf32>,
        %add3A_568 = arith.addf %get3A_560, %get3A_567 : vector<16xf32>
        %scatter3A_569 = arith.constant 1 : i32
        %scatter3A_570 = arith.constant 1 : i32
        %scatter3A_571 = arith.constant 0 : i32
        %scatter3A_572 = arith.constant 0 : i32
        %scatter3A_573 = arith.constant 0 : i32
        %scatter3A_574 = tpu.memref_slice %arg11[%scatter3A_569, %scatter3A_570, %scatter3A_571, %scatter3A_572, %scatter3A_573] : memref<2x2x8x8x129xf32, #tpu.memory_space<vmem>> -> memref<1x1x8x8x129xf32, #tpu.memory_space<vmem>>
        %scatter3A_575 = tpu.memref_squeeze %scatter3A_574 : memref<1x1x8x8x129xf32, #tpu.memory_space<vmem>> -> memref<8x8x129xf32, #tpu.memory_space<vmem>>
        tpu.vector_store_idx %scatter3A_575[%shift_right_arithmetic3A_5, %and3A_28, %broadcast_in_dim3A_553], %add3A_568 : memref<8x8x129xf32, #tpu.memory_space<vmem>>[vector<16xi32>, vector<16xi32>, vector<16xi32>], vector<16xf32>,
        %get3A_576 = arith.constant 1 : i32
        %get3A_577 = arith.constant 1 : i32
        %get3A_578 = arith.index_cast %get3A_576 : i32 to index
        %get3A_579 = arith.index_cast %get3A_577 : i32 to index
        %get3A_580 = arith.index_cast %scan3A_552 : i32 to index
        %get3A_581 = arith.constant 16 : index
        %get3A_582 = tpu.vector_load %arg9[%get3A_578, %get3A_579, %get3A_580, %get3A_581] {strides = array<i32>} : memref<2x2x128x64xf32, #tpu.memory_space<vmem>>, vector<16xf32>,
        %get3A_583 = arith.constant 1 : i32
        %get3A_584 = arith.constant 1 : i32
        %get3A_585 = arith.index_cast %get3A_583 : i32 to index
        %get3A_586 = arith.index_cast %get3A_584 : i32 to index
        %get3A_587 = arith.index_cast %scan3A_552 : i32 to index
        %get3A_588 = arith.constant 16 : index
        %get3A_589 = tpu.vector_load %arg10[%get3A_585, %get3A_586, %get3A_587, %get3A_588] {strides = array<i32>} : memref<2x2x128x64xf32, #tpu.memory_space<vmem>>, vector<16xf32>,
        %add3A_590 = arith.addf %get3A_582, %get3A_589 : vector<16xf32>
        %scatter3A_591 = arith.constant 1 : i32
        %scatter3A_592 = arith.constant 1 : i32
        %scatter3A_593 = arith.constant 0 : i32
        %scatter3A_594 = arith.constant 0 : i32
        %scatter3A_595 = arith.constant 0 : i32
        %scatter3A_596 = tpu.memref_slice %arg11[%scatter3A_591, %scatter3A_592, %scatter3A_593, %scatter3A_594, %scatter3A_595] : memref<2x2x8x8x129xf32, #tpu.memory_space<vmem>> -> memref<1x1x8x8x129xf32, #tpu.memory_space<vmem>>
        %scatter3A_597 = tpu.memref_squeeze %scatter3A_596 : memref<1x1x8x8x129xf32, #tpu.memory_space<vmem>> -> memref<8x8x129xf32, #tpu.memory_space<vmem>>
        tpu.vector_store_idx %scatter3A_597[%shift_right_arithmetic3A_11, %and3A_34, %broadcast_in_dim3A_553], %add3A_590 : memref<8x8x129xf32, #tpu.memory_space<vmem>>[vector<16xi32>, vector<16xi32>, vector<16xi32>], vector<16xf32>,
        %get3A_598 = arith.constant 1 : i32
        %get3A_599 = arith.constant 1 : i32
        %get3A_600 = arith.index_cast %get3A_598 : i32 to index
        %get3A_601 = arith.index_cast %get3A_599 : i32 to index
        %get3A_602 = arith.index_cast %scan3A_552 : i32 to index
        %get3A_603 = arith.constant 32 : index
        %get3A_604 = tpu.vector_load %arg9[%get3A_600, %get3A_601, %get3A_602, %get3A_603] {strides = array<i32>} : memref<2x2x128x64xf32, #tpu.memory_space<vmem>>, vector<16xf32>,
        %get3A_605 = arith.constant 1 : i32
        %get3A_606 = arith.constant 1 : i32
        %get3A_607 = arith.index_cast %get3A_605 : i32 to index
        %get3A_608 = arith.index_cast %get3A_606 : i32 to index
        %get3A_609 = arith.index_cast %scan3A_552 : i32 to index
        %get3A_610 = arith.constant 32 : index
        %get3A_611 = tpu.vector_load %arg10[%get3A_607, %get3A_608, %get3A_609, %get3A_610] {strides = array<i32>} : memref<2x2x128x64xf32, #tpu.memory_space<vmem>>, vector<16xf32>,
        %add3A_612 = arith.addf %get3A_604, %get3A_611 : vector<16xf32>
        %scatter3A_613 = arith.constant 1 : i32
        %scatter3A_614 = arith.constant 1 : i32
        %scatter3A_615 = arith.constant 0 : i32
        %scatter3A_616 = arith.constant 0 : i32
        %scatter3A_617 = arith.constant 0 : i32
        %scatter3A_618 = tpu.memref_slice %arg11[%scatter3A_613, %scatter3A_614, %scatter3A_615, %scatter3A_616, %scatter3A_617] : memref<2x2x8x8x129xf32, #tpu.memory_space<vmem>> -> memref<1x1x8x8x129xf32, #tpu.memory_space<vmem>>
        %scatter3A_619 = tpu.memref_squeeze %scatter3A_618 : memref<1x1x8x8x129xf32, #tpu.memory_space<vmem>> -> memref<8x8x129xf32, #tpu.memory_space<vmem>>
        tpu.vector_store_idx %scatter3A_619[%shift_right_arithmetic3A_17, %and3A_40, %broadcast_in_dim3A_553], %add3A_612 : memref<8x8x129xf32, #tpu.memory_space<vmem>>[vector<16xi32>, vector<16xi32>, vector<16xi32>], vector<16xf32>,
        %get3A_620 = arith.constant 1 : i32
        %get3A_621 = arith.constant 1 : i32
        %get3A_622 = arith.index_cast %get3A_620 : i32 to index
        %get3A_623 = arith.index_cast %get3A_621 : i32 to index
        %get3A_624 = arith.index_cast %scan3A_552 : i32 to index
        %get3A_625 = arith.constant 48 : index
        %get3A_626 = tpu.vector_load %arg9[%get3A_622, %get3A_623, %get3A_624, %get3A_625] {strides = array<i32>} : memref<2x2x128x64xf32, #tpu.memory_space<vmem>>, vector<16xf32>,
        %get3A_627 = arith.constant 1 : i32
        %get3A_628 = arith.constant 1 : i32
        %get3A_629 = arith.index_cast %get3A_627 : i32 to index
        %get3A_630 = arith.index_cast %get3A_628 : i32 to index
        %get3A_631 = arith.index_cast %scan3A_552 : i32 to index
        %get3A_632 = arith.constant 48 : index
        %get3A_633 = tpu.vector_load %arg10[%get3A_629, %get3A_630, %get3A_631, %get3A_632] {strides = array<i32>} : memref<2x2x128x64xf32, #tpu.memory_space<vmem>>, vector<16xf32>,
        %add3A_634 = arith.addf %get3A_626, %get3A_633 : vector<16xf32>
        %scatter3A_635 = arith.constant 1 : i32
        %scatter3A_636 = arith.constant 1 : i32
        %scatter3A_637 = arith.constant 0 : i32
        %scatter3A_638 = arith.constant 0 : i32
        %scatter3A_639 = arith.constant 0 : i32
        %scatter3A_640 = tpu.memref_slice %arg11[%scatter3A_635, %scatter3A_636, %scatter3A_637, %scatter3A_638, %scatter3A_639] : memref<2x2x8x8x129xf32, #tpu.memory_space<vmem>> -> memref<1x1x8x8x129xf32, #tpu.memory_space<vmem>>
        %scatter3A_641 = tpu.memref_squeeze %scatter3A_640 : memref<1x1x8x8x129xf32, #tpu.memory_space<vmem>> -> memref<8x8x129xf32, #tpu.memory_space<vmem>>
        tpu.vector_store_idx %scatter3A_641[%shift_right_arithmetic3A_23, %and3A_46, %broadcast_in_dim3A_553], %add3A_634 : memref<8x8x129xf32, #tpu.memory_space<vmem>>[vector<16xi32>, vector<16xi32>, vector<16xi32>], vector<16xf32>,
      }
      %scan3A_411 = arith.constant 128 : i32
      %mul3A_412 = arith.constant 2 : i32
      %mul3A_413 = arith.muli %add3A_333, %mul3A_412 : i32
      %add3A_414 = arith.constant 0 : i32
      %add3A_415 = arith.addi %mul3A_413, %add3A_414 : i32
      %dma_start3A_416 = arith.constant 1 : i32
      %dma_start3A_417 = arith.constant 0 : i32
      %dma_start3A_418 = arith.constant 0 : i32
      %dma_start3A_419 = arith.constant 0 : i32
      %dma_start3A_420 = arith.constant 0 : i32
      %dma_start3A_421 = tpu.memref_slice %arg11[%dma_start3A_416, %dma_start3A_417, %dma_start3A_418, %dma_start3A_419, %dma_start3A_420] : memref<2x2x8x8x129xf32, #tpu.memory_space<vmem>> -> memref<1x1x8x8x128xf32, #tpu.memory_space<vmem>>
      %dma_start3A_422 = tpu.memref_squeeze %dma_start3A_421 : memref<1x1x8x8x128xf32, #tpu.memory_space<vmem>> -> memref<8x8x128xf32, #tpu.memory_space<vmem>>
      %dma_start3A_423 = arith.constant 0 : i32
      %dma_start3A_424 = arith.constant 0 : i32
      %dma_start3A_425 = arith.constant 0 : i32
      %dma_start3A_426 = tpu.memref_slice %arg6[%add3A_415, %dma_start3A_423, %add3A, %dma_start3A_424, %dma_start3A_425] : memref<200x8x32x8x128xf32, #tpu.memory_space<hbm>> -> memref<1x8x1x8x128xf32, #tpu.memory_space<hbm>>
      %dma_start3A_427 = tpu.memref_squeeze %dma_start3A_426 : memref<1x8x1x8x128xf32, #tpu.memory_space<hbm>> -> memref<8x8x128xf32, #tpu.memory_space<hbm>>
      %dma_start3A_428 = arith.constant 0 : i32
      %dma_start3A_429 = arith.constant 0 : i32
      %dma_start3A_430 = arith.constant 0 : i32
      %dma_start3A_431 = tpu.memref_slice %arg6[%add3A_415, %dma_start3A_428, %add3A, %dma_start3A_429, %dma_start3A_430] : memref<200x8x32x8x128xf32, #tpu.memory_space<hbm>> -> memref<1x8x1x8x128xf32, #tpu.memory_space<hbm>>
      %dma_start3A_432 = tpu.memref_squeeze %dma_start3A_431 : memref<1x8x1x8x128xf32, #tpu.memory_space<hbm>> -> memref<8x8x128xf32, #tpu.memory_space<hbm>>
      %dma_start3A_433 = arith.constant 0 : i32
      %dma_start3A_434 = arith.constant 0 : i32
      %dma_start3A_435 = arith.constant 0 : i32
      %dma_start3A_436 = tpu.memref_slice %arg11[%dma_start3A_416, %dma_start3A_417, %dma_start3A_433, %dma_start3A_434, %dma_start3A_435] : memref<2x2x8x8x129xf32, #tpu.memory_space<vmem>> -> memref<1x1x8x8x128xf32, #tpu.memory_space<vmem>>
      %dma_start3A_437 = tpu.memref_squeeze %dma_start3A_436 : memref<1x1x8x8x128xf32, #tpu.memory_space<vmem>> -> memref<8x8x128xf32, #tpu.memory_space<vmem>>
      tpu.enqueue_dma source(%dma_start3A_437 : memref<8x8x128xf32, #tpu.memory_space<vmem>>) target(%dma_start3A_432 : memref<8x8x128xf32, #tpu.memory_space<hbm>>) target_semaphore(%arg15 : memref<!tpu.dma_semaphore, #tpu.memory_space<semaphore_mem>>)
      %mul3A_438 = arith.constant 2 : i32
      %mul3A_439 = arith.muli %add3A_333, %mul3A_438 : i32
      %add3A_440 = arith.constant 1 : i32
      %add3A_441 = arith.addi %mul3A_439, %add3A_440 : i32
      %dma_start3A_442 = arith.constant 1 : i32
      %dma_start3A_443 = arith.constant 1 : i32
      %dma_start3A_444 = arith.constant 0 : i32
      %dma_start3A_445 = arith.constant 0 : i32
      %dma_start3A_446 = arith.constant 0 : i32
      %dma_start3A_447 = tpu.memref_slice %arg11[%dma_start3A_442, %dma_start3A_443, %dma_start3A_444, %dma_start3A_445, %dma_start3A_446] : memref<2x2x8x8x129xf32, #tpu.memory_space<vmem>> -> memref<1x1x8x8x128xf32, #tpu.memory_space<vmem>>
      %dma_start3A_448 = tpu.memref_squeeze %dma_start3A_447 : memref<1x1x8x8x128xf32, #tpu.memory_space<vmem>> -> memref<8x8x128xf32, #tpu.memory_space<vmem>>
      %dma_start3A_449 = arith.constant 0 : i32
      %dma_start3A_450 = arith.constant 0 : i32
      %dma_start3A_451 = arith.constant 0 : i32
      %dma_start3A_452 = tpu.memref_slice %arg6[%add3A_441, %dma_start3A_449, %add3A, %dma_start3A_450, %dma_start3A_451] : memref<200x8x32x8x128xf32, #tpu.memory_space<hbm>> -> memref<1x8x1x8x128xf32, #tpu.memory_space<hbm>>
      %dma_start3A_453 = tpu.memref_squeeze %dma_start3A_452 : memref<1x8x1x8x128xf32, #tpu.memory_space<hbm>> -> memref<8x8x128xf32, #tpu.memory_space<hbm>>
      %dma_start3A_454 = arith.constant 0 : i32
      %dma_start3A_455 = arith.constant 0 : i32
      %dma_start3A_456 = arith.constant 0 : i32
      %dma_start3A_457 = tpu.memref_slice %arg6[%add3A_441, %dma_start3A_454, %add3A, %dma_start3A_455, %dma_start3A_456] : memref<200x8x32x8x128xf32, #tpu.memory_space<hbm>> -> memref<1x8x1x8x128xf32, #tpu.memory_space<hbm>>
      %dma_start3A_458 = tpu.memref_squeeze %dma_start3A_457 : memref<1x8x1x8x128xf32, #tpu.memory_space<hbm>> -> memref<8x8x128xf32, #tpu.memory_space<hbm>>
      %dma_start3A_459 = arith.constant 0 : i32
      %dma_start3A_460 = arith.constant 0 : i32
      %dma_start3A_461 = arith.constant 0 : i32
      %dma_start3A_462 = tpu.memref_slice %arg11[%dma_start3A_442, %dma_start3A_443, %dma_start3A_459, %dma_start3A_460, %dma_start3A_461] : memref<2x2x8x8x129xf32, #tpu.memory_space<vmem>> -> memref<1x1x8x8x128xf32, #tpu.memory_space<vmem>>
      %dma_start3A_463 = tpu.memref_squeeze %dma_start3A_462 : memref<1x1x8x8x128xf32, #tpu.memory_space<vmem>> -> memref<8x8x128xf32, #tpu.memory_space<vmem>>
      tpu.enqueue_dma source(%dma_start3A_463 : memref<8x8x128xf32, #tpu.memory_space<vmem>>) target(%dma_start3A_458 : memref<8x8x128xf32, #tpu.memory_space<hbm>>) target_semaphore(%arg15 : memref<!tpu.dma_semaphore, #tpu.memory_space<semaphore_mem>>)
    }
    %scan3A_107 = arith.constant 50 : i32
    %dma_wait3A = arith.constant 0 : i32
    %dma_wait3A_108 = arith.constant 0 : i32
    %dma_wait3A_109 = arith.constant 196 : i32
    %dma_wait3A_110 = arith.constant 0 : i32
    %dma_wait3A_111 = arith.constant 0 : i32
    %dma_wait3A_112 = arith.constant 0 : i32
    %dma_wait3A_113 = tpu.memref_slice %arg11[%dma_wait3A, %dma_wait3A_108, %dma_wait3A_110, %dma_wait3A_111, %dma_wait3A_112] : memref<2x2x8x8x129xf32, #tpu.memory_space<vmem>> -> memref<1x1x8x8x128xf32, #tpu.memory_space<vmem>>
    %dma_wait3A_114 = tpu.memref_squeeze %dma_wait3A_113 : memref<1x1x8x8x128xf32, #tpu.memory_space<vmem>> -> memref<8x8x128xf32, #tpu.memory_space<vmem>>
    %dma_wait3A_115 = arith.constant 0 : i32
    %dma_wait3A_116 = arith.constant 0 : i32
    %dma_wait3A_117 = arith.constant 0 : i32
    %dma_wait3A_118 = tpu.memref_slice %arg6[%dma_wait3A_109, %dma_wait3A_115, %add3A, %dma_wait3A_116, %dma_wait3A_117] : memref<200x8x32x8x128xf32, #tpu.memory_space<hbm>> -> memref<1x8x1x8x128xf32, #tpu.memory_space<hbm>>
    %dma_wait3A_119 = tpu.memref_squeeze %dma_wait3A_118 : memref<1x8x1x8x128xf32, #tpu.memory_space<hbm>> -> memref<8x8x128xf32, #tpu.memory_space<hbm>>
    %dma_wait3A_120 = arith.constant 0 : i32
    %dma_wait3A_121 = arith.constant 0 : i32
    %dma_wait3A_122 = arith.constant 0 : i32
    %dma_wait3A_123 = tpu.memref_slice %arg6[%dma_wait3A_109, %dma_wait3A_120, %add3A, %dma_wait3A_121, %dma_wait3A_122] : memref<200x8x32x8x128xf32, #tpu.memory_space<hbm>> -> memref<1x8x1x8x128xf32, #tpu.memory_space<hbm>>
    %dma_wait3A_124 = tpu.memref_squeeze %dma_wait3A_123 : memref<1x8x1x8x128xf32, #tpu.memory_space<hbm>> -> memref<8x8x128xf32, #tpu.memory_space<hbm>>
    %dma_wait3A_125 = arith.constant 0 : i32
    %dma_wait3A_126 = arith.constant 0 : i32
    %dma_wait3A_127 = arith.constant 0 : i32
    %dma_wait3A_128 = tpu.memref_slice %arg11[%dma_wait3A, %dma_wait3A_108, %dma_wait3A_125, %dma_wait3A_126, %dma_wait3A_127] : memref<2x2x8x8x129xf32, #tpu.memory_space<vmem>> -> memref<1x1x8x8x128xf32, #tpu.memory_space<vmem>>
    %dma_wait3A_129 = tpu.memref_squeeze %dma_wait3A_128 : memref<1x1x8x8x128xf32, #tpu.memory_space<vmem>> -> memref<8x8x128xf32, #tpu.memory_space<vmem>>
    tpu.wait_dma2 semaphore(%arg14 : memref<!tpu.dma_semaphore, #tpu.memory_space<semaphore_mem>>) src(%dma_wait3A_129 : memref<8x8x128xf32, #tpu.memory_space<vmem>>) dst(%dma_wait3A_124 : memref<8x8x128xf32, #tpu.memory_space<hbm>>)
    %dma_wait3A_130 = arith.constant 1 : i32
    %dma_wait3A_131 = arith.constant 0 : i32
    %dma_wait3A_132 = arith.constant 198 : i32
    %dma_wait3A_133 = arith.constant 0 : i32
    %dma_wait3A_134 = arith.constant 0 : i32
    %dma_wait3A_135 = arith.constant 0 : i32
    %dma_wait3A_136 = tpu.memref_slice %arg11[%dma_wait3A_130, %dma_wait3A_131, %dma_wait3A_133, %dma_wait3A_134, %dma_wait3A_135] : memref<2x2x8x8x129xf32, #tpu.memory_space<vmem>> -> memref<1x1x8x8x128xf32, #tpu.memory_space<vmem>>
    %dma_wait3A_137 = tpu.memref_squeeze %dma_wait3A_136 : memref<1x1x8x8x128xf32, #tpu.memory_space<vmem>> -> memref<8x8x128xf32, #tpu.memory_space<vmem>>
    %dma_wait3A_138 = arith.constant 0 : i32
    %dma_wait3A_139 = arith.constant 0 : i32
    %dma_wait3A_140 = arith.constant 0 : i32
    %dma_wait3A_141 = tpu.memref_slice %arg6[%dma_wait3A_132, %dma_wait3A_138, %add3A, %dma_wait3A_139, %dma_wait3A_140] : memref<200x8x32x8x128xf32, #tpu.memory_space<hbm>> -> memref<1x8x1x8x128xf32, #tpu.memory_space<hbm>>
    %dma_wait3A_142 = tpu.memref_squeeze %dma_wait3A_141 : memref<1x8x1x8x128xf32, #tpu.memory_space<hbm>> -> memref<8x8x128xf32, #tpu.memory_space<hbm>>
    %dma_wait3A_143 = arith.constant 0 : i32
    %dma_wait3A_144 = arith.constant 0 : i32
    %dma_wait3A_145 = arith.constant 0 : i32
    %dma_wait3A_146 = tpu.memref_slice %arg6[%dma_wait3A_132, %dma_wait3A_143, %add3A, %dma_wait3A_144, %dma_wait3A_145] : memref<200x8x32x8x128xf32, #tpu.memory_space<hbm>> -> memref<1x8x1x8x128xf32, #tpu.memory_space<hbm>>
    %dma_wait3A_147 = tpu.memref_squeeze %dma_wait3A_146 : memref<1x8x1x8x128xf32, #tpu.memory_space<hbm>> -> memref<8x8x128xf32, #tpu.memory_space<hbm>>
    %dma_wait3A_148 = arith.constant 0 : i32
    %dma_wait3A_149 = arith.constant 0 : i32
    %dma_wait3A_150 = arith.constant 0 : i32
    %dma_wait3A_151 = tpu.memref_slice %arg11[%dma_wait3A_130, %dma_wait3A_131, %dma_wait3A_148, %dma_wait3A_149, %dma_wait3A_150] : memref<2x2x8x8x129xf32, #tpu.memory_space<vmem>> -> memref<1x1x8x8x128xf32, #tpu.memory_space<vmem>>
    %dma_wait3A_152 = tpu.memref_squeeze %dma_wait3A_151 : memref<1x1x8x8x128xf32, #tpu.memory_space<vmem>> -> memref<8x8x128xf32, #tpu.memory_space<vmem>>
    tpu.wait_dma2 semaphore(%arg15 : memref<!tpu.dma_semaphore, #tpu.memory_space<semaphore_mem>>) src(%dma_wait3A_152 : memref<8x8x128xf32, #tpu.memory_space<vmem>>) dst(%dma_wait3A_147 : memref<8x8x128xf32, #tpu.memory_space<hbm>>)
    %dma_wait3A_153 = arith.constant 0 : i32
    %dma_wait3A_154 = arith.constant 1 : i32
    %dma_wait3A_155 = arith.constant 197 : i32
    %dma_wait3A_156 = arith.constant 0 : i32
    %dma_wait3A_157 = arith.constant 0 : i32
    %dma_wait3A_158 = arith.constant 0 : i32
    %dma_wait3A_159 = tpu.memref_slice %arg11[%dma_wait3A_153, %dma_wait3A_154, %dma_wait3A_156, %dma_wait3A_157, %dma_wait3A_158] : memref<2x2x8x8x129xf32, #tpu.memory_space<vmem>> -> memref<1x1x8x8x128xf32, #tpu.memory_space<vmem>>
    %dma_wait3A_160 = tpu.memref_squeeze %dma_wait3A_159 : memref<1x1x8x8x128xf32, #tpu.memory_space<vmem>> -> memref<8x8x128xf32, #tpu.memory_space<vmem>>
    %dma_wait3A_161 = arith.constant 0 : i32
    %dma_wait3A_162 = arith.constant 0 : i32
    %dma_wait3A_163 = arith.constant 0 : i32
    %dma_wait3A_164 = tpu.memref_slice %arg6[%dma_wait3A_155, %dma_wait3A_161, %add3A, %dma_wait3A_162, %dma_wait3A_163] : memref<200x8x32x8x128xf32, #tpu.memory_space<hbm>> -> memref<1x8x1x8x128xf32, #tpu.memory_space<hbm>>
    %dma_wait3A_165 = tpu.memref_squeeze %dma_wait3A_164 : memref<1x8x1x8x128xf32, #tpu.memory_space<hbm>> -> memref<8x8x128xf32, #tpu.memory_space<hbm>>
    %dma_wait3A_166 = arith.constant 0 : i32
    %dma_wait3A_167 = arith.constant 0 : i32
    %dma_wait3A_168 = arith.constant 0 : i32
    %dma_wait3A_169 = tpu.memref_slice %arg6[%dma_wait3A_155, %dma_wait3A_166, %add3A, %dma_wait3A_167, %dma_wait3A_168] : memref<200x8x32x8x128xf32, #tpu.memory_space<hbm>> -> memref<1x8x1x8x128xf32, #tpu.memory_space<hbm>>
    %dma_wait3A_170 = tpu.memref_squeeze %dma_wait3A_169 : memref<1x8x1x8x128xf32, #tpu.memory_space<hbm>> -> memref<8x8x128xf32, #tpu.memory_space<hbm>>
    %dma_wait3A_171 = arith.constant 0 : i32
    %dma_wait3A_172 = arith.constant 0 : i32
    %dma_wait3A_173 = arith.constant 0 : i32
    %dma_wait3A_174 = tpu.memref_slice %arg11[%dma_wait3A_153, %dma_wait3A_154, %dma_wait3A_171, %dma_wait3A_172, %dma_wait3A_173] : memref<2x2x8x8x129xf32, #tpu.memory_space<vmem>> -> memref<1x1x8x8x128xf32, #tpu.memory_space<vmem>>
    %dma_wait3A_175 = tpu.memref_squeeze %dma_wait3A_174 : memref<1x1x8x8x128xf32, #tpu.memory_space<vmem>> -> memref<8x8x128xf32, #tpu.memory_space<vmem>>
    tpu.wait_dma2 semaphore(%arg14 : memref<!tpu.dma_semaphore, #tpu.memory_space<semaphore_mem>>) src(%dma_wait3A_175 : memref<8x8x128xf32, #tpu.memory_space<vmem>>) dst(%dma_wait3A_170 : memref<8x8x128xf32, #tpu.memory_space<hbm>>)
    %dma_wait3A_176 = arith.constant 1 : i32
    %dma_wait3A_177 = arith.constant 1 : i32
    %dma_wait3A_178 = arith.constant 199 : i32
    %dma_wait3A_179 = arith.constant 0 : i32
    %dma_wait3A_180 = arith.constant 0 : i32
    %dma_wait3A_181 = arith.constant 0 : i32
    %dma_wait3A_182 = tpu.memref_slice %arg11[%dma_wait3A_176, %dma_wait3A_177, %dma_wait3A_179, %dma_wait3A_180, %dma_wait3A_181] : memref<2x2x8x8x129xf32, #tpu.memory_space<vmem>> -> memref<1x1x8x8x128xf32, #tpu.memory_space<vmem>>
    %dma_wait3A_183 = tpu.memref_squeeze %dma_wait3A_182 : memref<1x1x8x8x128xf32, #tpu.memory_space<vmem>> -> memref<8x8x128xf32, #tpu.memory_space<vmem>>
    %dma_wait3A_184 = arith.constant 0 : i32
    %dma_wait3A_185 = arith.constant 0 : i32
    %dma_wait3A_186 = arith.constant 0 : i32
    %dma_wait3A_187 = tpu.memref_slice %arg6[%dma_wait3A_178, %dma_wait3A_184, %add3A, %dma_wait3A_185, %dma_wait3A_186] : memref<200x8x32x8x128xf32, #tpu.memory_space<hbm>> -> memref<1x8x1x8x128xf32, #tpu.memory_space<hbm>>
    %dma_wait3A_188 = tpu.memref_squeeze %dma_wait3A_187 : memref<1x8x1x8x128xf32, #tpu.memory_space<hbm>> -> memref<8x8x128xf32, #tpu.memory_space<hbm>>
    %dma_wait3A_189 = arith.constant 0 : i32
    %dma_wait3A_190 = arith.constant 0 : i32
    %dma_wait3A_191 = arith.constant 0 : i32
    %dma_wait3A_192 = tpu.memref_slice %arg6[%dma_wait3A_178, %dma_wait3A_189, %add3A, %dma_wait3A_190, %dma_wait3A_191] : memref<200x8x32x8x128xf32, #tpu.memory_space<hbm>> -> memref<1x8x1x8x128xf32, #tpu.memory_space<hbm>>
    %dma_wait3A_193 = tpu.memref_squeeze %dma_wait3A_192 : memref<1x8x1x8x128xf32, #tpu.memory_space<hbm>> -> memref<8x8x128xf32, #tpu.memory_space<hbm>>
    %dma_wait3A_194 = arith.constant 0 : i32
    %dma_wait3A_195 = arith.constant 0 : i32
    %dma_wait3A_196 = arith.constant 0 : i32
    %dma_wait3A_197 = tpu.memref_slice %arg11[%dma_wait3A_176, %dma_wait3A_177, %dma_wait3A_194, %dma_wait3A_195, %dma_wait3A_196] : memref<2x2x8x8x129xf32, #tpu.memory_space<vmem>> -> memref<1x1x8x8x128xf32, #tpu.memory_space<vmem>>
    %dma_wait3A_198 = tpu.memref_squeeze %dma_wait3A_197 : memref<1x1x8x8x128xf32, #tpu.memory_space<vmem>> -> memref<8x8x128xf32, #tpu.memory_space<vmem>>
    tpu.wait_dma2 semaphore(%arg15 : memref<!tpu.dma_semaphore, #tpu.memory_space<semaphore_mem>>) src(%dma_wait3A_198 : memref<8x8x128xf32, #tpu.memory_space<vmem>>) dst(%dma_wait3A_193 : memref<8x8x128xf32, #tpu.memory_space<hbm>>)
    return
  }
}

module attributes {stable_mosaic.version = 14 : i64} {
  func.func @_prep_kernel(%arg0: memref<2x64xf32, #tpu.memory_space<vmem>>, %arg1: memref<2x64xf32, #tpu.memory_space<vmem>>, %arg2: memref<512x64xf32, #tpu.memory_space<vmem>>, %arg3: memref<6400x128xi32, #tpu.memory_space<vmem>>, %arg4: memref<6400x128xi32, #tpu.memory_space<vmem>>, %arg5: memref<6400x128xi32, #tpu.memory_space<vmem>>, %arg6: memref<2x2x512x64xf32, #tpu.memory_space<vmem>>, %arg7: memref<6400x128xi32, #tpu.memory_space<vmem>>) attributes {dimension_semantics = [], scalar_prefetch = 0 : i64, scratch_operands = 0 : i64, tpu.core_type = #tpu.core_type<tc>} {
    %get3A = arith.constant 0 : index
    %get3A_0 = arith.constant 0 : index
    %get3A_1 = vector.load %arg0[%get3A, %get3A_0] : memref<2x64xf32, #tpu.memory_space<vmem>>, vector<2x64xf32>
    %broadcast_in_dim3A = vector.shape_cast %get3A_1 : vector<2x64xf32> to vector<2x1x1x64xf32>
    %get3A_2 = arith.constant 0 : index
    %get3A_3 = arith.constant 0 : index
    %get3A_4 = vector.load %arg1[%get3A_2, %get3A_3] : memref<2x64xf32, #tpu.memory_space<vmem>>, vector<2x64xf32>
    %broadcast_in_dim3A_5 = vector.shape_cast %get3A_4 : vector<2x64xf32> to vector<1x2x1x64xf32>
    %add3A = vector.broadcast %broadcast_in_dim3A : vector<2x1x1x64xf32> to vector<2x2x1x64xf32>
    %add3A_6 = vector.broadcast %broadcast_in_dim3A_5 : vector<1x2x1x64xf32> to vector<2x2x1x64xf32>
    %add3A_7 = arith.addf %add3A, %add3A_6 : vector<2x2x1x64xf32>
    %get3A_8 = arith.constant 0 : index
    %get3A_9 = arith.constant 0 : index
    %get3A_10 = vector.load %arg2[%get3A_8, %get3A_9] : memref<512x64xf32, #tpu.memory_space<vmem>>, vector<512x64xf32>
    %broadcast_in_dim3A_11 = vector.shape_cast %get3A_10 : vector<512x64xf32> to vector<1x1x512x64xf32>
    %add3A_12 = vector.broadcast %add3A_7 : vector<2x2x1x64xf32> to vector<2x2x512x64xf32>
    %add3A_13 = vector.broadcast %broadcast_in_dim3A_11 : vector<1x1x512x64xf32> to vector<2x2x512x64xf32>
    %add3A_14 = arith.addf %add3A_12, %add3A_13 : vector<2x2x512x64xf32>
    %swap3A = arith.constant 0 : index
    %swap3A_15 = arith.constant 0 : index
    %swap3A_16 = arith.constant 0 : index
    %swap3A_17 = arith.constant 0 : index
    %swap3A_18 = vector.load %arg6[%swap3A, %swap3A_15, %swap3A_16, %swap3A_17] : memref<2x2x512x64xf32, #tpu.memory_space<vmem>>, vector<2x2x512x64xf32>
    tpu.vector_store %arg6[%swap3A, %swap3A_15, %swap3A_16, %swap3A_17], %add3A_14 {strides = array<i32>} : memref<2x2x512x64xf32, #tpu.memory_space<vmem>>, vector<2x2x512x64xf32>,
    %get3A_19 = arith.constant 0 : index
    %get3A_20 = arith.constant 0 : index
    %get3A_21 = vector.load %arg3[%get3A_19, %get3A_20] : memref<6400x128xi32, #tpu.memory_space<vmem>>, vector<6400x128xi32>
    %mul3A = arith.constant 1024 : i32
    %mul3A_22 = vector.broadcast %mul3A : i32 to vector<6400x128xi32>
    %mul3A_23 = arith.muli %get3A_21, %mul3A_22 : vector<6400x128xi32>
    %get3A_24 = arith.constant 0 : index
    %get3A_25 = arith.constant 0 : index
    %get3A_26 = vector.load %arg4[%get3A_24, %get3A_25] : memref<6400x128xi32, #tpu.memory_space<vmem>>, vector<6400x128xi32>
    %mul3A_27 = arith.constant 512 : i32
    %mul3A_28 = vector.broadcast %mul3A_27 : i32 to vector<6400x128xi32>
    %mul3A_29 = arith.muli %get3A_26, %mul3A_28 : vector<6400x128xi32>
    %add3A_30 = arith.addi %mul3A_23, %mul3A_29 : vector<6400x128xi32>
    %get3A_31 = arith.constant 0 : index
    %get3A_32 = arith.constant 0 : index
    %get3A_33 = vector.load %arg5[%get3A_31, %get3A_32] : memref<6400x128xi32, #tpu.memory_space<vmem>>, vector<6400x128xi32>
    %add3A_34 = arith.addi %add3A_30, %get3A_33 : vector<6400x128xi32>
    %swap3A_35 = arith.constant 0 : index
    %swap3A_36 = arith.constant 0 : index
    %swap3A_37 = vector.load %arg7[%swap3A_35, %swap3A_36] : memref<6400x128xi32, #tpu.memory_space<vmem>>, vector<6400x128xi32>
    tpu.vector_store %arg7[%swap3A_35, %swap3A_36], %add3A_34 {strides = array<i32>} : memref<6400x128xi32, #tpu.memory_space<vmem>>, vector<6400x128xi32>,
    return
  }
}

</mosaic_0001>

<sc_bundles>
// kernel: kernel.4.cloned.1.call-start
scs
__scs_entry_jumppad:
0x0: {  	(pc) =	sbr.rel $0x88, $3  }
0x1: {  	(tag) =	ssettag $0x0;
	lr =	simm.s32 $0x1  }
0x2: {  	[smem:$0x3F99] =	sst lr;
	_ =	strace $0xD0000000  }
0x3: {  	_ = 	snop  }
0x4: {  	_ = 	snop  }
0x5: {  	_ = 	snop  }
0x6: {  	_ = 	snop  }
0x7: {  	_ = 	snop  }
__scs_overlays_trampoline_lowered:
0x8: {  	[smem:$0x3FA8] =	sst s0  }
0x9: {  	[smem:$0x3FA9] =	sst s1  }
0xa: {  	[smem:$0x3FAA] =	sst s2  }
0xb: {  	[smem:$0x3FAB] =	sst s3  }
0xc: {  	[smem:$0x3FAC] =	sst s4  }
0xd: {  	[smem:$0x3FAD] =	sst s5  }
0xe: {  	[smem:$0x3FAE] =	sst s6  }
0xf: {  	[smem:$0x3FAF] =	sst s7  }
0x10: {  	[smem:$0x3FB0] =	sst s8  }
0x11: {  	[smem:$0x3FB1] =	sst s9;
	s0 =	simm.s32 @!p0 $0x0  }
0x12: {  	s1 =	sld [smem:$0x3F97];
	s0 =	simm.s32 @p0 $0x1  }
0x13: {  	[smem:$0x3FB2] =	sst s0;
	s0 =	simm.s32 @!p1 $0x0  }
0x14: {  	s2 =	sld [smem:$0x3F96];
	s0 =	simm.s32 @p1 $0x1  }
0x15: {  	[smem:$0x3FB3] =	sst s0;
	s0 =	simm.s32 @!p2 $0x0  }
0x16: {  	s3 =	sld [smem:$0x3FDB];
	s0 =	simm.s32 @p2 $0x1  }
0x17: {  	s4 =	simm.s32 $0x1BF5;
	[smem:$0x3FB5] =	sst s0  }
0x18: {  	s0 =	sld [smem:$0x3F98];
	_ =	swait.ge [sflag:s4], $0x0  }
0x19: {  	s7 =	sld [smem:$0x3F99]  }
0x1a: {  	s8 =	sadd.s32 $0xFFFFE003, lr  }
0x1b: {  	s9 =	sadd.s32 $0xFFFFFEF7, lr;
	s5 =	simm.s32 $0xFFFFFFFF;
	p2 =	slt.u32 s8, $0xFFFFF086  }
0x1c: {  	p1 =	slt.u32 s9, $0xF7A;
	s5 =	simm.s32 @!p2 $0x0  }
0x1d: {  	s5 =	simm.s32 @p1 $0x1;
	p0 =	seq.s32 s7, s2  }
0x1e: {  	s7 =	smul.u32 @!p0 $0xF7A, s2;
	p2 =	seq.s32 @!p0 s5, $0x0  }
0x1f: {  	s9 =	smul.u32 $0xF7A, s1;
	s8 =	simm.s32 @!p0 $0x1BF5;
	p2 =	por !p2, p0  }
0x20: {  	[sflag:s8] =	ssyncset.s32 @!p0 $0xFFFFF086;
	s6 =	sadd.s32 @!p0 s3, s7;
	s7 =	simm.s32 @!p0 $0x108  }
0x21: {  	s3 =	sadd.s32 s3, s9;
	s6 =	sadd.s32 @!p0 $0x88, s6;
	s7 =	simm.s32 @p2 $0x1082  }
0x22: {  	[simem:s7], [sflag:s8] =	dma.local @!p0 [hbm:s6], $0xF7A  }
0x23: {  	s9 =	sor.u32 $0xD0000000, s2;
	s6 =	simm.s32 $0x108;
	_ =	swait.ge @!p0 [sflag:s8], $0x0  }
0x24: {  	s3 =	sadd.s32 $0x88, s3;
	s6 =	simm.s32 @!p1 $0x1082;
	[sflag:s4] =	ssyncset.s32 $0xFFFFF086  }
0x25: {  	[simem:s6], [sflag:s4] =	dma.local [hbm:s3], $0xF7A  }
0x26: {  	[smem:$0x3F99] =	sst s1;
	(tag) =	ssettag s2;
	_ =	strace s9  }
0x27: {  	s1 =	sld [smem:$0x3FA9]  }
0x28: {  	s2 =	sld [smem:$0x3FAA]  }
0x29: {  	s4 =	sld [smem:$0x3FAC]  }
0x2a: {  	p0 =	seq.s32 s5, $0x0;
	s5 =	sld [smem:$0x3FAD]  }
0x2b: {  	s6 =	sld [smem:$0x3FAE]  }
0x2c: {  	s7 =	sld [smem:$0x3FAF]  }
0x2d: {  	s3 =	simm.s32 $0x108;
	s8 =	sld [smem:$0x3FB0]  }
0x2e: {  	s3 =	simm.s32 @!p0 $0x1082;
	s9 =	sld [smem:$0x3FB1]  }
0x2f: {  	lr =	sadd.s32 s0, s3;
	s0 =	sld [smem:$0x3FA8]  }
0x30: {  	s3 =	sld [smem:$0x3FAB]  }
0x31: {  	[smem:$0x3FB4] =	sst s10  }
0x32: {  	s10 =	sld [smem:$0x3FB2];
	_ =	sdelay $0x3  }
0x33: {  	p0 =	seq.s32 s10, $0x1;
	s10 =	sld [smem:$0x3FB4];
	_ =	sdelay $0x3  }
0x34: {  	[smem:$0x3FB4] =	sst s10  }
0x35: {  	s10 =	sld [smem:$0x3FB3];
	_ =	sdelay $0x3  }
0x36: {  	p1 =	seq.s32 s10, $0x1;
	s10 =	sld [smem:$0x3FB4];
	_ =	sdelay $0x3  }
0x37: {  	[smem:$0x3FB4] =	sst s10  }
0x38: {  	s10 =	sld [smem:$0x3FB5]  }
0x39: {  	_ = 	snop;
	(pc) =	sbr.ind lr, $3  }
0x3a: {  	_ = 	snop  }
0x3b: {  	_ = 	snop  }
0x3c: {  	p2 =	seq.s32 s10, $0x1;
	s10 =	sld [smem:$0x3FB4]  }
0x3d: {  	_ =	shalt  }
0x3e: {  	_ =	shalt  }
0x3f: {  	_ =	shalt  }
0x40: {  	_ =	shalt  }
0x41: {  	_ =	shalt  }
0x42: {  	_ =	shalt  }
0x43: {  	_ =	shalt  }
0x44: {  	_ =	shalt  }
0x45: {  	_ =	shalt  }
0x46: {  	_ =	shalt  }
0x47: {  	_ =	shalt  }
0x48: {  	_ =	shalt  }
0x49: {  	_ =	shalt  }
0x4a: {  	_ =	shalt  }
0x4b: {  	_ =	shalt  }
0x4c: {  	_ =	shalt  }
0x4d: {  	_ =	shalt  }
0x4e: {  	_ =	shalt  }
0x4f: {  	_ =	shalt  }
0x50: {  	_ =	shalt  }
0x51: {  	_ =	shalt  }
0x52: {  	_ =	shalt  }
0x53: {  	_ =	shalt  }
0x54: {  	_ =	shalt  }
0x55: {  	_ =	shalt  }
0x56: {  	_ =	shalt  }
0x57: {  	_ =	shalt  }
0x58: {  	_ =	shalt  }
0x59: {  	_ =	shalt  }
0x5a: {  	_ =	shalt  }
0x5b: {  	_ =	shalt  }
0x5c: {  	_ =	shalt  }
0x5d: {  	_ =	shalt  }
0x5e: {  	_ =	shalt  }
0x5f: {  	_ =	shalt  }
0x60: {  	_ =	shalt  }
0x61: {  	_ =	shalt  }
0x62: {  	_ =	shalt  }
0x63: {  	_ =	shalt  }
0x64: {  	_ =	shalt  }
0x65: {  	_ =	shalt  }
0x66: {  	_ =	shalt  }
0x67: {  	_ =	shalt  }
0x68: {  	_ =	shalt  }
0x69: {  	_ =	shalt  }
0x6a: {  	_ =	shalt  }
0x6b: {  	_ =	shalt  }
0x6c: {  	_ =	shalt  }
0x6d: {  	_ =	shalt  }
0x6e: {  	_ =	shalt  }
0x6f: {  	_ =	shalt  }
0x70: {  	_ =	shalt  }
0x71: {  	_ =	shalt  }
0x72: {  	_ =	shalt  }
0x73: {  	_ =	shalt  }
0x74: {  	_ =	shalt  }
0x75: {  	_ =	shalt  }
0x76: {  	_ =	shalt  }
0x77: {  	_ =	shalt  }
0x78: {  	_ =	shalt  }
0x79: {  	_ =	shalt  }
0x7a: {  	_ =	shalt  }
0x7b: {  	_ =	shalt  }
0x7c: {  	_ =	shalt  }
0x7d: {  	_ =	shalt  }
0x7e: {  	_ =	shalt  }
0x7f: {  	_ =	shalt  }
0x80: {  	_ =	shalt  }
0x81: {  	_ =	shalt  }
0x82: {  	_ =	shalt  }
0x83: {  	_ =	shalt  }
0x84: {  	_ =	shalt  }
0x85: {  	_ =	shalt  }
0x86: {  	_ =	shalt  }
0x87: {  	_ =	shalt  }
.Lfunc_end0:
.L_simem_size_0:
called_computation_lowered:
.L_overlay_start_0:
0x88: {  	s2 =	sld [smem:$0x3FD9]  }
0x89: {  	s3 =	sld [smem:$0x3FFE];
	_ =	sdelay $0x1  }
0x8a: {  	s1 =	srdreg.scid  }
0x8b: {  	s0 =	sand.u32 $0x1, s1  }
0x8c: {  	s17 =	sshll.u32 s0, $0xA;
	s2 =	sadd.s32 s3, s2  }
0x8d: {  	s2 =	sadd.s32 s2, s17  }
0x8e: {  	[smem:$0x3FC0] =	sst s2  }
0x8f: {  	_ = 	snop  }
0x90: {  	s2 =	sld [smem:$0x3FD0];
	(tm) =	ssettm $0x1  }
0x91: {  	s18 =	sld [smem:$0x3FFB];
	_ =	sdelay $0x3  }
0x92: {  	_ =	strace s18  }
0x93: {  	s3 =	sld [smem:$0x3FFC];
	_ =	sdelay $0x3  }
0x94: {  	_ =	strace s3  }
0x95: {  	s3 =	sld [smem:$0x3FFD];
	_ =	sdelay $0x3  }
0x96: {  	_ =	strace s3  }
0x97: {  	_ =	strace $0x8FFFFFFF  }
0x98: {  	s19 =	sld [smem:$0x3FDB];
	_ =	sdelay $0x1  }
0x99: {  	s4 =	simm.s32 $_scs_section_size  }
0x9a: {  	s5 =	simm.s32 $_size__tile_overlayer_lowered;
	s6 =	simm.s32 $_tile_overlayer_lowered  }
0x9b: {  	s22 =	simm.s32 $0x1BFF;
	s21 =	sshll.u32 s6, $0x1;
	s3 =	sadd.s32 s4, s19  }
0x9c: {  	s7 =	simm.s32 $0x0;
	s20 =	sshll.u32 s5, $0x1;
	s5 =	sadd.s32 s21, s3  }
0x9d: {  	[timem:s7], [sflag:s22] =	dma.local [hbm:s5], s20  }
0x9e: {  	_ =	swait.ge [sflag:s22], s20  }
0x9f: {  	s4 =	ssub.s32 $0x0, s20;
	[sflag:s22] =	ssyncset.done $0x0  }
0xa0: {  	[sflag:s22] =	ssyncadd.s32 s4;
	_ =	sdelay $0x1  }
0xa1: {  	s23 =	simm.s32 $0x1B8B  }
0xa2: {  	_ =	swait.ge [sflag:s23], $0x1  }
0xa3: {  	[sflag:s23] =	ssyncset.done $0x0  }
0xa4: {  	s25 =	simm.s32 $0x1B8E;
	s24 =	sld [smem:$0x3FFE];
	[sflag:s23] =	ssyncadd.s32 $0xFFFFFFFF  }
0xa5: {  	s26 =	simm.s32 $execute0_lowered;
	[smem:$0x3FD2] =	sst s25  }
0xa6: {  	s5 =	sshll.u32 s26, $0x1;
	_ =	strace $0x80000046;
	[dreg:$0x1] =	wrdreg $0xFFFFFFFF  }
0xa7: {  	s28 =	simm.s32 $_size_execute0_lowered;
	s3 =	sadd.s32 s3, s5;
	[dreg:$0x0] =	wrdreg $0x0  }
0xa8: {  	s5 =	sshll.u32 s28, $0x1;
	[dreg:$0x2] =	wrdreg s3  }
0xa9: {  	[dreg:$0x3] =	wrdreg s5  }
0xaa: {  	[dreg:$0x4] =	wrdreg $0xC0  }
0xab: {  	_ =	task [dreg:s7], $0x5FFFF  }
0xac: {  	[dreg:$0x1] =	wrdreg $0xFFFFFFFF  }
0xad: {  	[dreg:$0x0] =	wrdreg $0x60  }
0xae: {  	[dreg:$0x2] =	wrdreg s24  }
0xaf: {  	[dreg:$0x3] =	wrdreg s2  }
0xb0: {  	[dreg:$0x4] =	wrdreg $0x9  }
0xb1: {  	_ =	task.clear_ibuf [dreg:s7], $0x5FFFF;
	_ =	strace $0x90000046  }
0xb2: {  	s29 =	simm.s32 $0x9;
	_ =	strace $0x80000048  }
0xb3: {  	_ =	swait.ge [sflag:s29], $0x1  }
0xb4: {  	[sflag:s29] =	ssyncadd.s32 $0xFFFFFFFF  }
0xb5: {  	_ =	strace $0x90000048  }
0xb6: {  	_ =	sfence  }
0xb7: {  	s30 =	sld [smem:$0x0];
	_ =	sdelay $0x2  }
0xb8: {  	s31 =	sshll.u32 s1, $0xD;
	s1 =	sshrl.u32 s1, $0x2  }
0xb9: {  	s3 =	sand.u32 $0x4000, s31;
	s1 =	sadd.s32 s1, s30  }
0xba: {  	s0 =	sor.u32 s3, s0;
	s1 =	sshll.u32 s1, $0x11  }
0xbb: {  	s0 =	sor.u32 s1, s0  }
0xbc: {  	s0 =	sadd.s32 $0x8F2B, s0  }
0xbd: {  	[sflag:s0] =	ssyncadd.remote.s32 $0x1  }
0xbe: {  	_ =	sfence.sel $0xFFFF  }
0xbf: {  	[dreg:$0x0] =	wrdreg $0xFFFFFFFF;
	(pc) =	sbr.abs _section_cstart, $3  }
0xc0: {  	[dreg:$0x1] =	wrdreg $0xFFFFFFFF  }
0xc1: {  	_ =	task.clear_ibuf [dreg:s7], $0x2FFFF;
	_ =	strace $0x9FFFFFFF  }
0xc2: {  	(tm) =	ssettm $0x7FFFFFFF  }
0xc3: {  	_ =	shalt  }
tec
execute0_lowered:
.L_overlay_start_1:
0x0: {  	(tag) =	ssettag $0x1  }
0x1: {  	s0 =	rddreg [dreg:$0x0]  }
0x2: {  	s1 =	rddreg [dreg:$0x1];
	s2 =	simm.s32 $0x0;
	s3 =	srdreg.scid  }
0x3: {  	s6 =	stileid.u32;
	s15 =	simm.s32 $0x80;
	s16 =	simm.s32 $0x1000  }
0x4: {  	s17 =	simm.s32 $0x5;
	s24 =	simm.s32 $0x100;
	s25 =	simm.s32 $0x300  }
0x5: {  	s19 =	simm.s32 $0x10400;
	s20 =	simm.s32 $0x12600;
	s21 =	simm.s32 $0x2  }
0x6: {  	s22 =	simm.s32 $0x14800;
	s23 =	simm.s32 $0x16A00;
	[smem:$0x7FF] =	sst s2  }
0x7: {  	s4 =	sadd.s32 $0x1200, s0;
	s3 =	sand.u32 $0x1, s3;
	s5 =	sadd.s32 $0x1A200, s0  }
0x8: {  	s7 =	sshll.u32 s6, $0x1;
	s6 =	sadd.s32 $0x37200, s0;
	s13 =	sadd.s32 $0x8000, s1  }
0x9: {  	_ =	strace $0x80000047;
	s8 =	ssub.s32 $0x2, s3;
	s3 =	sor.u32 s3, s7  }
0xa: {  	s7 =	sadd.s32 $0x33200, s0;
	s9 =	sshrl.u32 s8, $0x1;
	s31 =	sshll.u32 s3, $0x4  }
0xb: {  	v0 =	vlaneseq.u32;
	s12 =	sshll.u32 s3, $0xA;
	s30 =	ssub.s32 s8, s9;
	s10 =	sadd.s32 s4, s31  }
0xc: {  	v0 =	vmul.u32 $0x88, v0;
	s8 =	sshll.u32 s3, $0x7;
	s9 =	sadd.s32 s5, s31;
	[dreg:$0x3] =	wrdreg s10  }
0xd: {  	s3 =	simm.s32 $0x1;
	[dreg:$0x4] =	wrdreg s9;
	s0 =	smax.u32 s30, $0x1  }
0xe: {  	v1 =	vadd.s32 $0x880, v0;
	v2 =	vadd.s32 $0x1100, v0;
	v3 =	vadd.s32 $0x1980, v0;
	s11 =	sor.u32 $0x4000, s8;
	s10 =	simm.s32 $0x0;
	[dreg:$0x5] =	wrdreg s0  }
.LBB2_1:
0xf: {  	[dreg:$0x6] =	wrdreg s10  }
0x10: {  	s0 =	rddreg [dreg:$0x3]  }
0x11: {  	[tilespmem:s2], [sflag:$0x5] =	stream.strided.gather [hbm4b:s0+s15], $0x100, s16, s15, $0x38;
	[tilespmem:$0x18C00] =	vst v63  }
0x12: {  	_ =	swait.ge [sflag:s17], $0x100  }
0x13: {  	[sflag:s17] =	ssyncset.done $0x0  }
0x14: {  	s9 =	simm.s32 $0x200;
	s18 =	rddreg [dreg:$0x4];
	[sflag:s17] =	ssyncadd.s32 $0xFFFFFF00  }
0x15: {  	[tilespmem:s9], [sflag:$0x5] =	stream.strided.gather [hbm4b:s18+s15], $0x100, s16, s15, $0x38;
	[tilespmem:$0x18C00] =	vst v63  }
0x16: {  	_ =	swait.ge [sflag:s17], $0x100  }
0x17: {  	[sflag:s17] =	ssyncset.done $0x0  }
0x18: {  	s26 =	simm.s32 $0x400;
	[sflag:s17] =	ssyncadd.s32 $0xFFFFFF00  }
0x19: {  	[tilespmem:s26], [sflag:$0x1] =	stream.indirect.gather [hbm4b:s6+s15], $0x40, s2, s15, $0xb8;
	[tilespmem:$0x18C00] =	vst v63  }
0x1a: {  	s28 =	simm.s32 $0x8400  }
0x1b: {  	[tilespmem:s28], [sflag:$0x1] =	stream.indirect.gather [hbm4b:s7+s15], $0x40, s9, s15, $0xb8;
	[tilespmem:$0x18C00] =	vst v63  }
0x1c: {  	s29 =	simm.s32 $0x2400  }
0x1d: {  	[tilespmem:s29], [sflag:$0x1] =	stream.indirect.gather [hbm4b:s6+s15], $0x40, s15, s15, $0xb8;
	[tilespmem:$0x18C00] =	vst v63  }
0x1e: {  	s30 =	simm.s32 $0x280;
	s31 =	simm.s32 $0xA400;
	s14 =	simm.s32 $0x0  }
0x1f: {  	[tilespmem:s31], [sflag:$0x1] =	stream.indirect.gather [hbm4b:s7+s15], $0x40, s30, s15, $0xb8;
	[tilespmem:$0x18C00] =	vst v63  }
.LBB2_2:
0x20: {  	s18 =	sshll.u32 s14, $0xE  }
0x21: {  	s9 =	sor.u32 s8, s18  }
0x22: {  	s9 =	sshrl.u32 s9, $0x3  }
0x23: {  	s9 =	sor.u32 $0x400, s9  }
0x24: {  	s10 =	sadd.s32 s4, s9  }
0x25: {  	[tilespmem:s24], [sflag:$0x5] =	stream.strided.gather [hbm4b:s10+s15], $0x100, s16, s15, $0x38;
	[tilespmem:$0x18C00] =	vst v63  }
0x26: {  	_ =	swait.ge [sflag:s17], $0x100  }
0x27: {  	[sflag:s17] =	ssyncset.done $0x0  }
0x28: {  	s9 =	sadd.s32 s5, s9;
	[sflag:s17] =	ssyncadd.s32 $0xFFFFFF00  }
0x29: {  	[tilespmem:s25], [sflag:$0x5] =	stream.strided.gather [hbm4b:s9+s15], $0x100, s16, s15, $0x38;
	[tilespmem:$0x18C00] =	vst v63  }
0x2a: {  	_ =	swait.ge [sflag:s17], $0x100  }
0x2b: {  	[sflag:s17] =	ssyncset.done $0x0  }
0x2c: {  	s0 =	simm.s32 $0x4400;
	[sflag:s17] =	ssyncadd.s32 $0xFFFFFF00  }
0x2d: {  	[tilespmem:s0], [sflag:$0x2] =	stream.indirect.gather [hbm4b:s6+s15], $0x40, s24, s15, $0xb8;
	[tilespmem:$0x18C00] =	vst v63  }
0x2e: {  	s10 =	simm.s32 $0xC400  }
0x2f: {  	[tilespmem:s10], [sflag:$0x2] =	stream.indirect.gather [hbm4b:s7+s15], $0x40, s25, s15, $0xb8;
	[tilespmem:$0x18C00] =	vst v63  }
0x30: {  	s26 =	simm.s32 $0x180;
	s31 =	simm.s32 $0x6400  }
0x31: {  	[tilespmem:s31], [sflag:$0x2] =	stream.indirect.gather [hbm4b:s6+s15], $0x40, s26, s15, $0xb8;
	[tilespmem:$0x18C00] =	vst v63  }
0x32: {  	s9 =	simm.s32 $0x380;
	s10 =	simm.s32 $0xE400  }
0x33: {  	[tilespmem:s10], [sflag:$0x2] =	stream.indirect.gather [hbm4b:s7+s15], $0x40, s9, s15, $0xb8;
	[tilespmem:$0x18C00] =	vst v63  }
0x34: {  	_ =	swait.ge [sflag:s3], $0x2000  }
0x35: {  	[sflag:s3] =	ssyncset.done $0x0  }
0x36: {  	[sflag:s3] =	ssyncadd.s32 $0xFFFFE000  }
0x37: {  	_ =	swait.ge [sflag:s3], $0x2000  }
0x38: {  	[sflag:s3] =	ssyncset.done $0x0  }
0x39: {  	[sflag:s3] =	ssyncadd.s32 $0xFFFFE000  }
0x3a: {  	_ =	swait.ge [sflag:s3], $0x2000  }
0x3b: {  	[sflag:s3] =	ssyncset.done $0x0  }
0x3c: {  	[sflag:s3] =	ssyncadd.s32 $0xFFFFE000  }
0x3d: {  	_ =	swait.ge [sflag:s3], $0x2000  }
0x3e: {  	p0 =	seq.s32 s14, $0x0;
	[sflag:s3] =	ssyncset.done $0x0  }
0x3f: {  	s9 =	simm.s32 @!p0 $0x3;
	[sflag:s3] =	ssyncadd.s32 $0xFFFFE000  }
0x40: {  	_ =	swait.ge @!p0 [sflag:s9], $0x2000  }
0x41: {  	[sflag:s9] =	ssyncset.done @!p0 $0x0  }
0x42: {  	[sflag:s9] =	ssyncadd.s32 @!p0 $0xFFFFE000  }
0x43: {  	_ =	swait.ge @!p0 [sflag:s9], $0x2000  }
0x44: {  	[sflag:s9] =	ssyncset.done @!p0 $0x0  }
0x45: {  	s28 =	simm.s32 $0x8440;
	[sflag:s9] =	ssyncadd.s32 @!p0 $0xFFFFE000  }
0x46: {  	s29 =	simm.s32 $0x440;
	s26 =	simm.s32 $0x0;
	v4 =	vld [tilespmem:s28+$0xFFFFFFC0]  }
0x47: {  	v5 =	vmov s26;
	v6 =	vld [tilespmem:s29+$0xFFFFFFC0]  }
0x48: {  	v8 =	vand.u32 $0x7E, v5  }
0x49: {  	v5 =	vadd.s32 v0, v8;
	_ =	sdelay $0x2  }
0x4a: {  	v4 =	vadd.f32 v4, v6;
	_ =	sdelay $0x1  }
0x4b: {  	[tilespmem:v5+s19+$0x0] =	vst.idx.msk $0xffff, v4  }
0x4c: {  	v4 =	vld [tilespmem:s29+$0xFFFFFFD0]  }
0x4d: {  	v7 =	vld [tilespmem:s28+$0xFFFFFFD0];
	_ =	sdelay $0x1  }
0x4e: {  	v6 =	vadd.s32 v1, v8;
	_ =	sdelay $0x2  }
0x4f: {  	v4 =	vadd.f32 v7, v4;
	_ =	sdelay $0x1  }
0x50: {  	[tilespmem:v6+s19+$0x0] =	vst.idx.msk $0xffff, v4  }
0x51: {  	v4 =	vld [tilespmem:s29+$0xFFFFFFE0]  }
0x52: {  	v9 =	vld [tilespmem:s28+$0xFFFFFFE0];
	_ =	sdelay $0x1  }
0x53: {  	v7 =	vadd.s32 v2, v8;
	_ =	sdelay $0x2  }
0x54: {  	v4 =	vadd.f32 v9, v4;
	_ =	sdelay $0x1  }
0x55: {  	[tilespmem:v7+s19+$0x0] =	vst.idx.msk $0xffff, v4  }
0x56: {  	v4 =	vld [tilespmem:s29+$0xFFFFFFF0]  }
0x57: {  	v9 =	vld [tilespmem:s28+$0xFFFFFFF0];
	_ =	sdelay $0x1  }
0x58: {  	v8 =	vadd.s32 v3, v8;
	_ =	sdelay $0x2  }
0x59: {  	v4 =	vadd.f32 v9, v4;
	_ =	sdelay $0x1  }
0x5a: {  	[tilespmem:v8+s19+$0x0] =	vst.idx.msk $0xffff, v4  }
0x5b: {  	s31 =	simm.s32 $0x1;
	v10 =	vld [tilespmem:s29+$0x0]  }
0x5c: {  	v4 =	vmov s31;
	v11 =	vld [tilespmem:s28+$0x0]  }
0x5d: {  	v4 =	vand.u32 $0x7F, v4  }
0x5e: {  	v9 =	vadd.s32 v0, v4;
	_ =	sdelay $0x2  }
0x5f: {  	v10 =	vadd.f32 v11, v10;
	_ =	sdelay $0x1  }
0x60: {  	[tilespmem:v9+s19+$0x0] =	vst.idx.msk $0xffff, v10  }
0x61: {  	v11 =	vld [tilespmem:s29+$0x10]  }
0x62: {  	v12 =	vld [tilespmem:s28+$0x10];
	_ =	sdelay $0x1  }
0x63: {  	v10 =	vadd.s32 v1, v4;
	_ =	sdelay $0x2  }
0x64: {  	v11 =	vadd.f32 v12, v11;
	_ =	sdelay $0x1  }
0x65: {  	[tilespmem:v10+s19+$0x0] =	vst.idx.msk $0xffff, v11  }
0x66: {  	v12 =	vld [tilespmem:s29+$0x20]  }
0x67: {  	v13 =	vld [tilespmem:s28+$0x20];
	_ =	sdelay $0x1  }
0x68: {  	v11 =	vadd.s32 v2, v4;
	_ =	sdelay $0x2  }
0x69: {  	v12 =	vadd.f32 v13, v12;
	_ =	sdelay $0x1  }
0x6a: {  	s30 =	simm.s32 $0x2;
	[tilespmem:v11+s19+$0x0] =	vst.idx.msk $0xffff, v12  }
0x6b: {  	s26 =	simm.s32 $0x2470;
	s10 =	simm.s32 $0xA470;
	s9 =	sshll.u32 s14, $0x1;
	v12 =	vadd.s32 v3, v4;
	v13 =	vld [tilespmem:s29+$0x30]  }
.LBB2_3:
0x6c: {  	p1 =	slt.u32 s30, $0x7E;
	v14 =	vld [tilespmem:s28+$0x30];
	s28 =	sadd.s32 $0x80, s28;
	s29 =	sadd.s32 $0x80, s29  }
0x6d: {  	s31 =	smov.u32 s30;
	s30 =	sadd.s32 $0x2, s30;
	_ =	sdelay $0x3  }
0x6e: {  	v13 =	vadd.f32 v14, v13;
	_ =	sdelay $0x1  }
0x6f: {  	[tilespmem:v12+s19+$0x0] =	vst.idx.msk $0xffff, v13  }
0x70: {  	v12 =	vld [tilespmem:s28+$0xFFFFFFC0]  }
0x71: {  	v13 =	vmov s31;
	v14 =	vld [tilespmem:s29+$0xFFFFFFC0]  }
0x72: {  	v13 =	vand.u32 $0x7E, v13  }
0x73: {  	v15 =	vadd.s32 v0, v13;
	_ =	sdelay $0x2  }
0x74: {  	v12 =	vadd.f32 v12, v14;
	_ =	sdelay $0x1  }
0x75: {  	[tilespmem:v15+s19+$0x0] =	vst.idx.msk $0xffff, v12  }
0x76: {  	v12 =	vld [tilespmem:s29+$0xFFFFFFD0]  }
0x77: {  	v14 =	vld [tilespmem:s28+$0xFFFFFFD0]  }
0x78: {  	v15 =	vadd.s32 v1, v13;
	_ =	sdelay $0x3  }
0x79: {  	v12 =	vadd.f32 v14, v12;
	_ =	sdelay $0x1  }
0x7a: {  	[tilespmem:v15+s19+$0x0] =	vst.idx.msk $0xffff, v12  }
0x7b: {  	v12 =	vld [tilespmem:s29+$0xFFFFFFE0]  }
0x7c: {  	v15 =	vadd.s32 v2, v13;
	v14 =	vld [tilespmem:s28+$0xFFFFFFE0];
	_ =	sdelay $0x4  }
0x7d: {  	v12 =	vadd.f32 v14, v12;
	_ =	sdelay $0x1  }
0x7e: {  	[tilespmem:v15+s19+$0x0] =	vst.idx.msk $0xffff, v12  }
0x7f: {  	v13 =	vadd.s32 v3, v13;
	v12 =	vld [tilespmem:s29+$0xFFFFFFF0]  }
0x80: {  	v14 =	vld [tilespmem:s28+$0xFFFFFFF0];
	_ =	sdelay $0x3  }
0x81: {  	s31 =	sadd.s32 $0x1, s31  }
0x82: {  	v12 =	vadd.f32 v14, v12;
	v14 =	vmov s31  }
0x83: {  	v14 =	vand.u32 $0x7F, v14  }
0x84: {  	[tilespmem:v13+s19+$0x0] =	vst.idx.msk $0xffff, v12;
	v12 =	vadd.s32 v0, v14  }
0x85: {  	v13 =	vld [tilespmem:s29+$0x0]  }
0x86: {  	v15 =	vld [tilespmem:s28+$0x0];
	_ =	sdelay $0x4  }
0x87: {  	v13 =	vadd.f32 v15, v13  }
0x88: {  	v15 =	vadd.s32 v1, v14  }
0x89: {  	[tilespmem:v12+s19+$0x0] =	vst.idx.msk $0xffff, v13  }
0x8a: {  	v12 =	vld [tilespmem:s29+$0x10]  }
0x8b: {  	v13 =	vld [tilespmem:s28+$0x10];
	_ =	sdelay $0x4  }
0x8c: {  	v12 =	vadd.f32 v13, v12;
	v13 =	vadd.s32 v2, v14;
	_ =	sdelay $0x1  }
0x8d: {  	[tilespmem:v15+s19+$0x0] =	vst.idx.msk $0xffff, v12  }
0x8e: {  	v15 =	vld [tilespmem:s29+$0x20]  }
0x8f: {  	v16 =	vld [tilespmem:s28+$0x20];
	_ =	sdelay $0x3  }
.Ltmp0:
0x90: {  	v12 =	vadd.s32 v3, v14;
	(pc) =	sbr.rel @p1 .LBB2_3-.Ltmp0, $3  }
0x91: {  	v14 =	vadd.f32 v16, v15;
	_ =	sdelay $0x1  }
0x92: {  	[tilespmem:v13+s19+$0x0] =	vst.idx.msk $0xffff, v14  }
0x93: {  	v13 =	vld [tilespmem:s29+$0x30]  }
0x94: {  	v14 =	vld [tilespmem:s28+$0x30];
	_ =	sdelay $0x4  }
0x95: {  	v13 =	vadd.f32 v14, v13;
	_ =	sdelay $0x1  }
0x96: {  	[tilespmem:v12+s19+$0x0] =	vst.idx.msk $0xffff, v13  }
0x97: {  	v12 =	vld [tilespmem:s10+$0xFFFFFF90]  }
0x98: {  	v13 =	vld [tilespmem:s26+$0xFFFFFF90];
	_ =	sdelay $0x4  }
0x99: {  	v12 =	vadd.f32 v12, v13;
	_ =	sdelay $0x1  }
0x9a: {  	[tilespmem:v5+s20+$0x0] =	vst.idx.msk $0xffff, v12  }
0x9b: {  	v5 =	vld [tilespmem:s26+$0xFFFFFFA0]  }
0x9c: {  	v12 =	vld [tilespmem:s10+$0xFFFFFFA0];
	_ =	sdelay $0x4  }
0x9d: {  	v5 =	vadd.f32 v12, v5;
	_ =	sdelay $0x1  }
0x9e: {  	[tilespmem:v6+s20+$0x0] =	vst.idx.msk $0xffff, v5  }
0x9f: {  	v5 =	vld [tilespmem:s26+$0xFFFFFFB0]  }
0xa0: {  	v6 =	vld [tilespmem:s10+$0xFFFFFFB0];
	_ =	sdelay $0x4  }
0xa1: {  	v5 =	vadd.f32 v6, v5;
	_ =	sdelay $0x1  }
0xa2: {  	[tilespmem:v7+s20+$0x0] =	vst.idx.msk $0xffff, v5  }
0xa3: {  	v5 =	vld [tilespmem:s26+$0xFFFFFFC0]  }
0xa4: {  	v6 =	vld [tilespmem:s10+$0xFFFFFFC0];
	_ =	sdelay $0x4  }
0xa5: {  	v5 =	vadd.f32 v6, v5;
	_ =	sdelay $0x1  }
0xa6: {  	[tilespmem:v8+s20+$0x0] =	vst.idx.msk $0xffff, v5  }
0xa7: {  	v5 =	vld [tilespmem:s26+$0xFFFFFFD0]  }
0xa8: {  	v6 =	vld [tilespmem:s10+$0xFFFFFFD0];
	_ =	sdelay $0x4  }
0xa9: {  	v5 =	vadd.f32 v6, v5;
	_ =	sdelay $0x1  }
0xaa: {  	[tilespmem:v9+s20+$0x0] =	vst.idx.msk $0xffff, v5  }
0xab: {  	v5 =	vld [tilespmem:s26+$0xFFFFFFE0]  }
0xac: {  	v6 =	vld [tilespmem:s10+$0xFFFFFFE0];
	_ =	sdelay $0x4  }
0xad: {  	v5 =	vadd.f32 v6, v5;
	_ =	sdelay $0x1  }
0xae: {  	[tilespmem:v10+s20+$0x0] =	vst.idx.msk $0xffff, v5  }
0xaf: {  	v5 =	vld [tilespmem:s26+$0xFFFFFFF0]  }
0xb0: {  	v6 =	vld [tilespmem:s10+$0xFFFFFFF0];
	_ =	sdelay $0x4  }
0xb1: {  	v5 =	vadd.f32 v6, v5;
	_ =	sdelay $0x1  }
0xb2: {  	[tilespmem:v11+s20+$0x0] =	vst.idx.msk $0xffff, v5  }
0xb3: {  	s28 =	simm.s32 $0x2;
	v4 =	vadd.s32 v3, v4;
	v5 =	vld [tilespmem:s26+$0x0]  }
.LBB2_5:
0xb4: {  	p1 =	slt.u32 s28, $0x7E;
	v6 =	vld [tilespmem:s10+$0x0];
	s10 =	sadd.s32 $0x80, s10;
	s26 =	sadd.s32 $0x80, s26  }
0xb5: {  	s29 =	smov.u32 s28;
	s28 =	sadd.s32 $0x2, s28;
	_ =	sdelay $0x3  }
0xb6: {  	v5 =	vadd.f32 v6, v5;
	_ =	sdelay $0x1  }
0xb7: {  	[tilespmem:v4+s20+$0x0] =	vst.idx.msk $0xffff, v5  }
0xb8: {  	v4 =	vld [tilespmem:s10+$0xFFFFFF90]  }
0xb9: {  	v5 =	vmov s29;
	v6 =	vld [tilespmem:s26+$0xFFFFFF90]  }
0xba: {  	v5 =	vand.u32 $0x7E, v5  }
0xbb: {  	v7 =	vadd.s32 v0, v5;
	_ =	sdelay $0x2  }
0xbc: {  	v4 =	vadd.f32 v4, v6;
	_ =	sdelay $0x1  }
0xbd: {  	[tilespmem:v7+s20+$0x0] =	vst.idx.msk $0xffff, v4  }
0xbe: {  	v4 =	vld [tilespmem:s26+$0xFFFFFFA0]  }
0xbf: {  	v6 =	vld [tilespmem:s10+$0xFFFFFFA0]  }
0xc0: {  	v7 =	vadd.s32 v1, v5;
	_ =	sdelay $0x3  }
0xc1: {  	v4 =	vadd.f32 v6, v4;
	_ =	sdelay $0x1  }
0xc2: {  	[tilespmem:v7+s20+$0x0] =	vst.idx.msk $0xffff, v4  }
0xc3: {  	v4 =	vld [tilespmem:s26+$0xFFFFFFB0]  }
0xc4: {  	v7 =	vadd.s32 v2, v5;
	v6 =	vld [tilespmem:s10+$0xFFFFFFB0];
	_ =	sdelay $0x4  }
0xc5: {  	v4 =	vadd.f32 v6, v4;
	_ =	sdelay $0x1  }
0xc6: {  	[tilespmem:v7+s20+$0x0] =	vst.idx.msk $0xffff, v4  }
0xc7: {  	v5 =	vadd.s32 v3, v5;
	v4 =	vld [tilespmem:s26+$0xFFFFFFC0]  }
0xc8: {  	v6 =	vld [tilespmem:s10+$0xFFFFFFC0];
	_ =	sdelay $0x3  }
0xc9: {  	s29 =	sadd.s32 $0x1, s29  }
0xca: {  	v4 =	vadd.f32 v6, v4;
	v6 =	vmov s29  }
0xcb: {  	v6 =	vand.u32 $0x7F, v6  }
0xcc: {  	[tilespmem:v5+s20+$0x0] =	vst.idx.msk $0xffff, v4;
	v4 =	vadd.s32 v0, v6  }
0xcd: {  	v5 =	vld [tilespmem:s26+$0xFFFFFFD0]  }
0xce: {  	v7 =	vld [tilespmem:s10+$0xFFFFFFD0];
	_ =	sdelay $0x4  }
0xcf: {  	v5 =	vadd.f32 v7, v5  }
0xd0: {  	v7 =	vadd.s32 v1, v6  }
0xd1: {  	[tilespmem:v4+s20+$0x0] =	vst.idx.msk $0xffff, v5  }
0xd2: {  	v4 =	vld [tilespmem:s26+$0xFFFFFFE0]  }
0xd3: {  	v5 =	vld [tilespmem:s10+$0xFFFFFFE0];
	_ =	sdelay $0x4  }
0xd4: {  	v4 =	vadd.f32 v5, v4;
	v5 =	vadd.s32 v2, v6;
	_ =	sdelay $0x1  }
0xd5: {  	[tilespmem:v7+s20+$0x0] =	vst.idx.msk $0xffff, v4  }
0xd6: {  	v7 =	vld [tilespmem:s26+$0xFFFFFFF0]  }
0xd7: {  	v8 =	vld [tilespmem:s10+$0xFFFFFFF0];
	_ =	sdelay $0x3  }
.Ltmp1:
0xd8: {  	v4 =	vadd.s32 v3, v6;
	(pc) =	sbr.rel @p1 .LBB2_5-.Ltmp1, $3  }
0xd9: {  	v6 =	vadd.f32 v8, v7;
	_ =	sdelay $0x1  }
0xda: {  	[tilespmem:v5+s20+$0x0] =	vst.idx.msk $0xffff, v6  }
0xdb: {  	v5 =	vld [tilespmem:s26+$0x0]  }
0xdc: {  	v6 =	vld [tilespmem:s10+$0x0];
	_ =	sdelay $0x3  }
0xdd: {  	s26 =	sshll.u32 s14, $0x14  }
0xde: {  	s10 =	sor.u32 s12, s26;
	v5 =	vadd.f32 v6, v5  }
0xdf: {  	s10 =	sshrl.u32 s10, $0x3  }
0xe0: {  	s26 =	simm.s32 $0x10400;
	s28 =	sadd.s32 s1, s10;
	[tilespmem:v4+s20+$0x0] =	vst.idx.msk $0xffff, v5  }
0xe1: {  	[hbm4b:s28+s2] =	stream.linear.scatter [tilespmem:s26], [sflag:$0x3], $0x80, $0x38;
	[tilespmem:$0x18C00] =	vst v63  }
0xe2: {  	s0 =	simm.s32 $0x10488;
	s29 =	sadd.s32 $0x10, s28  }
0xe3: {  	[hbm4b:s29+s2] =	stream.linear.scatter [tilespmem:s0], [sflag:$0x3], $0x80, $0x38;
	[tilespmem:$0x18C00] =	vst v63  }
0xe4: {  	s0 =	simm.s32 $0x10510;
	s29 =	sadd.s32 $0x20, s28  }
0xe5: {  	[hbm4b:s29+s2] =	stream.linear.scatter [tilespmem:s0], [sflag:$0x3], $0x80, $0x38;
	[tilespmem:$0x18C00] =	vst v63  }
0xe6: {  	s0 =	simm.s32 $0x10598;
	s29 =	sadd.s32 $0x30, s28  }
0xe7: {  	[hbm4b:s29+s2] =	stream.linear.scatter [tilespmem:s0], [sflag:$0x3], $0x80, $0x38;
	[tilespmem:$0x18C00] =	vst v63  }
0xe8: {  	s0 =	simm.s32 $0x10620;
	s29 =	sadd.s32 $0x40, s28  }
0xe9: {  	[hbm4b:s29+s2] =	stream.linear.scatter [tilespmem:s0], [sflag:$0x3], $0x80, $0x38;
	[tilespmem:$0x18C00] =	vst v63  }
0xea: {  	s30 =	simm.s32 $0x107B8;
	s0 =	simm.s32 $0x106A8;
	s29 =	sadd.s32 $0x50, s28  }
0xeb: {  	[hbm4b:s29+s2] =	stream.linear.scatter [tilespmem:s0], [sflag:$0x3], $0x80, $0x38;
	[tilespmem:$0x18C00] =	vst v63  }
0xec: {  	s31 =	sadd.s32 $0x70, s28;
	s0 =	simm.s32 $0x10730;
	s29 =	sadd.s32 $0x60, s28  }
0xed: {  	[hbm4b:s29+s2] =	stream.linear.scatter [tilespmem:s0], [sflag:$0x3], $0x80, $0x38;
	[tilespmem:$0x18C00] =	vst v63  }
0xee: {  	s26 =	simm.s32 $0x440;
	s28 =	sadd.s32 $0x1000, s28;
	s29 =	simm.s32 $0x2200  }
.LBB2_7:
0xef: {  	[hbm4b:s31+s2] =	stream.linear.scatter [tilespmem:s30], [sflag:$0x3], $0x80, $0x38;
	[tilespmem:$0x18C00] =	vst v63  }
0xf0: {  	s30 =	smov.u32 s26;
	s26 =	smov.u32 s29  }
0xf1: {  	s0 =	sadd.s32 $0x1100, s29;
	s26 =	sshra.s32 s26, $0x2;
	s31 =	sadd.s32 $0x10400, s30  }
0xf2: {  	[hbm4b:s28+s2] =	stream.linear.scatter [tilespmem:s31], [sflag:$0x3], $0x80, $0x38;
	[tilespmem:$0x18C00] =	vst v63  }
0xf3: {  	p1 =	sne.s32 s29, $0x7700;
	s29 =	sadd.s32 $0x10488, s30;
	s31 =	sadd.s32 $0x10, s28  }
0xf4: {  	[hbm4b:s31+s2] =	stream.linear.scatter [tilespmem:s29], [sflag:$0x3], $0x80, $0x38;
	[tilespmem:$0x18C00] =	vst v63  }
0xf5: {  	s29 =	sadd.s32 $0x10510, s30;
	s31 =	sadd.s32 $0x20, s28  }
0xf6: {  	[hbm4b:s31+s2] =	stream.linear.scatter [tilespmem:s29], [sflag:$0x3], $0x80, $0x38;
	[tilespmem:$0x18C00] =	vst v63  }
0xf7: {  	s29 =	sadd.s32 $0x10598, s30;
	s31 =	sadd.s32 $0x30, s28  }
0xf8: {  	[hbm4b:s31+s2] =	stream.linear.scatter [tilespmem:s29], [sflag:$0x3], $0x80, $0x38;
	[tilespmem:$0x18C00] =	vst v63  }
0xf9: {  	s29 =	sadd.s32 $0x10620, s30;
	s31 =	sadd.s32 $0x40, s28  }
0xfa: {  	[hbm4b:s31+s2] =	stream.linear.scatter [tilespmem:s29], [sflag:$0x3], $0x80, $0x38;
	[tilespmem:$0x18C00] =	vst v63  }
.Ltmp2:
0xfb: {  	s29 =	sadd.s32 $0x106A8, s30;
	s31 =	sadd.s32 $0x50, s28;
	(pc) =	sbr.rel @p1 .LBB2_7-.Ltmp2, $4  }
0xfc: {  	[hbm4b:s31+s2] =	stream.linear.scatter [tilespmem:s29], [sflag:$0x3], $0x80, $0x38;
	[tilespmem:$0x18C00] =	vst v63  }
0xfd: {  	s29 =	sadd.s32 $0x10730, s30;
	s31 =	sadd.s32 $0x60, s28;
	s30 =	sadd.s32 $0x107B8, s30  }
0xfe: {  	[hbm4b:s31+s2] =	stream.linear.scatter [tilespmem:s29], [sflag:$0x3], $0x80, $0x38;
	[tilespmem:$0x18C00] =	vst v63  }
0xff: {  	s31 =	sadd.s32 $0x70, s28;
	s28 =	sadd.s32 $0x1000, s28;
	s29 =	smov.u32 s0  }
0x100: {  	[hbm4b:s31+s2] =	stream.linear.scatter [tilespmem:s30], [sflag:$0x3], $0x80, $0x38;
	[tilespmem:$0x18C00] =	vst v63  }
0x101: {  	s0 =	sadd.s32 $0x10400, s26  }
0x102: {  	[hbm4b:s28+s2] =	stream.linear.scatter [tilespmem:s0], [sflag:$0x3], $0x80, $0x38;
	[tilespmem:$0x18C00] =	vst v63  }
0x103: {  	s31 =	sadd.s32 $0x10488, s26;
	s29 =	sadd.s32 $0x10, s28  }
0x104: {  	[hbm4b:s29+s2] =	stream.linear.scatter [tilespmem:s31], [sflag:$0x3], $0x80, $0x38;
	[tilespmem:$0x18C00] =	vst v63  }
0x105: {  	s31 =	sadd.s32 $0x10510, s26;
	s29 =	sadd.s32 $0x20, s28  }
0x106: {  	[hbm4b:s29+s2] =	stream.linear.scatter [tilespmem:s31], [sflag:$0x3], $0x80, $0x38;
	[tilespmem:$0x18C00] =	vst v63  }
0x107: {  	s31 =	sadd.s32 $0x10598, s26;
	s29 =	sadd.s32 $0x30, s28  }
0x108: {  	[hbm4b:s29+s2] =	stream.linear.scatter [tilespmem:s31], [sflag:$0x3], $0x80, $0x38;
	[tilespmem:$0x18C00] =	vst v63  }
0x109: {  	s31 =	sadd.s32 $0x10620, s26;
	s29 =	sadd.s32 $0x40, s28  }
0x10a: {  	[hbm4b:s29+s2] =	stream.linear.scatter [tilespmem:s31], [sflag:$0x3], $0x80, $0x38;
	[tilespmem:$0x18C00] =	vst v63  }
0x10b: {  	s31 =	sadd.s32 $0x106A8, s26;
	s29 =	sadd.s32 $0x50, s28  }
0x10c: {  	[hbm4b:s29+s2] =	stream.linear.scatter [tilespmem:s31], [sflag:$0x3], $0x80, $0x38;
	[tilespmem:$0x18C00] =	vst v63  }
0x10d: {  	s31 =	sadd.s32 $0x10730, s26;
	s29 =	sadd.s32 $0x60, s28  }
0x10e: {  	[hbm4b:s29+s2] =	stream.linear.scatter [tilespmem:s31], [sflag:$0x3], $0x80, $0x38;
	[tilespmem:$0x18C00] =	vst v63  }
0x10f: {  	s26 =	sadd.s32 $0x107B8, s26;
	s31 =	sadd.s32 $0x70, s28  }
0x110: {  	[hbm4b:s31+s2] =	stream.linear.scatter [tilespmem:s26], [sflag:$0x3], $0x80, $0x38;
	[tilespmem:$0x18C00] =	vst v63  }
0x111: {  	s0 =	sadd.s32 s10, s13;
	s31 =	simm.s32 $0x12600  }
0x112: {  	[hbm4b:s0+s2] =	stream.linear.scatter [tilespmem:s31], [sflag:$0x3], $0x80, $0x38;
	[tilespmem:$0x18C00] =	vst v63  }
0x113: {  	s26 =	simm.s32 $0x12688;
	s31 =	sadd.s32 $0x10, s0  }
0x114: {  	[hbm4b:s31+s2] =	stream.linear.scatter [tilespmem:s26], [sflag:$0x3], $0x80, $0x38;
	[tilespmem:$0x18C00] =	vst v63  }
0x115: {  	s26 =	simm.s32 $0x12710;
	s31 =	sadd.s32 $0x20, s0  }
0x116: {  	[hbm4b:s31+s2] =	stream.linear.scatter [tilespmem:s26], [sflag:$0x3], $0x80, $0x38;
	[tilespmem:$0x18C00] =	vst v63  }
0x117: {  	s26 =	simm.s32 $0x12798;
	s31 =	sadd.s32 $0x30, s0  }
0x118: {  	[hbm4b:s31+s2] =	stream.linear.scatter [tilespmem:s26], [sflag:$0x3], $0x80, $0x38;
	[tilespmem:$0x18C00] =	vst v63  }
0x119: {  	s26 =	simm.s32 $0x12820;
	s31 =	sadd.s32 $0x40, s0  }
0x11a: {  	[hbm4b:s31+s2] =	stream.linear.scatter [tilespmem:s26], [sflag:$0x3], $0x80, $0x38;
	[tilespmem:$0x18C00] =	vst v63  }
0x11b: {  	s10 =	simm.s32 $0x440;
	s26 =	simm.s32 $0x128A8;
	s31 =	sadd.s32 $0x50, s0  }
0x11c: {  	[hbm4b:s31+s2] =	stream.linear.scatter [tilespmem:s26], [sflag:$0x3], $0x80, $0x38;
	[tilespmem:$0x18C00] =	vst v63  }
0x11d: {  	s30 =	sadd.s32 $0x70, s0;
	s26 =	simm.s32 $0x12930;
	s31 =	sadd.s32 $0x60, s0  }
0x11e: {  	[hbm4b:s31+s2] =	stream.linear.scatter [tilespmem:s26], [sflag:$0x3], $0x80, $0x38;
	[tilespmem:$0x18C00] =	vst v63  }
0x11f: {  	s28 =	simm.s32 $0x2200;
	s29 =	simm.s32 $0x129B8;
	s26 =	sadd.s32 $0x1000, s0  }
.LBB2_9:
0x120: {  	[hbm4b:s30+s2] =	stream.linear.scatter [tilespmem:s29], [sflag:$0x3], $0x80, $0x38;
	[tilespmem:$0x18C00] =	vst v63  }
0x121: {  	s0 =	smov.u32 s10;
	s10 =	smov.u32 s28  }
0x122: {  	s31 =	sadd.s32 $0x1100, s28;
	s10 =	sshra.s32 s10, $0x2;
	s29 =	sadd.s32 $0x12600, s0  }
0x123: {  	[hbm4b:s26+s2] =	stream.linear.scatter [tilespmem:s29], [sflag:$0x3], $0x80, $0x38;
	[tilespmem:$0x18C00] =	vst v63  }
0x124: {  	p1 =	sne.s32 s28, $0x7700;
	s28 =	sadd.s32 $0x12688, s0;
	s29 =	sadd.s32 $0x10, s26  }
0x125: {  	[hbm4b:s29+s2] =	stream.linear.scatter [tilespmem:s28], [sflag:$0x3], $0x80, $0x38;
	[tilespmem:$0x18C00] =	vst v63  }
0x126: {  	s28 =	sadd.s32 $0x12710, s0;
	s29 =	sadd.s32 $0x20, s26  }
0x127: {  	[hbm4b:s29+s2] =	stream.linear.scatter [tilespmem:s28], [sflag:$0x3], $0x80, $0x38;
	[tilespmem:$0x18C00] =	vst v63  }
0x128: {  	s28 =	sadd.s32 $0x12798, s0;
	s29 =	sadd.s32 $0x30, s26  }
0x129: {  	[hbm4b:s29+s2] =	stream.linear.scatter [tilespmem:s28], [sflag:$0x3], $0x80, $0x38;
	[tilespmem:$0x18C00] =	vst v63  }
0x12a: {  	s28 =	sadd.s32 $0x12820, s0;
	s29 =	sadd.s32 $0x40, s26  }
0x12b: {  	[hbm4b:s29+s2] =	stream.linear.scatter [tilespmem:s28], [sflag:$0x3], $0x80, $0x38;
	[tilespmem:$0x18C00] =	vst v63  }
.Ltmp3:
0x12c: {  	s28 =	sadd.s32 $0x128A8, s0;
	s29 =	sadd.s32 $0x50, s26;
	(pc) =	sbr.rel @p1 .LBB2_9-.Ltmp3, $4  }
0x12d: {  	[hbm4b:s29+s2] =	stream.linear.scatter [tilespmem:s28], [sflag:$0x3], $0x80, $0x38;
	[tilespmem:$0x18C00] =	vst v63  }
0x12e: {  	s30 =	sadd.s32 $0x70, s26;
	s28 =	sadd.s32 $0x12930, s0;
	s29 =	sadd.s32 $0x60, s26  }
0x12f: {  	[hbm4b:s29+s2] =	stream.linear.scatter [tilespmem:s28], [sflag:$0x3], $0x80, $0x38;
	[tilespmem:$0x18C00] =	vst v63  }
0x130: {  	s26 =	sadd.s32 $0x1000, s26;
	s29 =	sadd.s32 $0x129B8, s0;
	s28 =	smov.u32 s31  }
0x131: {  	[hbm4b:s30+s2] =	stream.linear.scatter [tilespmem:s29], [sflag:$0x3], $0x80, $0x38;
	[tilespmem:$0x18C00] =	vst v63  }
0x132: {  	s0 =	sadd.s32 $0x12600, s10  }
0x133: {  	[hbm4b:s26+s2] =	stream.linear.scatter [tilespmem:s0], [sflag:$0x3], $0x80, $0x38;
	[tilespmem:$0x18C00] =	vst v63  }
0x134: {  	s29 =	sadd.s32 $0x12688, s10;
	s28 =	sadd.s32 $0x10, s26  }
0x135: {  	[hbm4b:s28+s2] =	stream.linear.scatter [tilespmem:s29], [sflag:$0x3], $0x80, $0x38;
	[tilespmem:$0x18C00] =	vst v63  }
0x136: {  	s30 =	sadd.s32 $0x12710, s10;
	s28 =	sadd.s32 $0x20, s26  }
0x137: {  	[hbm4b:s28+s2] =	stream.linear.scatter [tilespmem:s30], [sflag:$0x3], $0x80, $0x38;
	[tilespmem:$0x18C00] =	vst v63  }
0x138: {  	s31 =	sadd.s32 $0x12798, s10;
	s9 =	sor.u32 $0x1, s9;
	s28 =	sadd.s32 $0x30, s26  }
0x139: {  	[hbm4b:s28+s2] =	stream.linear.scatter [tilespmem:s31], [sflag:$0x3], $0x80, $0x38;
	[tilespmem:$0x18C00] =	vst v63  }
0x13a: {  	p1 =	sgt.u32 s9, $0x62;
	s29 =	sadd.s32 $0x12820, s10;
	s28 =	sadd.s32 $0x40, s26  }
0x13b: {  	[hbm4b:s28+s2] =	stream.linear.scatter [tilespmem:s29], [sflag:$0x3], $0x80, $0x38;
	[tilespmem:$0x18C00] =	vst v63  }
0x13c: {  	s0 =	sadd.s32 @!p1 s11, s18;
	s30 =	sadd.s32 $0x128A8, s10;
	s28 =	sadd.s32 $0x50, s26  }
0x13d: {  	[hbm4b:s28+s2] =	stream.linear.scatter [tilespmem:s30], [sflag:$0x3], $0x80, $0x38;
	[tilespmem:$0x18C00] =	vst v63  }
0x13e: {  	s18 =	simm.s32 @!p1 $0x80;
	s31 =	sadd.s32 $0x12930, s10;
	s28 =	sadd.s32 $0x60, s26  }
0x13f: {  	[hbm4b:s28+s2] =	stream.linear.scatter [tilespmem:s31], [sflag:$0x3], $0x80, $0x38;
	[tilespmem:$0x18C00] =	vst v63  }
0x140: {  	s0 =	sshrl.u32 @!p1 s0, $0x3;
	s29 =	sadd.s32 $0x129B8, s10;
	s30 =	sadd.s32 $0x70, s26  }
0x141: {  	[hbm4b:s30+s2] =	stream.linear.scatter [tilespmem:s29], [sflag:$0x3], $0x80, $0x38;
	[tilespmem:$0x18C00] =	vst v63  }
0x142: {  	s10 =	sadd.s32 @!p1 s4, s0;
	s26 =	simm.s32 @!p1 $0x1000;
	s28 =	simm.s32 @!p1 $0x0  }
0x143: {  	[tilespmem:s28], [sflag:$0x5] =	stream.strided.gather @!p1 [hbm4b:s10+s18], $0x100, s26, s18, $0x38;
	[tilespmem:$0x18C00] =	vst v63  }
0x144: {  	s10 =	simm.s32 @!p1 $0x5  }
0x145: {  	_ =	swait.ge @!p1 [sflag:s10], $0x100  }
0x146: {  	[sflag:s10] =	ssyncset.done @!p1 $0x0  }
0x147: {  	s0 =	sadd.s32 @!p1 s5, s0;
	s29 =	simm.s32 @!p1 $0x200;
	[sflag:s10] =	ssyncadd.s32 @!p1 $0xFFFFFF00  }
0x148: {  	[tilespmem:s29], [sflag:$0x5] =	stream.strided.gather @!p1 [hbm4b:s0+s18], $0x100, s26, s18, $0x38;
	[tilespmem:$0x18C00] =	vst v63  }
0x149: {  	_ =	swait.ge @!p1 [sflag:s10], $0x100  }
0x14a: {  	[sflag:s10] =	ssyncset.done @!p1 $0x0  }
0x14b: {  	s0 =	simm.s32 @!p1 $0x400;
	[sflag:s10] =	ssyncadd.s32 @!p1 $0xFFFFFF00  }
0x14c: {  	[tilespmem:s0], [sflag:$0x1] =	stream.indirect.gather @!p1 [hbm4b:s6+s18], $0x40, s28, s18, $0xb8;
	[tilespmem:$0x18C00] =	vst v63  }
0x14d: {  	s0 =	simm.s32 @!p1 $0x8400  }
0x14e: {  	[tilespmem:s0], [sflag:$0x1] =	stream.indirect.gather @!p1 [hbm4b:s7+s18], $0x40, s29, s18, $0xb8;
	[tilespmem:$0x18C00] =	vst v63  }
0x14f: {  	s0 =	simm.s32 @!p1 $0x2400  }
0x150: {  	[tilespmem:s0], [sflag:$0x1] =	stream.indirect.gather @!p1 [hbm4b:s6+s18], $0x40, s18, s18, $0xb8;
	[tilespmem:$0x18C00] =	vst v63  }
0x151: {  	s10 =	simm.s32 @!p1 $0xA400;
	s0 =	simm.s32 @!p1 $0x280  }
0x152: {  	[tilespmem:s10], [sflag:$0x1] =	stream.indirect.gather @!p1 [hbm4b:s7+s18], $0x40, s0, s18, $0xb8;
	[tilespmem:$0x18C00] =	vst v63  }
0x153: {  	_ =	swait.ge [sflag:s21], $0x2000  }
0x154: {  	[sflag:s21] =	ssyncset.done $0x0  }
0x155: {  	[sflag:s21] =	ssyncadd.s32 $0xFFFFE000  }
0x156: {  	_ =	swait.ge [sflag:s21], $0x2000  }
0x157: {  	[sflag:s21] =	ssyncset.done $0x0  }
0x158: {  	[sflag:s21] =	ssyncadd.s32 $0xFFFFE000  }
0x159: {  	_ =	swait.ge [sflag:s21], $0x2000  }
0x15a: {  	[sflag:s21] =	ssyncset.done $0x0  }
0x15b: {  	[sflag:s21] =	ssyncadd.s32 $0xFFFFE000  }
0x15c: {  	_ =	swait.ge [sflag:s21], $0x2000  }
0x15d: {  	[sflag:s21] =	ssyncset.done $0x0  }
0x15e: {  	s0 =	simm.s32 @!p0 $0x4;
	[sflag:s21] =	ssyncadd.s32 $0xFFFFE000  }
0x15f: {  	_ =	swait.ge @!p0 [sflag:s0], $0x2000  }
0x160: {  	[sflag:s0] =	ssyncset.done @!p0 $0x0  }
0x161: {  	[sflag:s0] =	ssyncadd.s32 @!p0 $0xFFFFE000  }
0x162: {  	_ =	swait.ge @!p0 [sflag:s0], $0x2000  }
0x163: {  	[sflag:s0] =	ssyncset.done @!p0 $0x0  }
0x164: {  	s10 =	simm.s32 $0x0;
	[sflag:s0] =	ssyncadd.s32 @!p0 $0xFFFFE000  }
0x165: {  	s18 =	simm.s32 $0x0;
	v4 =	vld [tilespmem:s10+$0x4400]  }
0x166: {  	v5 =	vmov s18;
	v6 =	vld [tilespmem:s10+$0xC400]  }
0x167: {  	v8 =	vand.u32 $0x7E, v5  }
0x168: {  	v5 =	vadd.s32 v0, v8;
	_ =	sdelay $0x2  }
0x169: {  	v4 =	vadd.f32 v6, v4;
	_ =	sdelay $0x1  }
0x16a: {  	[tilespmem:v5+s22+$0x0] =	vst.idx.msk $0xffff, v4  }
0x16b: {  	v4 =	vld [tilespmem:s10+$0x4410]  }
0x16c: {  	v7 =	vld [tilespmem:s10+$0xC410];
	_ =	sdelay $0x1  }
0x16d: {  	v6 =	vadd.s32 v1, v8;
	_ =	sdelay $0x2  }
0x16e: {  	v4 =	vadd.f32 v7, v4;
	_ =	sdelay $0x1  }
0x16f: {  	[tilespmem:v6+s22+$0x0] =	vst.idx.msk $0xffff, v4  }
0x170: {  	v4 =	vld [tilespmem:s10+$0x4420]  }
0x171: {  	v9 =	vld [tilespmem:s10+$0xC420];
	_ =	sdelay $0x1  }
0x172: {  	v7 =	vadd.s32 v2, v8;
	_ =	sdelay $0x2  }
0x173: {  	v4 =	vadd.f32 v9, v4;
	_ =	sdelay $0x1  }
0x174: {  	[tilespmem:v7+s22+$0x0] =	vst.idx.msk $0xffff, v4  }
0x175: {  	v4 =	vld [tilespmem:s10+$0x4430]  }
0x176: {  	v9 =	vld [tilespmem:s10+$0xC430];
	_ =	sdelay $0x1  }
0x177: {  	v8 =	vadd.s32 v3, v8;
	_ =	sdelay $0x2  }
0x178: {  	v4 =	vadd.f32 v9, v4;
	_ =	sdelay $0x1  }
0x179: {  	[tilespmem:v8+s22+$0x0] =	vst.idx.msk $0xffff, v4  }
0x17a: {  	s31 =	simm.s32 $0x1;
	v10 =	vld [tilespmem:s10+$0x4440]  }
0x17b: {  	v4 =	vmov s31;
	v11 =	vld [tilespmem:s10+$0xC440]  }
0x17c: {  	v4 =	vand.u32 $0x7F, v4  }
0x17d: {  	v9 =	vadd.s32 v0, v4;
	_ =	sdelay $0x2  }
0x17e: {  	v10 =	vadd.f32 v11, v10;
	_ =	sdelay $0x1  }
0x17f: {  	[tilespmem:v9+s22+$0x0] =	vst.idx.msk $0xffff, v10  }
0x180: {  	v10 =	vld [tilespmem:s10+$0x4450]  }
0x181: {  	v12 =	vld [tilespmem:s10+$0xC450];
	_ =	sdelay $0x1  }
0x182: {  	v11 =	vadd.s32 v1, v4;
	_ =	sdelay $0x2  }
0x183: {  	v10 =	vadd.f32 v12, v10;
	_ =	sdelay $0x1  }
0x184: {  	[tilespmem:v11+s22+$0x0] =	vst.idx.msk $0xffff, v10  }
0x185: {  	v12 =	vld [tilespmem:s10+$0x4460]  }
0x186: {  	v13 =	vld [tilespmem:s10+$0xC460];
	_ =	sdelay $0x1  }
0x187: {  	v10 =	vadd.s32 v2, v4;
	_ =	sdelay $0x2  }
0x188: {  	v13 =	vadd.f32 v13, v12;
	_ =	sdelay $0x1  }
0x189: {  	s26 =	simm.s32 $0x2;
	s28 =	simm.s32 $0x0;
	v12 =	vadd.s32 v3, v4;
	[tilespmem:v10+s22+$0x0] =	vst.idx.msk $0xffff, v13  }
.LBB2_11:
0x18a: {  	p0 =	slt.u32 s26, $0x7E  }
0x18b: {  	v13 =	vld [tilespmem:s10+$0x4470];
	s28 =	sadd.s32 $0x200, s28;
	s29 =	smov.u32 s26;
	s26 =	sadd.s32 $0x2, s26  }
0x18c: {  	v14 =	vld [tilespmem:s10+$0xC470];
	_ =	sdelay $0x4  }
0x18d: {  	v13 =	vadd.f32 v14, v13;
	_ =	sdelay $0x1  }
0x18e: {  	s10 =	sshra.s32 s28, $0x2;
	[tilespmem:v12+s22+$0x0] =	vst.idx.msk $0xffff, v13  }
0x18f: {  	v12 =	vmov s29;
	v13 =	vld [tilespmem:s10+$0x4400]  }
0x190: {  	v12 =	vand.u32 $0x7E, v12;
	v14 =	vld [tilespmem:s10+$0xC400]  }
0x191: {  	v15 =	vadd.s32 v0, v12;
	_ =	sdelay $0x3  }
0x192: {  	v13 =	vadd.f32 v14, v13;
	_ =	sdelay $0x1  }
0x193: {  	[tilespmem:v15+s22+$0x0] =	vst.idx.msk $0xffff, v13  }
0x194: {  	v13 =	vld [tilespmem:s10+$0x4410]  }
0x195: {  	v15 =	vadd.s32 v1, v12;
	v14 =	vld [tilespmem:s10+$0xC410];
	_ =	sdelay $0x4  }
0x196: {  	v13 =	vadd.f32 v14, v13;
	_ =	sdelay $0x1  }
0x197: {  	[tilespmem:v15+s22+$0x0] =	vst.idx.msk $0xffff, v13  }
0x198: {  	v14 =	vadd.s32 v2, v12;
	v13 =	vld [tilespmem:s10+$0x4420]  }
0x199: {  	v15 =	vld [tilespmem:s10+$0xC420];
	_ =	sdelay $0x4  }
0x19a: {  	v13 =	vadd.f32 v15, v13;
	_ =	sdelay $0x1  }
0x19b: {  	v12 =	vadd.s32 v3, v12;
	[tilespmem:v14+s22+$0x0] =	vst.idx.msk $0xffff, v13  }
0x19c: {  	v13 =	vld [tilespmem:s10+$0x4430]  }
0x19d: {  	v14 =	vld [tilespmem:s10+$0xC430];
	_ =	sdelay $0x2  }
0x19e: {  	s0 =	sadd.s32 $0x1, s29  }
0x19f: {  	v15 =	vmov s0  }
0x1a0: {  	v13 =	vadd.f32 v14, v13;
	v14 =	vand.u32 $0x7F, v15  }
0x1a1: {  	v15 =	vadd.s32 v0, v14  }
0x1a2: {  	[tilespmem:v12+s22+$0x0] =	vst.idx.msk $0xffff, v13  }
0x1a3: {  	v12 =	vld [tilespmem:s10+$0x4440]  }
0x1a4: {  	v13 =	vld [tilespmem:s10+$0xC440];
	_ =	sdelay $0x4  }
0x1a5: {  	v12 =	vadd.f32 v13, v12;
	v13 =	vadd.s32 v1, v14;
	_ =	sdelay $0x1  }
0x1a6: {  	[tilespmem:v15+s22+$0x0] =	vst.idx.msk $0xffff, v12  }
0x1a7: {  	v12 =	vld [tilespmem:s10+$0x4450]  }
0x1a8: {  	v15 =	vld [tilespmem:s10+$0xC450];
	_ =	sdelay $0x3  }
0x1a9: {  	v16 =	vadd.s32 v2, v14  }
0x1aa: {  	v12 =	vadd.f32 v15, v12;
	_ =	sdelay $0x1  }
0x1ab: {  	[tilespmem:v13+s22+$0x0] =	vst.idx.msk $0xffff, v12  }
0x1ac: {  	v13 =	vld [tilespmem:s10+$0x4460]  }
0x1ad: {  	v15 =	vld [tilespmem:s10+$0xC460];
	_ =	sdelay $0x2  }
.Ltmp4:
0x1ae: {  	v12 =	vadd.s32 v3, v14;
	(pc) =	sbr.rel @p0 .LBB2_11-.Ltmp4, $3  }
0x1af: {  	_ = 	snop  }
0x1b0: {  	v13 =	vadd.f32 v15, v13;
	_ =	sdelay $0x1  }
0x1b1: {  	[tilespmem:v16+s22+$0x0] =	vst.idx.msk $0xffff, v13  }
0x1b2: {  	v13 =	vld [tilespmem:s10+$0x4470]  }
0x1b3: {  	v14 =	vld [tilespmem:s10+$0xC470];
	_ =	sdelay $0x4  }
0x1b4: {  	v13 =	vadd.f32 v14, v13;
	_ =	sdelay $0x1  }
0x1b5: {  	s10 =	simm.s32 $0x0;
	[tilespmem:v12+s22+$0x0] =	vst.idx.msk $0xffff, v13  }
0x1b6: {  	v12 =	vld [tilespmem:s10+$0x6400]  }
0x1b7: {  	v13 =	vld [tilespmem:s10+$0xE400];
	_ =	sdelay $0x4  }
0x1b8: {  	v12 =	vadd.f32 v13, v12;
	_ =	sdelay $0x1  }
0x1b9: {  	[tilespmem:v5+s23+$0x0] =	vst.idx.msk $0xffff, v12  }
0x1ba: {  	v5 =	vld [tilespmem:s10+$0x6410]  }
0x1bb: {  	v12 =	vld [tilespmem:s10+$0xE410];
	_ =	sdelay $0x4  }
0x1bc: {  	v5 =	vadd.f32 v12, v5;
	_ =	sdelay $0x1  }
0x1bd: {  	[tilespmem:v6+s23+$0x0] =	vst.idx.msk $0xffff, v5  }
0x1be: {  	v5 =	vld [tilespmem:s10+$0x6420]  }
0x1bf: {  	v6 =	vld [tilespmem:s10+$0xE420];
	_ =	sdelay $0x4  }
0x1c0: {  	v5 =	vadd.f32 v6, v5;
	_ =	sdelay $0x1  }
0x1c1: {  	[tilespmem:v7+s23+$0x0] =	vst.idx.msk $0xffff, v5  }
0x1c2: {  	v5 =	vld [tilespmem:s10+$0x6430]  }
0x1c3: {  	v6 =	vld [tilespmem:s10+$0xE430];
	_ =	sdelay $0x4  }
0x1c4: {  	v5 =	vadd.f32 v6, v5;
	_ =	sdelay $0x1  }
0x1c5: {  	[tilespmem:v8+s23+$0x0] =	vst.idx.msk $0xffff, v5  }
0x1c6: {  	v5 =	vld [tilespmem:s10+$0x6440]  }
0x1c7: {  	v6 =	vld [tilespmem:s10+$0xE440];
	_ =	sdelay $0x4  }
0x1c8: {  	v5 =	vadd.f32 v6, v5;
	_ =	sdelay $0x1  }
0x1c9: {  	[tilespmem:v9+s23+$0x0] =	vst.idx.msk $0xffff, v5  }
0x1ca: {  	v5 =	vld [tilespmem:s10+$0x6450]  }
0x1cb: {  	v6 =	vld [tilespmem:s10+$0xE450];
	_ =	sdelay $0x4  }
0x1cc: {  	v5 =	vadd.f32 v6, v5;
	_ =	sdelay $0x1  }
0x1cd: {  	[tilespmem:v11+s23+$0x0] =	vst.idx.msk $0xffff, v5  }
0x1ce: {  	v5 =	vld [tilespmem:s10+$0x6460]  }
0x1cf: {  	v6 =	vld [tilespmem:s10+$0xE460];
	_ =	sdelay $0x4  }
0x1d0: {  	v5 =	vadd.f32 v6, v5;
	_ =	sdelay $0x1  }
0x1d1: {  	s26 =	simm.s32 $0x2;
	v4 =	vadd.s32 v3, v4;
	[tilespmem:v10+s23+$0x0] =	vst.idx.msk $0xffff, v5  }
.LBB2_13:
0x1d2: {  	p0 =	slt.u32 s26, $0x7E  }
0x1d3: {  	v5 =	vld [tilespmem:s10+$0x6470];
	s18 =	sadd.s32 $0x200, s18;
	s28 =	smov.u32 s26;
	s26 =	sadd.s32 $0x2, s26  }
0x1d4: {  	v6 =	vld [tilespmem:s10+$0xE470];
	_ =	sdelay $0x4  }
0x1d5: {  	v5 =	vadd.f32 v6, v5;
	_ =	sdelay $0x1  }
0x1d6: {  	s10 =	sshra.s32 s18, $0x2;
	[tilespmem:v4+s23+$0x0] =	vst.idx.msk $0xffff, v5  }
0x1d7: {  	v4 =	vmov s28;
	v5 =	vld [tilespmem:s10+$0x6400]  }
0x1d8: {  	v4 =	vand.u32 $0x7E, v4;
	v6 =	vld [tilespmem:s10+$0xE400]  }
0x1d9: {  	v7 =	vadd.s32 v0, v4;
	_ =	sdelay $0x3  }
0x1da: {  	v5 =	vadd.f32 v6, v5;
	_ =	sdelay $0x1  }
0x1db: {  	[tilespmem:v7+s23+$0x0] =	vst.idx.msk $0xffff, v5  }
0x1dc: {  	v5 =	vld [tilespmem:s10+$0x6410]  }
0x1dd: {  	v7 =	vadd.s32 v1, v4;
	v6 =	vld [tilespmem:s10+$0xE410];
	_ =	sdelay $0x4  }
0x1de: {  	v5 =	vadd.f32 v6, v5;
	_ =	sdelay $0x1  }
0x1df: {  	[tilespmem:v7+s23+$0x0] =	vst.idx.msk $0xffff, v5  }
0x1e0: {  	v6 =	vadd.s32 v2, v4;
	v5 =	vld [tilespmem:s10+$0x6420]  }
0x1e1: {  	v7 =	vld [tilespmem:s10+$0xE420];
	_ =	sdelay $0x4  }
0x1e2: {  	v5 =	vadd.f32 v7, v5;
	_ =	sdelay $0x1  }
0x1e3: {  	v4 =	vadd.s32 v3, v4;
	[tilespmem:v6+s23+$0x0] =	vst.idx.msk $0xffff, v5  }
0x1e4: {  	v5 =	vld [tilespmem:s10+$0x6430]  }
0x1e5: {  	v6 =	vld [tilespmem:s10+$0xE430];
	_ =	sdelay $0x2  }
0x1e6: {  	s0 =	sadd.s32 $0x1, s28  }
0x1e7: {  	v7 =	vmov s0  }
0x1e8: {  	v5 =	vadd.f32 v6, v5;
	v6 =	vand.u32 $0x7F, v7  }
0x1e9: {  	v7 =	vadd.s32 v0, v6  }
0x1ea: {  	[tilespmem:v4+s23+$0x0] =	vst.idx.msk $0xffff, v5  }
0x1eb: {  	v4 =	vld [tilespmem:s10+$0x6440]  }
0x1ec: {  	v5 =	vld [tilespmem:s10+$0xE440];
	_ =	sdelay $0x4  }
0x1ed: {  	v4 =	vadd.f32 v5, v4;
	v5 =	vadd.s32 v1, v6;
	_ =	sdelay $0x1  }
0x1ee: {  	[tilespmem:v7+s23+$0x0] =	vst.idx.msk $0xffff, v4  }
0x1ef: {  	v4 =	vld [tilespmem:s10+$0x6450]  }
0x1f0: {  	v7 =	vld [tilespmem:s10+$0xE450];
	_ =	sdelay $0x3  }
0x1f1: {  	v8 =	vadd.s32 v2, v6  }
0x1f2: {  	v4 =	vadd.f32 v7, v4;
	_ =	sdelay $0x1  }
0x1f3: {  	[tilespmem:v5+s23+$0x0] =	vst.idx.msk $0xffff, v4  }
0x1f4: {  	v5 =	vld [tilespmem:s10+$0x6460]  }
0x1f5: {  	v7 =	vld [tilespmem:s10+$0xE460];
	_ =	sdelay $0x2  }
.Ltmp5:
0x1f6: {  	v4 =	vadd.s32 v3, v6;
	(pc) =	sbr.rel @p0 .LBB2_13-.Ltmp5, $3  }
0x1f7: {  	_ = 	snop  }
0x1f8: {  	v5 =	vadd.f32 v7, v5;
	_ =	sdelay $0x1  }
0x1f9: {  	[tilespmem:v8+s23+$0x0] =	vst.idx.msk $0xffff, v5  }
0x1fa: {  	v5 =	vld [tilespmem:s10+$0x6470]  }
0x1fb: {  	v6 =	vld [tilespmem:s10+$0xE470];
	_ =	sdelay $0x3  }
0x1fc: {  	s0 =	sshll.u32 s9, $0x13  }
0x1fd: {  	s0 =	sor.u32 s12, s0;
	v5 =	vadd.f32 v6, v5  }
0x1fe: {  	s9 =	sshrl.u32 s0, $0x3  }
0x1ff: {  	s18 =	simm.s32 $0x14800;
	s0 =	sadd.s32 s1, s9;
	[tilespmem:v4+s23+$0x0] =	vst.idx.msk $0xffff, v5  }
0x200: {  	[hbm4b:s0+s2] =	stream.linear.scatter [tilespmem:s18], [sflag:$0x4], $0x80, $0x38;
	[tilespmem:$0x18C00] =	vst v63  }
0x201: {  	s26 =	simm.s32 $0x14888;
	s18 =	sadd.s32 $0x10, s0  }
0x202: {  	[hbm4b:s18+s2] =	stream.linear.scatter [tilespmem:s26], [sflag:$0x4], $0x80, $0x38;
	[tilespmem:$0x18C00] =	vst v63  }
0x203: {  	s30 =	simm.s32 $0x14910;
	s10 =	simm.s32 $0x440;
	s31 =	sadd.s32 $0x20, s0  }
0x204: {  	[hbm4b:s31+s2] =	stream.linear.scatter [tilespmem:s30], [sflag:$0x4], $0x80, $0x38;
	[tilespmem:$0x18C00] =	vst v63  }
0x205: {  	s28 =	simm.s32 $0x14BB8;
	s18 =	simm.s32 $0x14998;
	s26 =	sadd.s32 $0x30, s0  }
0x206: {  	[hbm4b:s26+s2] =	stream.linear.scatter [tilespmem:s18], [sflag:$0x4], $0x80, $0x38;
	[tilespmem:$0x18C00] =	vst v63  }
0x207: {  	s29 =	sadd.s32 $0x70, s0;
	s30 =	simm.s32 $0x14A20;
	s31 =	sadd.s32 $0x40, s0  }
0x208: {  	[hbm4b:s31+s2] =	stream.linear.scatter [tilespmem:s30], [sflag:$0x4], $0x80, $0x38;
	[tilespmem:$0x18C00] =	vst v63  }
0x209: {  	s18 =	simm.s32 $0x14AA8;
	s26 =	sadd.s32 $0x50, s0;
	s30 =	simm.s32 $0x14B30  }
0x20a: {  	[hbm4b:s26+s2] =	stream.linear.scatter [tilespmem:s18], [sflag:$0x4], $0x80, $0x38;
	[tilespmem:$0x18C00] =	vst v63  }
0x20b: {  	s31 =	sadd.s32 $0x60, s0;
	s26 =	simm.s32 $0x2200;
	s18 =	sadd.s32 $0x1000, s0  }
0x20c: {  	[hbm4b:s31+s2] =	stream.linear.scatter [tilespmem:s30], [sflag:$0x4], $0x80, $0x38;
	[tilespmem:$0x18C00] =	vst v63  }
.LBB2_15:
0x20d: {  	[hbm4b:s29+s2] =	stream.linear.scatter [tilespmem:s28], [sflag:$0x4], $0x80, $0x38;
	[tilespmem:$0x18C00] =	vst v63  }
0x20e: {  	s0 =	smov.u32 s10;
	s10 =	smov.u32 s26  }
0x20f: {  	s30 =	sadd.s32 $0x1100, s26;
	s10 =	sshra.s32 s10, $0x2;
	s28 =	sadd.s32 $0x14800, s0  }
0x210: {  	[hbm4b:s18+s2] =	stream.linear.scatter [tilespmem:s28], [sflag:$0x4], $0x80, $0x38;
	[tilespmem:$0x18C00] =	vst v63  }
0x211: {  	p0 =	sne.s32 s26, $0x7700;
	s26 =	sadd.s32 $0x14888, s0;
	s28 =	sadd.s32 $0x10, s18  }
0x212: {  	[hbm4b:s28+s2] =	stream.linear.scatter [tilespmem:s26], [sflag:$0x4], $0x80, $0x38;
	[tilespmem:$0x18C00] =	vst v63  }
0x213: {  	s26 =	sadd.s32 $0x14910, s0;
	s28 =	sadd.s32 $0x20, s18  }
0x214: {  	[hbm4b:s28+s2] =	stream.linear.scatter [tilespmem:s26], [sflag:$0x4], $0x80, $0x38;
	[tilespmem:$0x18C00] =	vst v63  }
0x215: {  	s26 =	sadd.s32 $0x14998, s0;
	s28 =	sadd.s32 $0x30, s18  }
0x216: {  	[hbm4b:s28+s2] =	stream.linear.scatter [tilespmem:s26], [sflag:$0x4], $0x80, $0x38;
	[tilespmem:$0x18C00] =	vst v63  }
0x217: {  	s26 =	sadd.s32 $0x14A20, s0;
	s28 =	sadd.s32 $0x40, s18  }
0x218: {  	[hbm4b:s28+s2] =	stream.linear.scatter [tilespmem:s26], [sflag:$0x4], $0x80, $0x38;
	[tilespmem:$0x18C00] =	vst v63  }
.Ltmp6:
0x219: {  	s26 =	sadd.s32 $0x14AA8, s0;
	s28 =	sadd.s32 $0x50, s18;
	(pc) =	sbr.rel @p0 .LBB2_15-.Ltmp6, $4  }
0x21a: {  	[hbm4b:s28+s2] =	stream.linear.scatter [tilespmem:s26], [sflag:$0x4], $0x80, $0x38;
	[tilespmem:$0x18C00] =	vst v63  }
0x21b: {  	s29 =	sadd.s32 $0x70, s18;
	s26 =	sadd.s32 $0x14B30, s0;
	s28 =	sadd.s32 $0x60, s18  }
0x21c: {  	[hbm4b:s28+s2] =	stream.linear.scatter [tilespmem:s26], [sflag:$0x4], $0x80, $0x38;
	[tilespmem:$0x18C00] =	vst v63  }
0x21d: {  	s18 =	sadd.s32 $0x1000, s18;
	s28 =	sadd.s32 $0x14BB8, s0;
	s26 =	smov.u32 s30  }
0x21e: {  	[hbm4b:s29+s2] =	stream.linear.scatter [tilespmem:s28], [sflag:$0x4], $0x80, $0x38;
	[tilespmem:$0x18C00] =	vst v63  }
0x21f: {  	s0 =	sadd.s32 $0x14800, s10  }
0x220: {  	[hbm4b:s18+s2] =	stream.linear.scatter [tilespmem:s0], [sflag:$0x4], $0x80, $0x38;
	[tilespmem:$0x18C00] =	vst v63  }
0x221: {  	s29 =	sadd.s32 $0x14888, s10;
	s26 =	sadd.s32 $0x10, s18  }
0x222: {  	[hbm4b:s26+s2] =	stream.linear.scatter [tilespmem:s29], [sflag:$0x4], $0x80, $0x38;
	[tilespmem:$0x18C00] =	vst v63  }
0x223: {  	s30 =	sadd.s32 $0x14910, s10;
	s31 =	sadd.s32 $0x20, s18  }
0x224: {  	[hbm4b:s31+s2] =	stream.linear.scatter [tilespmem:s30], [sflag:$0x4], $0x80, $0x38;
	[tilespmem:$0x18C00] =	vst v63  }
0x225: {  	s26 =	sadd.s32 $0x14998, s10;
	s29 =	sadd.s32 $0x30, s18  }
0x226: {  	[hbm4b:s29+s2] =	stream.linear.scatter [tilespmem:s26], [sflag:$0x4], $0x80, $0x38;
	[tilespmem:$0x18C00] =	vst v63  }
0x227: {  	s30 =	sadd.s32 $0x14A20, s10;
	s31 =	sadd.s32 $0x40, s18  }
0x228: {  	[hbm4b:s31+s2] =	stream.linear.scatter [tilespmem:s30], [sflag:$0x4], $0x80, $0x38;
	[tilespmem:$0x18C00] =	vst v63  }
0x229: {  	s26 =	sadd.s32 $0x14AA8, s10;
	s29 =	sadd.s32 $0x50, s18  }
0x22a: {  	[hbm4b:s29+s2] =	stream.linear.scatter [tilespmem:s26], [sflag:$0x4], $0x80, $0x38;
	[tilespmem:$0x18C00] =	vst v63  }
0x22b: {  	s30 =	sadd.s32 $0x14B30, s10;
	s31 =	sadd.s32 $0x60, s18  }
0x22c: {  	[hbm4b:s31+s2] =	stream.linear.scatter [tilespmem:s30], [sflag:$0x4], $0x80, $0x38;
	[tilespmem:$0x18C00] =	vst v63  }
0x22d: {  	s29 =	sadd.s32 $0x14BB8, s10;
	s30 =	sadd.s32 $0x70, s18  }
0x22e: {  	[hbm4b:s30+s2] =	stream.linear.scatter [tilespmem:s29], [sflag:$0x4], $0x80, $0x38;
	[tilespmem:$0x18C00] =	vst v63  }
0x22f: {  	s0 =	sadd.s32 s9, s13;
	s31 =	simm.s32 $0x16A00  }
0x230: {  	[hbm4b:s0+s2] =	stream.linear.scatter [tilespmem:s31], [sflag:$0x4], $0x80, $0x38;
	[tilespmem:$0x18C00] =	vst v63  }
0x231: {  	s10 =	simm.s32 $0x16A88;
	s18 =	sadd.s32 $0x10, s0  }
0x232: {  	[hbm4b:s18+s2] =	stream.linear.scatter [tilespmem:s10], [sflag:$0x4], $0x80, $0x38;
	[tilespmem:$0x18C00] =	vst v63  }
0x233: {  	s9 =	simm.s32 $0x440;
	s26 =	simm.s32 $0x16B10;
	s29 =	sadd.s32 $0x20, s0  }
0x234: {  	[hbm4b:s29+s2] =	stream.linear.scatter [tilespmem:s26], [sflag:$0x4], $0x80, $0x38;
	[tilespmem:$0x18C00] =	vst v63  }
0x235: {  	s28 =	sadd.s32 $0x70, s0;
	s30 =	simm.s32 $0x16B98;
	s31 =	sadd.s32 $0x30, s0  }
0x236: {  	[hbm4b:s31+s2] =	stream.linear.scatter [tilespmem:s30], [sflag:$0x4], $0x80, $0x38;
	[tilespmem:$0x18C00] =	vst v63  }
0x237: {  	s10 =	simm.s32 $0x16C20;
	s18 =	sadd.s32 $0x40, s0;
	s26 =	simm.s32 $0x16CA8  }
0x238: {  	[hbm4b:s18+s2] =	stream.linear.scatter [tilespmem:s10], [sflag:$0x4], $0x80, $0x38;
	[tilespmem:$0x18C00] =	vst v63  }
0x239: {  	s29 =	sadd.s32 $0x50, s0;
	s30 =	simm.s32 $0x16D30;
	s31 =	sadd.s32 $0x60, s0  }
0x23a: {  	[hbm4b:s29+s2] =	stream.linear.scatter [tilespmem:s26], [sflag:$0x4], $0x80, $0x38;
	[tilespmem:$0x18C00] =	vst v63  }
0x23b: {  	s18 =	simm.s32 $0x2200;
	s10 =	sadd.s32 $0x1000, s0;
	s26 =	simm.s32 $0x16DB8  }
0x23c: {  	[hbm4b:s31+s2] =	stream.linear.scatter [tilespmem:s30], [sflag:$0x4], $0x80, $0x38;
	[tilespmem:$0x18C00] =	vst v63  }
.LBB2_17:
0x23d: {  	[hbm4b:s28+s2] =	stream.linear.scatter [tilespmem:s26], [sflag:$0x4], $0x80, $0x38;
	[tilespmem:$0x18C00] =	vst v63  }
0x23e: {  	s0 =	smov.u32 s9;
	s9 =	smov.u32 s18  }
0x23f: {  	s29 =	sadd.s32 $0x1100, s18;
	s9 =	sshra.s32 s9, $0x2;
	s26 =	sadd.s32 $0x16A00, s0  }
0x240: {  	[hbm4b:s10+s2] =	stream.linear.scatter [tilespmem:s26], [sflag:$0x4], $0x80, $0x38;
	[tilespmem:$0x18C00] =	vst v63  }
0x241: {  	p0 =	sne.s32 s18, $0x7700;
	s18 =	sadd.s32 $0x16A88, s0;
	s26 =	sadd.s32 $0x10, s10  }
0x242: {  	[hbm4b:s26+s2] =	stream.linear.scatter [tilespmem:s18], [sflag:$0x4], $0x80, $0x38;
	[tilespmem:$0x18C00] =	vst v63  }
0x243: {  	s18 =	sadd.s32 $0x16B10, s0;
	s26 =	sadd.s32 $0x20, s10  }
0x244: {  	[hbm4b:s26+s2] =	stream.linear.scatter [tilespmem:s18], [sflag:$0x4], $0x80, $0x38;
	[tilespmem:$0x18C00] =	vst v63  }
0x245: {  	s18 =	sadd.s32 $0x16B98, s0;
	s26 =	sadd.s32 $0x30, s10  }
0x246: {  	[hbm4b:s26+s2] =	stream.linear.scatter [tilespmem:s18], [sflag:$0x4], $0x80, $0x38;
	[tilespmem:$0x18C00] =	vst v63  }
0x247: {  	s18 =	sadd.s32 $0x16C20, s0;
	s26 =	sadd.s32 $0x40, s10  }
0x248: {  	[hbm4b:s26+s2] =	stream.linear.scatter [tilespmem:s18], [sflag:$0x4], $0x80, $0x38;
	[tilespmem:$0x18C00] =	vst v63  }
.Ltmp7:
0x249: {  	s18 =	sadd.s32 $0x16CA8, s0;
	s26 =	sadd.s32 $0x50, s10;
	(pc) =	sbr.rel @p0 .LBB2_17-.Ltmp7, $4  }
0x24a: {  	[hbm4b:s26+s2] =	stream.linear.scatter [tilespmem:s18], [sflag:$0x4], $0x80, $0x38;
	[tilespmem:$0x18C00] =	vst v63  }
0x24b: {  	s28 =	sadd.s32 $0x70, s10;
	s18 =	sadd.s32 $0x16D30, s0;
	s26 =	sadd.s32 $0x60, s10  }
0x24c: {  	[hbm4b:s26+s2] =	stream.linear.scatter [tilespmem:s18], [sflag:$0x4], $0x80, $0x38;
	[tilespmem:$0x18C00] =	vst v63  }
0x24d: {  	s10 =	sadd.s32 $0x1000, s10;
	s26 =	sadd.s32 $0x16DB8, s0;
	s18 =	smov.u32 s29  }
0x24e: {  	[hbm4b:s28+s2] =	stream.linear.scatter [tilespmem:s26], [sflag:$0x4], $0x80, $0x38;
	[tilespmem:$0x18C00] =	vst v63  }
0x24f: {  	s0 =	sadd.s32 $0x16A00, s9  }
0x250: {  	[hbm4b:s10+s2] =	stream.linear.scatter [tilespmem:s0], [sflag:$0x4], $0x80, $0x38;
	[tilespmem:$0x18C00] =	vst v63  }
0x251: {  	s31 =	sadd.s32 $0x16A88, s9;
	s18 =	sadd.s32 $0x10, s10  }
0x252: {  	[hbm4b:s18+s2] =	stream.linear.scatter [tilespmem:s31], [sflag:$0x4], $0x80, $0x38;
	[tilespmem:$0x18C00] =	vst v63  }
0x253: {  	s26 =	sadd.s32 $0x20, s10;
	s18 =	sadd.s32 $0x16B10, s9  }
0x254: {  	[hbm4b:s26+s2] =	stream.linear.scatter [tilespmem:s18], [sflag:$0x4], $0x80, $0x38;
	[tilespmem:$0x18C00] =	vst v63  }
0x255: {  	s28 =	sadd.s32 $0x16B98, s9;
	s29 =	sadd.s32 $0x30, s10  }
0x256: {  	[hbm4b:s29+s2] =	stream.linear.scatter [tilespmem:s28], [sflag:$0x4], $0x80, $0x38;
	[tilespmem:$0x18C00] =	vst v63  }
0x257: {  	s30 =	sadd.s32 $0x16C20, s9;
	s14 =	sadd.s32 $0x1, s14;
	s31 =	sadd.s32 $0x40, s10  }
0x258: {  	[hbm4b:s31+s2] =	stream.linear.scatter [tilespmem:s30], [sflag:$0x4], $0x80, $0x38;
	[tilespmem:$0x18C00] =	vst v63  }
0x259: {  	p0 =	sne.s32 s14, $0x32;
	s18 =	sadd.s32 $0x16CA8, s9;
	s26 =	sadd.s32 $0x50, s10  }
0x25a: {  	[hbm4b:s26+s2] =	stream.linear.scatter [tilespmem:s18], [sflag:$0x4], $0x80, $0x38;
	[tilespmem:$0x18C00] =	vst v63  }
.Ltmp8:
0x25b: {  	_ = 	snop;
	(pc) =	sbr.rel @p0 .LBB2_2-.Ltmp8, $4  }
0x25c: {  	s28 =	sadd.s32 $0x16D30, s9;
	s29 =	sadd.s32 $0x60, s10  }
0x25d: {  	[hbm4b:s29+s2] =	stream.linear.scatter [tilespmem:s28], [sflag:$0x4], $0x80, $0x38;
	[tilespmem:$0x18C00] =	vst v63  }
0x25e: {  	s30 =	sadd.s32 $0x16DB8, s9;
	s31 =	sadd.s32 $0x70, s10  }
0x25f: {  	[hbm4b:s31+s2] =	stream.linear.scatter [tilespmem:s30], [sflag:$0x4], $0x80, $0x38;
	[tilespmem:$0x18C00] =	vst v63  }
0x260: {  	s0 =	simm.s32 $0x3  }
0x261: {  	_ =	swait.ge [sflag:s0], $0x2000  }
0x262: {  	[sflag:s0] =	ssyncset.done $0x0  }
0x263: {  	s9 =	simm.s32 $0x4;
	[sflag:s0] =	ssyncadd.s32 $0xFFFFE000  }
0x264: {  	_ =	swait.ge [sflag:s9], $0x2000  }
0x265: {  	[sflag:s9] =	ssyncset.done $0x0  }
0x266: {  	[sflag:s9] =	ssyncadd.s32 $0xFFFFE000  }
0x267: {  	_ =	swait.ge [sflag:s0], $0x2000  }
0x268: {  	[sflag:s0] =	ssyncset.done $0x0  }
0x269: {  	[sflag:s0] =	ssyncadd.s32 $0xFFFFE000  }
0x26a: {  	_ =	swait.ge [sflag:s9], $0x2000  }
0x26b: {  	s10 =	rddreg [dreg:$0x6]  }
0x26c: {  	s31 =	rddreg [dreg:$0x5];
	s10 =	sadd.s32 $0x1, s10  }
0x26d: {  	p0 =	sne.s32 s10, s31  }
.Ltmp9:
0x26e: {  	_ = 	snop;
	(pc) =	sbr.rel @p0 .LBB2_1-.Ltmp9, $3  }
0x26f: {  	_ =	sdelay $0x1  }
0x270: {  	[sflag:s9] =	ssyncset.done $0x0  }
0x271: {  	[sflag:s9] =	ssyncadd.s32 $0xFFFFE000  }
0x272: {  	_ =	sfence.sel $0x180000  }
0x273: {  	[bflag:$0x0] =	sbarrier.arrive $0xFFFF  }
0x274: {  	_ =	strace $0x90000047  }
0x275: {  	s0 =	stileid.u32;
	[bflag:$0x2] =	sbarrier.arrive $0xFFFF  }
0x276: {  	p0 =	sne.s32 s0, $0x0;
	s0 =	rddreg [dreg:$0x2]  }
0x277: {  	s0 =	sadd.s32 @!p0 $0x100000, s0  }
0x278: {  	[sflag:s0] =	ssyncadd.tile.s32 @!p0 $0x1;
	_ =	shalt  }
.Lfunc_end2:
_tile_overlayer_lowered:
.L_overlay_start_2:
0x279: {  	(tag) =	ssettag $0x2  }
0x27a: {  	s0 =	rddreg [dreg:$0x0];
	s2 =	stileid.u32  }
0x27b: {  	s1 =	rddreg [dreg:$0x1];
	p0 =	sne.s32 s2, $0x0  }
0x27c: {  	s3 =	rddreg [dreg:$0x2];
	[bflag:$0x3] =	sbarrier.arrive $0xFFFF;
	s2 =	simm.s32 @!p0 $0x1C05  }
0x27d: {  	[timem:s3], [sflag:s2] =	dma.local @!p0 [hbm:s0], s1  }
0x27e: {  	s0 =	simm.s32 @!p0 $0x5  }
0x27f: {  	_ =	swait.ge @!p0 [sflag:s0], s1  }
0x280: {  	s1 =	ssub.s32 @!p0 $0x0, s1;
	[sflag:s0] =	ssyncset.done @!p0 $0x0  }
0x281: {  	[sflag:s0] =	ssyncadd.s32 @!p0 s1  }
0x282: {  	[bflag:$0x3] =	sbarrier.arrive $0xFFFF  }
0x283: {  	_ =	shalt  }

</sc_bundles>
